<compile_context>
chip_gen: v7x
topology: tpu7x:2x2x1
jax: 0.10.2.dev20260603
libtpu: 0.0.44.dev20260713+nightly
codegen_flags: <defaults>
</compile_context>

<pallas_src>
import jax
import jax.numpy as jnp
from jax import lax
from jax.experimental import pallas as pl
from jax.experimental.pallas import tpu as pltpu
from jax.experimental.pallas import tpu_sc as plsc

N_USERS = 20000
N_ITEMS = 30000
N_NODES = N_USERS + N_ITEMS
K = 64
KH = 32

NC = 2
NS = 16

U = 128
UNITS = 6400
U_PER_TILE = UNITS // NS
U_CH = 50
N_CH = U_PER_TILE // U_CH
NB = 4
GRP = (2 * U_CH) // NB

ACC_ROWS = 50176
ZCH = 112
RO_CH = 125
NPT = N_NODES // NS


def _sc_mesh():
    return plsc.VectorSubcoreMesh(core_axis_name="c", subcore_axis_name="s",
                                  num_cores=NC, num_subcores=NS)


_SC_PARAMS = pltpu.CompilerParams(use_tc_tiling_on_sc=False,
                                  needs_layout_passes=False)


def _rsqrt16(d):
    i = plsc.bitcast(d, jnp.int32)
    magic = jnp.full((16,), 0x5F3759DF, jnp.int32)
    one = jnp.full((16,), 1, jnp.int32)
    y = plsc.bitcast(magic - lax.shift_right_logical(i, one), jnp.float32)
    for _ in range(3):
        y = y * (1.5 - 0.5 * d * y * y)
    return y


def _mega_body(ep_hbm, ego_hbm, out_hbm, xh0_hbm, xh1_hbm, xh2_hbm,
               rs_hbm, dinv_hbm, zsum_hbm,
               e0_v, e1_v, r0_v, r1_v, r2_v, r3_v, acc,
               sem0, sem1, sem2, sem3):
    h = lax.axis_index("c")
    s = lax.axis_index("s")
    rows = (r0_v, r1_v, r2_v, r3_v)
    sems = (sem0, sem1, sem2, sem3)

    def fill_r3(val):
        v = jnp.full((16,), val, jnp.float32)

        def fr(r, _):
            for c in range(KH // 16):
                r3_v[r, pl.ds(c * 16, 16)] = v
            return 0

        lax.fori_loop(0, U, fr, 0)

    fill_r3(0.0)

    def zcp(i, _):
        pltpu.sync_copy(r3_v.at[pl.ds(0, ZCH)],
                        acc.at[pl.ds(s * (ACC_ROWS // NS) + i * ZCH, ZCH)])
        return 0

    lax.fori_loop(0, ACC_ROWS // (NS * ZCH), zcp, 0)
    plsc.subcore_barrier()

    fill_r3(1.0)

    def deg_chunk(oc, _):
        u0 = s * U_PER_TILE + oc * U_CH
        pltpu.sync_copy(ep_hbm.at[0, pl.ds(u0, U_CH)], e0_v)
        pltpu.sync_copy(ep_hbm.at[1, pl.ds(u0, U_CH)], e1_v)

        def dfire(g, j):
            k = 2 * g + (j // 2)
            gdst = e1_v if j % 2 == 0 else e0_v
            pltpu.async_copy(r3_v, acc.at[gdst.at[k]], sems[j], add=True)

        def dwait(j):
            pltpu.make_async_copy(r3_v, acc.at[pl.ds(0, U)], sems[j]).wait()

        for j in range(NB):
            dfire(0, j)

        def dgrp(g, _):
            for j in range(NB):
                dwait(j)

                @pl.when(g < GRP - 1)
                def _():
                    dfire(g + 1, j)

            return 0

        lax.fori_loop(0, GRP, dgrp, 0)
        return 0

    lax.fori_loop(0, N_CH, deg_chunk, 0)
    plsc.subcore_barrier()

    fill_r3(0.0)

    def prep_chunk(i, _):
        r0 = s * NPT + i * RO_CH
        pltpu.sync_copy(acc.at[pl.ds(r0, RO_CH)], r1_v.at[pl.ds(0, RO_CH)])

        def prow(r, _):
            d = jnp.maximum(r1_v[r, pl.ds(0, 16)], 1.0)
            y = _rsqrt16(d)
            yy = y * y
            for c in range(KH // 16):
                r0_v[r, pl.ds(c * 16, 16)] = y
                r1_v[r, pl.ds(c * 16, 16)] = yy
            return 0

        lax.fori_loop(0, RO_CH, prow, 0)
        pltpu.sync_copy(r0_v.at[pl.ds(0, RO_CH)],
                        rs_hbm.at[h, pl.ds(r0, RO_CH)])
        pltpu.sync_copy(r1_v.at[pl.ds(0, RO_CH)],
                        dinv_hbm.at[h, pl.ds(r0, RO_CH)])
        pltpu.sync_copy(ego_hbm.at[pl.ds(r0, RO_CH), pl.ds(h * KH, KH)],
                        r2_v.at[pl.ds(0, RO_CH)])

        def mrow(r, _):
            for c in range(KH // 16):
                sl = pl.ds(c * 16, 16)
                r2_v[r, sl] = r2_v[r, sl] * r0_v[r, sl]
            return 0

        lax.fori_loop(0, RO_CH, mrow, 0)
        pltpu.sync_copy(r2_v.at[pl.ds(0, RO_CH)],
                        xh0_hbm.at[h, pl.ds(r0, RO_CH)])
        pltpu.sync_copy(r3_v.at[pl.ds(0, RO_CH)], acc.at[pl.ds(r0, RO_CH)])
        return 0

    lax.fori_loop(0, N_NODES // (NS * RO_CH), prep_chunk, 0)
    plsc.subcore_barrier()

    def scatter_phase(table_hbm):
        def chunk(oc, _):
            u0 = s * U_PER_TILE + oc * U_CH
            pltpu.sync_copy(ep_hbm.at[0, pl.ds(u0, U_CH)], e0_v)
            pltpu.sync_copy(ep_hbm.at[1, pl.ds(u0, U_CH)], e1_v)

            def fire(g, j):
                k = 2 * g + (j // 2)
                gsrc = e0_v if j % 2 == 0 else e1_v
                pltpu.async_copy(table_hbm.at[gsrc.at[k]], rows[j], sems[j])

            def scat(g, j):
                k = 2 * g + (j // 2)
                gdst = e1_v if j % 2 == 0 else e0_v
                pltpu.sync_copy(rows[j], acc.at[gdst.at[k]], add=True)

            for j in range(NB):
                fire(0, j)

            def grp(g, _):
                for j in range(NB):
                    pltpu.make_async_copy(
                        table_hbm.at[pl.ds(0, U)], rows[j], sems[j]
                    ).wait()
                    scat(g, j)

                    @pl.when(g < GRP - 1)
                    def _():
                        fire(g + 1, j)

                return 0

            lax.fori_loop(0, GRP, grp, 0)
            return 0

        lax.fori_loop(0, N_CH, chunk, 0)
        plsc.subcore_barrier()

    def readout_phase(out_tbl_hbm, first):
        fill_r3(0.0)

        def ro(i, _):
            r0 = s * NPT + i * RO_CH
            sl = pl.ds(0, RO_CH)
            pltpu.sync_copy(acc.at[pl.ds(r0, RO_CH)], r0_v.at[sl])
            if first:
                pltpu.sync_copy(r0_v.at[sl], zsum_hbm.at[h, pl.ds(r0, RO_CH)])
                pltpu.sync_copy(dinv_hbm.at[h, pl.ds(r0, RO_CH)], r1_v.at[sl])

                def mr(r, _):
                    for c in range(KH // 16):
                        cc = pl.ds(c * 16, 16)
                        r0_v[r, cc] = r0_v[r, cc] * r1_v[r, cc]
                    return 0

                lax.fori_loop(0, RO_CH, mr, 0)
            else:
                pltpu.sync_copy(zsum_hbm.at[h, pl.ds(r0, RO_CH)], r1_v.at[sl])
                pltpu.sync_copy(dinv_hbm.at[h, pl.ds(r0, RO_CH)], r2_v.at[sl])

                def mr(r, _):
                    for c in range(KH // 16):
                        cc = pl.ds(c * 16, 16)
                        z = r0_v[r, cc]
                        r1_v[r, cc] = r1_v[r, cc] + z
                        r0_v[r, cc] = z * r2_v[r, cc]
                    return 0

                lax.fori_loop(0, RO_CH, mr, 0)
                pltpu.sync_copy(r1_v.at[sl], zsum_hbm.at[h, pl.ds(r0, RO_CH)])
            pltpu.sync_copy(r0_v.at[sl], out_tbl_hbm.at[h, pl.ds(r0, RO_CH)])
            pltpu.sync_copy(r3_v.at[sl], acc.at[pl.ds(r0, RO_CH)])
            return 0

        lax.fori_loop(0, N_NODES // (NS * RO_CH), ro, 0)
        plsc.subcore_barrier()

    scatter_phase(xh0_hbm.at[h])
    readout_phase(xh1_hbm, first=True)
    scatter_phase(xh1_hbm.at[h])
    readout_phase(xh2_hbm, first=False)
    scatter_phase(xh2_hbm.at[h])

    def fin(i, _):
        r0 = s * NPT + i * RO_CH
        sl = pl.ds(0, RO_CH)
        pltpu.sync_copy(acc.at[pl.ds(r0, RO_CH)], r0_v.at[sl])
        pltpu.sync_copy(zsum_hbm.at[h, pl.ds(r0, RO_CH)], r1_v.at[sl])
        pltpu.sync_copy(rs_hbm.at[h, pl.ds(r0, RO_CH)], r2_v.at[sl])
        pltpu.sync_copy(ego_hbm.at[pl.ds(r0, RO_CH), pl.ds(h * KH, KH)],
                        r3_v.at[sl])

        def fr(r, _):
            for c in range(KH // 16):
                cc = pl.ds(c * 16, 16)
                r1_v[r, cc] = (r3_v[r, cc]
                               + (r1_v[r, cc] + r0_v[r, cc]) * r2_v[r, cc]
                               ) * 0.25
            return 0

        lax.fori_loop(0, RO_CH, fr, 0)
        pltpu.sync_copy(r1_v.at[sl],
                        out_hbm.at[pl.ds(r0, RO_CH), pl.ds(h * KH, KH)])
        return 0

    lax.fori_loop(0, N_NODES // (NS * RO_CH), fin, 0)


_mega_call = pl.kernel(
    _mega_body,
    out_type=(
        jax.ShapeDtypeStruct((N_NODES, K), jnp.float32),
        jax.ShapeDtypeStruct((NC, ACC_ROWS, KH), jnp.float32),
        jax.ShapeDtypeStruct((NC, ACC_ROWS, KH), jnp.float32),
        jax.ShapeDtypeStruct((NC, ACC_ROWS, KH), jnp.float32),
        jax.ShapeDtypeStruct((NC, N_NODES, KH), jnp.float32),
        jax.ShapeDtypeStruct((NC, N_NODES, KH), jnp.float32),
        jax.ShapeDtypeStruct((NC, N_NODES, KH), jnp.float32),
    ),
    mesh=_sc_mesh(),
    scratch_types=[
        pltpu.VMEM((U_CH, U), jnp.int32),
        pltpu.VMEM((U_CH, U), jnp.int32),
        pltpu.VMEM((U, KH), jnp.float32),
        pltpu.VMEM((U, KH), jnp.float32),
        pltpu.VMEM((U, KH), jnp.float32),
        pltpu.VMEM((U, KH), jnp.float32),
        pltpu.VMEM_SHARED((ACC_ROWS, KH), jnp.float32),
        pltpu.SemaphoreType.DMA,
        pltpu.SemaphoreType.DMA,
        pltpu.SemaphoreType.DMA,
        pltpu.SemaphoreType.DMA,
    ],
    compiler_params=_SC_PARAMS,
)


def kernel(edge_index, Gu, Gi):
    e0 = edge_index[0].astype(jnp.int32)
    e1 = edge_index[1].astype(jnp.int32)
    npad = UNITS * U - e0.shape[0]
    ar = jnp.arange(npad, dtype=jnp.int32)
    pe0 = jnp.concatenate([e0, N_NODES + (ar % 64)])
    pe1 = jnp.concatenate([e1, N_NODES + 64 + (ar % 64)])
    ep = jnp.stack([pe0, pe1]).reshape(2, UNITS, U)
    ego = jnp.concatenate([Gu, Gi], axis=0)

    out = _mega_call(ep, ego)[0]
    return out[:N_USERS], out[N_USERS:]

# --- scband reference (transcript-rebuilt; emitter-appended) ---
"""Pipeline reference for scband-dgcfmodel-78623671320992 (READ-ONLY COPY).

The authoritative reference and input builder live on the scoring server;
editing this copy changes nothing except your own understanding.
"""

import jax, jax.numpy as jnp
import numpy as np

NUM_USERS = 20000
NUM_ITEMS = 30000
N_NODES = NUM_USERS + NUM_ITEMS
EMBED_K = 64
N_LAYERS = 3
N_EDGES = 800000


def setup_inputs(seed: int = 0) -> dict:
    key = jax.random.key(seed)
    k1, k2, k3 = jax.random.split(key, 3)
    edge_index = jax.random.randint(k1, (2, N_EDGES), 0, N_NODES)
    # xavier_normal init for Gu and Gi (gain=1)
    std_u = float(np.sqrt(2.0 / (NUM_USERS + EMBED_K)))
    std_i = float(np.sqrt(2.0 / (NUM_ITEMS + EMBED_K)))
    Gu = jax.random.normal(k2, (NUM_USERS, EMBED_K), dtype=jnp.float32) * std_u
    Gi = jax.random.normal(k3, (NUM_ITEMS, EMBED_K), dtype=jnp.float32) * std_i
    return {"edge_index": edge_index, "Gu": Gu, "Gi": Gi}


def _dgcf_layer(x, src, dst, n_nodes):
    # symmetric-normalized sum aggregation (message passing, aggr='add')
    deg = jnp.zeros((n_nodes,), dtype=x.dtype).at[dst].add(1.0)
    deg = jnp.clip(deg, 1.0, None)
    norm = jax.lax.rsqrt(deg[src]) * jax.lax.rsqrt(deg[dst])
    msgs = jnp.take(x, src, axis=0) * norm[:, None]
    return jnp.zeros_like(x).at[dst].add(msgs)


def reference(edge_index, Gu, Gi):
    # make bipartite interaction graph undirected (user->item and item->user)
    src = jnp.concatenate([edge_index[0], edge_index[1]], axis=0)
    dst = jnp.concatenate([edge_index[1], edge_index[0]], axis=0)
    ego = jnp.concatenate([Gu, Gi], axis=0)
    all_emb = [ego]
    x = ego
    for _ in range(N_LAYERS):
        x = _dgcf_layer(x, src, dst, N_NODES)
        all_emb.append(x)
    final = jnp.mean(jnp.stack(all_emb, axis=0), axis=0)
    gu = final[:NUM_USERS]
    gi = final[NUM_USERS:]
    return gu, gi

if __name__ == "__main__":
    import jax
    _d = setup_inputs()
    print(jax.jit(kernel)(*tuple(_d.values())))

</pallas_src>

<mosaic_0001>
#map = affine_map<(d0, d1) -> (0, 0, 0)>
#map1 = affine_map<(d0, d1) -> (0, 0)>
module attributes {stable_mosaic.version = 14 : i64} {
  func.func @_mega_body(%arg0: i32, %arg1: i32, %arg2: memref<2x6400x128xi32, #tpu.memory_space<hbm>>, %arg3: memref<50000x64xf32, #tpu.memory_space<hbm>>, %arg4: memref<50000x64xf32, #tpu.memory_space<hbm>>, %arg5: memref<2x50176x32xf32, #tpu.memory_space<hbm>>, %arg6: memref<2x50176x32xf32, #tpu.memory_space<hbm>>, %arg7: memref<2x50176x32xf32, #tpu.memory_space<hbm>>, %arg8: memref<2x50000x32xf32, #tpu.memory_space<hbm>>, %arg9: memref<2x50000x32xf32, #tpu.memory_space<hbm>>, %arg10: memref<2x50000x32xf32, #tpu.memory_space<hbm>>, %arg11: memref<50x128xi32, #tpu.memory_space<vmem>>, %arg12: memref<50x128xi32, #tpu.memory_space<vmem>>, %arg13: memref<128x32xf32, #tpu.memory_space<vmem>>, %arg14: memref<128x32xf32, #tpu.memory_space<vmem>>, %arg15: memref<128x32xf32, #tpu.memory_space<vmem>>, %arg16: memref<128x32xf32, #tpu.memory_space<vmem>>, %arg17: memref<50176x32xf32, #tpu.memory_space<vmem_shared>>, %arg18: memref<!tpu.dma_semaphore, #tpu.memory_space<semaphore_mem>>, %arg19: memref<!tpu.dma_semaphore, #tpu.memory_space<semaphore_mem>>, %arg20: memref<!tpu.dma_semaphore, #tpu.memory_space<semaphore_mem>>, %arg21: memref<!tpu.dma_semaphore, #tpu.memory_space<semaphore_mem>>) attributes {dimension_semantics = [#tpu.dimension_semantics<core_parallel>, #tpu.dimension_semantics<subcore_parallel>], iteration_bounds = array<i64: 2, 16>, scalar_prefetch = 0 : i64, scratch_operands = 11 : i64, tpu.core_type = #tpu.core_type<sc_vector_subcore>, window_params = [{transform_indices = #map}, {transform_indices = #map1}, {transform_indices = #map1}, {transform_indices = #map}, {transform_indices = #map}, {transform_indices = #map}, {transform_indices = #map}, {transform_indices = #map}, {transform_indices = #map}]} {
    %broadcast_in_dim3A = arith.constant 0.000000e+00 : f32
    %broadcast_in_dim3A_0 = vector.broadcast %broadcast_in_dim3A : f32 to vector<16xf32>
    %scan3A = arith.constant 0 : i32
    %scan3A_1 = arith.constant 0 : i32
    %scan3A_2 = arith.constant 128 : i32
    %scan3A_3 = arith.addi %scan3A_1, %scan3A_2 : i32
    %scan3A_4 = arith.constant 1 : i32
    %scan3A_5 = scf.for %scan3A_113 = %scan3A_1 to %scan3A_3 step %scan3A_4 iter_args(%scan3A_114 = %scan3A) -> (i32)  : i32 {
      %swap3A = arith.index_cast %scan3A_113 : i32 to index
      %swap3A_115 = arith.constant 0 : index
      %swap3A_116 = tpu.vector_load %arg16[%swap3A, %swap3A_115] {strides = array<i32>} : memref<128x32xf32, #tpu.memory_space<vmem>>, vector<16xf32>,
      tpu.vector_store %arg16[%swap3A, %swap3A_115], %broadcast_in_dim3A_0 {strides = array<i32>} : memref<128x32xf32, #tpu.memory_space<vmem>>, vector<16xf32>,
      %swap3A_117 = arith.index_cast %scan3A_113 : i32 to index
      %swap3A_118 = arith.constant 16 : index
      %swap3A_119 = tpu.vector_load %arg16[%swap3A_117, %swap3A_118] {strides = array<i32>} : memref<128x32xf32, #tpu.memory_space<vmem>>, vector<16xf32>,
      tpu.vector_store %arg16[%swap3A_117, %swap3A_118], %broadcast_in_dim3A_0 {strides = array<i32>} : memref<128x32xf32, #tpu.memory_space<vmem>>, vector<16xf32>,
      %scan3A_120 = arith.constant 0 : i32
      scf.yield %scan3A_120 : i32
    }
    %scan3A_6 = arith.constant 128 : i32
    %scan3A_7 = arith.constant 0 : i32
    %scan3A_8 = arith.constant 0 : i32
    %scan3A_9 = arith.constant 28 : i32
    %scan3A_10 = arith.addi %scan3A_8, %scan3A_9 : i32
    %scan3A_11 = arith.constant 1 : i32
    %scan3A_12 = scf.for %scan3A_113 = %scan3A_8 to %scan3A_10 step %scan3A_11 iter_args(%scan3A_114 = %scan3A_7) -> (i32)  : i32 {
      %mul3A = arith.constant 3136 : i32
      %mul3A_115 = arith.muli %arg1, %mul3A : i32
      %mul3A_116 = arith.constant 112 : i32
      %mul3A_117 = arith.muli %scan3A_113, %mul3A_116 : i32
      %add3A = arith.addi %mul3A_115, %mul3A_117 : i32
      "tpu.region"() ({
        %run_scoped3A = tpu.sem_alloc : memref<!tpu.dma_semaphore, #tpu.memory_space<semaphore_mem>>
        %dma_start3A = arith.constant 0 : i32
        %dma_start3A_119 = arith.constant 0 : i32
        %dma_start3A_120 = tpu.memref_slice %arg16[%dma_start3A, %dma_start3A_119] : memref<128x32xf32, #tpu.memory_space<vmem>> -> memref<112x32xf32, #tpu.memory_space<vmem>>
        %dma_start3A_121 = arith.constant 0 : i32
        %dma_start3A_122 = tpu.memref_slice %arg17[%add3A, %dma_start3A_121] : memref<50176x32xf32, #tpu.memory_space<vmem_shared>> -> memref<112x32xf32, #tpu.memory_space<vmem_shared>>
        %dma_start3A_123 = arith.constant 0 : i32
        %dma_start3A_124 = tpu.memref_slice %arg17[%add3A, %dma_start3A_123] : memref<50176x32xf32, #tpu.memory_space<vmem_shared>> -> memref<112x32xf32, #tpu.memory_space<vmem_shared>>
        %dma_start3A_125 = arith.constant 0 : i32
        %dma_start3A_126 = arith.constant 0 : i32
        %dma_start3A_127 = tpu.memref_slice %arg16[%dma_start3A_125, %dma_start3A_126] : memref<128x32xf32, #tpu.memory_space<vmem>> -> memref<112x32xf32, #tpu.memory_space<vmem>>
        tpu.enqueue_dma source(%dma_start3A_127 : memref<112x32xf32, #tpu.memory_space<vmem>>) target(%dma_start3A_124 : memref<112x32xf32, #tpu.memory_space<vmem_shared>>) target_semaphore(%run_scoped3A : memref<!tpu.dma_semaphore, #tpu.memory_space<semaphore_mem>>)
        %dma_wait3A = arith.constant 0 : i32
        %dma_wait3A_128 = arith.constant 0 : i32
        %dma_wait3A_129 = tpu.memref_slice %arg16[%dma_wait3A, %dma_wait3A_128] : memref<128x32xf32, #tpu.memory_space<vmem>> -> memref<112x32xf32, #tpu.memory_space<vmem>>
        %dma_wait3A_130 = arith.constant 0 : i32
        %dma_wait3A_131 = tpu.memref_slice %arg17[%add3A, %dma_wait3A_130] : memref<50176x32xf32, #tpu.memory_space<vmem_shared>> -> memref<112x32xf32, #tpu.memory_space<vmem_shared>>
        %dma_wait3A_132 = arith.constant 0 : i32
        %dma_wait3A_133 = tpu.memref_slice %arg17[%add3A, %dma_wait3A_132] : memref<50176x32xf32, #tpu.memory_space<vmem_shared>> -> memref<112x32xf32, #tpu.memory_space<vmem_shared>>
        %dma_wait3A_134 = arith.constant 0 : i32
        %dma_wait3A_135 = arith.constant 0 : i32
        %dma_wait3A_136 = tpu.memref_slice %arg16[%dma_wait3A_134, %dma_wait3A_135] : memref<128x32xf32, #tpu.memory_space<vmem>> -> memref<112x32xf32, #tpu.memory_space<vmem>>
        tpu.wait_dma2 semaphore(%run_scoped3A : memref<!tpu.dma_semaphore, #tpu.memory_space<semaphore_mem>>) src(%dma_wait3A_136 : memref<112x32xf32, #tpu.memory_space<vmem>>) dst(%dma_wait3A_133 : memref<112x32xf32, #tpu.memory_space<vmem_shared>>)
        tpu.yield
      }) : () -> ()
      %scan3A_118 = arith.constant 0 : i32
      scf.yield %scan3A_118 : i32
    }
    %scan3A_13 = arith.constant 28 : i32
    %barrier3A = arith.constant 0 : index
    tpu.barrier barrier_id(%barrier3A)
    %broadcast_in_dim3A_14 = arith.constant 1.000000e+00 : f32
    %broadcast_in_dim3A_15 = vector.broadcast %broadcast_in_dim3A_14 : f32 to vector<16xf32>
    %scan3A_16 = arith.constant 0 : i32
    %scan3A_17 = arith.constant 0 : i32
    %scan3A_18 = arith.constant 128 : i32
    %scan3A_19 = arith.addi %scan3A_17, %scan3A_18 : i32
    %scan3A_20 = arith.constant 1 : i32
    %scan3A_21 = scf.for %scan3A_113 = %scan3A_17 to %scan3A_19 step %scan3A_20 iter_args(%scan3A_114 = %scan3A_16) -> (i32)  : i32 {
      %swap3A = arith.index_cast %scan3A_113 : i32 to index
      %swap3A_115 = arith.constant 0 : index
      %swap3A_116 = tpu.vector_load %arg16[%swap3A, %swap3A_115] {strides = array<i32>} : memref<128x32xf32, #tpu.memory_space<vmem>>, vector<16xf32>,
      tpu.vector_store %arg16[%swap3A, %swap3A_115], %broadcast_in_dim3A_15 {strides = array<i32>} : memref<128x32xf32, #tpu.memory_space<vmem>>, vector<16xf32>,
      %swap3A_117 = arith.index_cast %scan3A_113 : i32 to index
      %swap3A_118 = arith.constant 16 : index
      %swap3A_119 = tpu.vector_load %arg16[%swap3A_117, %swap3A_118] {strides = array<i32>} : memref<128x32xf32, #tpu.memory_space<vmem>>, vector<16xf32>,
      tpu.vector_store %arg16[%swap3A_117, %swap3A_118], %broadcast_in_dim3A_15 {strides = array<i32>} : memref<128x32xf32, #tpu.memory_space<vmem>>, vector<16xf32>,
      %scan3A_120 = arith.constant 0 : i32
      scf.yield %scan3A_120 : i32
    }
    %scan3A_22 = arith.constant 128 : i32
    %scan3A_23 = arith.constant 0 : i32
    %scan3A_24 = arith.constant 0 : i32
    %scan3A_25 = arith.constant 8 : i32
    %scan3A_26 = arith.addi %scan3A_24, %scan3A_25 : i32
    %scan3A_27 = arith.constant 1 : i32
    %scan3A_28 = scf.for %scan3A_113 = %scan3A_24 to %scan3A_26 step %scan3A_27 iter_args(%scan3A_114 = %scan3A_23) -> (i32)  : i32 {
      %mul3A = arith.constant 400 : i32
      %mul3A_115 = arith.muli %arg1, %mul3A : i32
      %mul3A_116 = arith.constant 50 : i32
      %mul3A_117 = arith.muli %scan3A_113, %mul3A_116 : i32
      %add3A = arith.addi %mul3A_115, %mul3A_117 : i32
      %run_scoped3A = arith.constant 0 : i32
      "tpu.region"() ({
        %run_scoped3A_154 = tpu.sem_alloc : memref<!tpu.dma_semaphore, #tpu.memory_space<semaphore_mem>>
        %dma_start3A_155 = arith.constant 0 : i32
        %dma_start3A_156 = tpu.memref_slice %arg2[%run_scoped3A, %add3A, %dma_start3A_155] : memref<2x6400x128xi32, #tpu.memory_space<hbm>> -> memref<1x50x128xi32, #tpu.memory_space<hbm>>
        %dma_start3A_157 = tpu.memref_squeeze %dma_start3A_156 : memref<1x50x128xi32, #tpu.memory_space<hbm>> -> memref<50x128xi32, #tpu.memory_space<hbm>>
        %dma_start3A_158 = arith.constant 0 : i32
        %dma_start3A_159 = tpu.memref_slice %arg2[%run_scoped3A, %add3A, %dma_start3A_158] : memref<2x6400x128xi32, #tpu.memory_space<hbm>> -> memref<1x50x128xi32, #tpu.memory_space<hbm>>
        %dma_start3A_160 = tpu.memref_squeeze %dma_start3A_159 : memref<1x50x128xi32, #tpu.memory_space<hbm>> -> memref<50x128xi32, #tpu.memory_space<hbm>>
        tpu.enqueue_dma source(%dma_start3A_160 : memref<50x128xi32, #tpu.memory_space<hbm>>) target(%arg11 : memref<50x128xi32, #tpu.memory_space<vmem>>) target_semaphore(%run_scoped3A_154 : memref<!tpu.dma_semaphore, #tpu.memory_space<semaphore_mem>>)
        %dma_wait3A = arith.constant 0 : i32
        %dma_wait3A_161 = tpu.memref_slice %arg2[%run_scoped3A, %add3A, %dma_wait3A] : memref<2x6400x128xi32, #tpu.memory_space<hbm>> -> memref<1x50x128xi32, #tpu.memory_space<hbm>>
        %dma_wait3A_162 = tpu.memref_squeeze %dma_wait3A_161 : memref<1x50x128xi32, #tpu.memory_space<hbm>> -> memref<50x128xi32, #tpu.memory_space<hbm>>
        %dma_wait3A_163 = arith.constant 0 : i32
        %dma_wait3A_164 = tpu.memref_slice %arg2[%run_scoped3A, %add3A, %dma_wait3A_163] : memref<2x6400x128xi32, #tpu.memory_space<hbm>> -> memref<1x50x128xi32, #tpu.memory_space<hbm>>
        %dma_wait3A_165 = tpu.memref_squeeze %dma_wait3A_164 : memref<1x50x128xi32, #tpu.memory_space<hbm>> -> memref<50x128xi32, #tpu.memory_space<hbm>>
        tpu.wait_dma2 semaphore(%run_scoped3A_154 : memref<!tpu.dma_semaphore, #tpu.memory_space<semaphore_mem>>) src(%dma_wait3A_165 : memref<50x128xi32, #tpu.memory_space<hbm>>) dst(%arg11 : memref<50x128xi32, #tpu.memory_space<vmem>>)
        tpu.yield
      }) : () -> ()
      %run_scoped3A_118 = arith.constant 1 : i32
      "tpu.region"() ({
        %run_scoped3A_154 = tpu.sem_alloc : memref<!tpu.dma_semaphore, #tpu.memory_space<semaphore_mem>>
        %dma_start3A_155 = arith.constant 0 : i32
        %dma_start3A_156 = tpu.memref_slice %arg2[%run_scoped3A_118, %add3A, %dma_start3A_155] : memref<2x6400x128xi32, #tpu.memory_space<hbm>> -> memref<1x50x128xi32, #tpu.memory_space<hbm>>
        %dma_start3A_157 = tpu.memref_squeeze %dma_start3A_156 : memref<1x50x128xi32, #tpu.memory_space<hbm>> -> memref<50x128xi32, #tpu.memory_space<hbm>>
        %dma_start3A_158 = arith.constant 0 : i32
        %dma_start3A_159 = tpu.memref_slice %arg2[%run_scoped3A_118, %add3A, %dma_start3A_158] : memref<2x6400x128xi32, #tpu.memory_space<hbm>> -> memref<1x50x128xi32, #tpu.memory_space<hbm>>
        %dma_start3A_160 = tpu.memref_squeeze %dma_start3A_159 : memref<1x50x128xi32, #tpu.memory_space<hbm>> -> memref<50x128xi32, #tpu.memory_space<hbm>>
        tpu.enqueue_dma source(%dma_start3A_160 : memref<50x128xi32, #tpu.memory_space<hbm>>) target(%arg12 : memref<50x128xi32, #tpu.memory_space<vmem>>) target_semaphore(%run_scoped3A_154 : memref<!tpu.dma_semaphore, #tpu.memory_space<semaphore_mem>>)
        %dma_wait3A = arith.constant 0 : i32
        %dma_wait3A_161 = tpu.memref_slice %arg2[%run_scoped3A_118, %add3A, %dma_wait3A] : memref<2x6400x128xi32, #tpu.memory_space<hbm>> -> memref<1x50x128xi32, #tpu.memory_space<hbm>>
        %dma_wait3A_162 = tpu.memref_squeeze %dma_wait3A_161 : memref<1x50x128xi32, #tpu.memory_space<hbm>> -> memref<50x128xi32, #tpu.memory_space<hbm>>
        %dma_wait3A_163 = arith.constant 0 : i32
        %dma_wait3A_164 = tpu.memref_slice %arg2[%run_scoped3A_118, %add3A, %dma_wait3A_163] : memref<2x6400x128xi32, #tpu.memory_space<hbm>> -> memref<1x50x128xi32, #tpu.memory_space<hbm>>
        %dma_wait3A_165 = tpu.memref_squeeze %dma_wait3A_164 : memref<1x50x128xi32, #tpu.memory_space<hbm>> -> memref<50x128xi32, #tpu.memory_space<hbm>>
        tpu.wait_dma2 semaphore(%run_scoped3A_154 : memref<!tpu.dma_semaphore, #tpu.memory_space<semaphore_mem>>) src(%dma_wait3A_165 : memref<50x128xi32, #tpu.memory_space<hbm>>) dst(%arg12 : memref<50x128xi32, #tpu.memory_space<vmem>>)
        tpu.yield
      }) : () -> ()
      %dma_start3A = arith.constant 0 : i32
      %dma_start3A_119 = arith.constant 0 : i32
      %dma_start3A_120 = tpu.memref_slice %arg12[%dma_start3A, %dma_start3A_119] : memref<50x128xi32, #tpu.memory_space<vmem>> -> memref<1x128xi32, #tpu.memory_space<vmem>>
      %dma_start3A_121 = tpu.memref_squeeze %dma_start3A_120 : memref<1x128xi32, #tpu.memory_space<vmem>> -> memref<128xi32, #tpu.memory_space<vmem>>
      %dma_start3A_122 = arith.constant 0 : i32
      %dma_start3A_123 = arith.constant 0 : i32
      %dma_start3A_124 = tpu.memref_slice %arg17[%dma_start3A_122, %dma_start3A_123] : memref<50176x32xf32, #tpu.memory_space<vmem_shared>> -> memref<50176x32xf32, #tpu.memory_space<vmem_shared>>
      tpu.enqueue_indirect_dma source(%arg16 : memref<128x32xf32, #tpu.memory_space<vmem>>) target(%dma_start3A_124 : memref<50176x32xf32, #tpu.memory_space<vmem_shared>>) offsets(%dma_start3A_121 : memref<128xi32, #tpu.memory_space<vmem>>) semaphore(%arg18 : memref<!tpu.dma_semaphore, #tpu.memory_space<semaphore_mem>>) {add = true}
      %dma_start3A_125 = arith.constant 0 : i32
      %dma_start3A_126 = arith.constant 0 : i32
      %dma_start3A_127 = tpu.memref_slice %arg11[%dma_start3A_125, %dma_start3A_126] : memref<50x128xi32, #tpu.memory_space<vmem>> -> memref<1x128xi32, #tpu.memory_space<vmem>>
      %dma_start3A_128 = tpu.memref_squeeze %dma_start3A_127 : memref<1x128xi32, #tpu.memory_space<vmem>> -> memref<128xi32, #tpu.memory_space<vmem>>
      %dma_start3A_129 = arith.constant 0 : i32
      %dma_start3A_130 = arith.constant 0 : i32
      %dma_start3A_131 = tpu.memref_slice %arg17[%dma_start3A_129, %dma_start3A_130] : memref<50176x32xf32, #tpu.memory_space<vmem_shared>> -> memref<50176x32xf32, #tpu.memory_space<vmem_shared>>
      tpu.enqueue_indirect_dma source(%arg16 : memref<128x32xf32, #tpu.memory_space<vmem>>) target(%dma_start3A_131 : memref<50176x32xf32, #tpu.memory_space<vmem_shared>>) offsets(%dma_start3A_128 : memref<128xi32, #tpu.memory_space<vmem>>) semaphore(%arg19 : memref<!tpu.dma_semaphore, #tpu.memory_space<semaphore_mem>>) {add = true}
      %dma_start3A_132 = arith.constant 1 : i32
      %dma_start3A_133 = arith.constant 0 : i32
      %dma_start3A_134 = tpu.memref_slice %arg12[%dma_start3A_132, %dma_start3A_133] : memref<50x128xi32, #tpu.memory_space<vmem>> -> memref<1x128xi32, #tpu.memory_space<vmem>>
      %dma_start3A_135 = tpu.memref_squeeze %dma_start3A_134 : memref<1x128xi32, #tpu.memory_space<vmem>> -> memref<128xi32, #tpu.memory_space<vmem>>
      %dma_start3A_136 = arith.constant 0 : i32
      %dma_start3A_137 = arith.constant 0 : i32
      %dma_start3A_138 = tpu.memref_slice %arg17[%dma_start3A_136, %dma_start3A_137] : memref<50176x32xf32, #tpu.memory_space<vmem_shared>> -> memref<50176x32xf32, #tpu.memory_space<vmem_shared>>
      tpu.enqueue_indirect_dma source(%arg16 : memref<128x32xf32, #tpu.memory_space<vmem>>) target(%dma_start3A_138 : memref<50176x32xf32, #tpu.memory_space<vmem_shared>>) offsets(%dma_start3A_135 : memref<128xi32, #tpu.memory_space<vmem>>) semaphore(%arg20 : memref<!tpu.dma_semaphore, #tpu.memory_space<semaphore_mem>>) {add = true}
      %dma_start3A_139 = arith.constant 1 : i32
      %dma_start3A_140 = arith.constant 0 : i32
      %dma_start3A_141 = tpu.memref_slice %arg11[%dma_start3A_139, %dma_start3A_140] : memref<50x128xi32, #tpu.memory_space<vmem>> -> memref<1x128xi32, #tpu.memory_space<vmem>>
      %dma_start3A_142 = tpu.memref_squeeze %dma_start3A_141 : memref<1x128xi32, #tpu.memory_space<vmem>> -> memref<128xi32, #tpu.memory_space<vmem>>
      %dma_start3A_143 = arith.constant 0 : i32
      %dma_start3A_144 = arith.constant 0 : i32
      %dma_start3A_145 = tpu.memref_slice %arg17[%dma_start3A_143, %dma_start3A_144] : memref<50176x32xf32, #tpu.memory_space<vmem_shared>> -> memref<50176x32xf32, #tpu.memory_space<vmem_shared>>
      tpu.enqueue_indirect_dma source(%arg16 : memref<128x32xf32, #tpu.memory_space<vmem>>) target(%dma_start3A_145 : memref<50176x32xf32, #tpu.memory_space<vmem_shared>>) offsets(%dma_start3A_142 : memref<128xi32, #tpu.memory_space<vmem>>) semaphore(%arg21 : memref<!tpu.dma_semaphore, #tpu.memory_space<semaphore_mem>>) {add = true}
      %scan3A_146 = arith.constant 0 : i32
      %scan3A_147 = arith.constant 0 : i32
      %scan3A_148 = arith.constant 25 : i32
      %scan3A_149 = arith.addi %scan3A_147, %scan3A_148 : i32
      %scan3A_150 = arith.constant 1 : i32
      %scan3A_151 = scf.for %scan3A_154 = %scan3A_147 to %scan3A_149 step %scan3A_150 iter_args(%scan3A_155 = %scan3A_146) -> (i32)  : i32 {
        %dma_wait3A = arith.constant 0 : i32
        %dma_wait3A_156 = arith.constant 0 : i32
        %dma_wait3A_157 = tpu.memref_slice %arg17[%dma_wait3A, %dma_wait3A_156] : memref<50176x32xf32, #tpu.memory_space<vmem_shared>> -> memref<128x32xf32, #tpu.memory_space<vmem_shared>>
        %dma_wait3A_158 = arith.constant 0 : i32
        %dma_wait3A_159 = arith.constant 0 : i32
        %dma_wait3A_160 = tpu.memref_slice %arg17[%dma_wait3A_158, %dma_wait3A_159] : memref<50176x32xf32, #tpu.memory_space<vmem_shared>> -> memref<128x32xf32, #tpu.memory_space<vmem_shared>>
        tpu.wait_dma2 semaphore(%arg18 : memref<!tpu.dma_semaphore, #tpu.memory_space<semaphore_mem>>) src(%arg16 : memref<128x32xf32, #tpu.memory_space<vmem>>) dst(%dma_wait3A_160 : memref<128x32xf32, #tpu.memory_space<vmem_shared>>)
        %lt3A = arith.constant 24 : i32
        %lt3A_161 = arith.cmpi slt, %scan3A_154, %lt3A : i32
        %convert_element_type3A = arith.extui %lt3A_161 : i1 to i32
        %cond3A = arith.constant 0 : i32
        %cond3A_162 = arith.cmpi ne, %convert_element_type3A, %cond3A : i32
        scf.if %cond3A_162 {
          %add3A_197 = arith.constant 1 : i32
          %add3A_198 = arith.addi %scan3A_154, %add3A_197 : i32
          %mul3A_199 = arith.constant 2 : i32
          %mul3A_200 = arith.muli %mul3A_199, %add3A_198 : i32
          %add3A_201 = arith.constant 0 : i32
          %add3A_202 = arith.addi %mul3A_200, %add3A_201 : i32
          %dma_start3A_203 = arith.constant 0 : i32
          %dma_start3A_204 = tpu.memref_slice %arg12[%add3A_202, %dma_start3A_203] : memref<50x128xi32, #tpu.memory_space<vmem>> -> memref<1x128xi32, #tpu.memory_space<vmem>>
          %dma_start3A_205 = tpu.memref_squeeze %dma_start3A_204 : memref<1x128xi32, #tpu.memory_space<vmem>> -> memref<128xi32, #tpu.memory_space<vmem>>
          %dma_start3A_206 = arith.constant 0 : i32
          %dma_start3A_207 = arith.constant 0 : i32
          %dma_start3A_208 = tpu.memref_slice %arg17[%dma_start3A_206, %dma_start3A_207] : memref<50176x32xf32, #tpu.memory_space<vmem_shared>> -> memref<50176x32xf32, #tpu.memory_space<vmem_shared>>
          tpu.enqueue_indirect_dma source(%arg16 : memref<128x32xf32, #tpu.memory_space<vmem>>) target(%dma_start3A_208 : memref<50176x32xf32, #tpu.memory_space<vmem_shared>>) offsets(%dma_start3A_205 : memref<128xi32, #tpu.memory_space<vmem>>) semaphore(%arg18 : memref<!tpu.dma_semaphore, #tpu.memory_space<semaphore_mem>>) {add = true}
        } else {
        }
        %dma_wait3A_163 = arith.constant 0 : i32
        %dma_wait3A_164 = arith.constant 0 : i32
        %dma_wait3A_165 = tpu.memref_slice %arg17[%dma_wait3A_163, %dma_wait3A_164] : memref<50176x32xf32, #tpu.memory_space<vmem_shared>> -> memref<128x32xf32, #tpu.memory_space<vmem_shared>>
        %dma_wait3A_166 = arith.constant 0 : i32
        %dma_wait3A_167 = arith.constant 0 : i32
        %dma_wait3A_168 = tpu.memref_slice %arg17[%dma_wait3A_166, %dma_wait3A_167] : memref<50176x32xf32, #tpu.memory_space<vmem_shared>> -> memref<128x32xf32, #tpu.memory_space<vmem_shared>>
        tpu.wait_dma2 semaphore(%arg19 : memref<!tpu.dma_semaphore, #tpu.memory_space<semaphore_mem>>) src(%arg16 : memref<128x32xf32, #tpu.memory_space<vmem>>) dst(%dma_wait3A_168 : memref<128x32xf32, #tpu.memory_space<vmem_shared>>)
        %lt3A_169 = arith.constant 24 : i32
        %lt3A_170 = arith.cmpi slt, %scan3A_154, %lt3A_169 : i32
        %convert_element_type3A_171 = arith.extui %lt3A_170 : i1 to i32
        %cond3A_172 = arith.constant 0 : i32
        %cond3A_173 = arith.cmpi ne, %convert_element_type3A_171, %cond3A_172 : i32
        scf.if %cond3A_173 {
          %add3A_197 = arith.constant 1 : i32
          %add3A_198 = arith.addi %scan3A_154, %add3A_197 : i32
          %mul3A_199 = arith.constant 2 : i32
          %mul3A_200 = arith.muli %mul3A_199, %add3A_198 : i32
          %add3A_201 = arith.constant 0 : i32
          %add3A_202 = arith.addi %mul3A_200, %add3A_201 : i32
          %dma_start3A_203 = arith.constant 0 : i32
          %dma_start3A_204 = tpu.memref_slice %arg11[%add3A_202, %dma_start3A_203] : memref<50x128xi32, #tpu.memory_space<vmem>> -> memref<1x128xi32, #tpu.memory_space<vmem>>
          %dma_start3A_205 = tpu.memref_squeeze %dma_start3A_204 : memref<1x128xi32, #tpu.memory_space<vmem>> -> memref<128xi32, #tpu.memory_space<vmem>>
          %dma_start3A_206 = arith.constant 0 : i32
          %dma_start3A_207 = arith.constant 0 : i32
          %dma_start3A_208 = tpu.memref_slice %arg17[%dma_start3A_206, %dma_start3A_207] : memref<50176x32xf32, #tpu.memory_space<vmem_shared>> -> memref<50176x32xf32, #tpu.memory_space<vmem_shared>>
          tpu.enqueue_indirect_dma source(%arg16 : memref<128x32xf32, #tpu.memory_space<vmem>>) target(%dma_start3A_208 : memref<50176x32xf32, #tpu.memory_space<vmem_shared>>) offsets(%dma_start3A_205 : memref<128xi32, #tpu.memory_space<vmem>>) semaphore(%arg19 : memref<!tpu.dma_semaphore, #tpu.memory_space<semaphore_mem>>) {add = true}
        } else {
        }
        %dma_wait3A_174 = arith.constant 0 : i32
        %dma_wait3A_175 = arith.constant 0 : i32
        %dma_wait3A_176 = tpu.memref_slice %arg17[%dma_wait3A_174, %dma_wait3A_175] : memref<50176x32xf32, #tpu.memory_space<vmem_shared>> -> memref<128x32xf32, #tpu.memory_space<vmem_shared>>
        %dma_wait3A_177 = arith.constant 0 : i32
        %dma_wait3A_178 = arith.constant 0 : i32
        %dma_wait3A_179 = tpu.memref_slice %arg17[%dma_wait3A_177, %dma_wait3A_178] : memref<50176x32xf32, #tpu.memory_space<vmem_shared>> -> memref<128x32xf32, #tpu.memory_space<vmem_shared>>
        tpu.wait_dma2 semaphore(%arg20 : memref<!tpu.dma_semaphore, #tpu.memory_space<semaphore_mem>>) src(%arg16 : memref<128x32xf32, #tpu.memory_space<vmem>>) dst(%dma_wait3A_179 : memref<128x32xf32, #tpu.memory_space<vmem_shared>>)
        %lt3A_180 = arith.constant 24 : i32
        %lt3A_181 = arith.cmpi slt, %scan3A_154, %lt3A_180 : i32
        %convert_element_type3A_182 = arith.extui %lt3A_181 : i1 to i32
        %cond3A_183 = arith.constant 0 : i32
        %cond3A_184 = arith.cmpi ne, %convert_element_type3A_182, %cond3A_183 : i32
        scf.if %cond3A_184 {
          %add3A_197 = arith.constant 1 : i32
          %add3A_198 = arith.addi %scan3A_154, %add3A_197 : i32
          %mul3A_199 = arith.constant 2 : i32
          %mul3A_200 = arith.muli %mul3A_199, %add3A_198 : i32
          %add3A_201 = arith.constant 1 : i32
          %add3A_202 = arith.addi %mul3A_200, %add3A_201 : i32
          %dma_start3A_203 = arith.constant 0 : i32
          %dma_start3A_204 = tpu.memref_slice %arg12[%add3A_202, %dma_start3A_203] : memref<50x128xi32, #tpu.memory_space<vmem>> -> memref<1x128xi32, #tpu.memory_space<vmem>>
          %dma_start3A_205 = tpu.memref_squeeze %dma_start3A_204 : memref<1x128xi32, #tpu.memory_space<vmem>> -> memref<128xi32, #tpu.memory_space<vmem>>
          %dma_start3A_206 = arith.constant 0 : i32
          %dma_start3A_207 = arith.constant 0 : i32
          %dma_start3A_208 = tpu.memref_slice %arg17[%dma_start3A_206, %dma_start3A_207] : memref<50176x32xf32, #tpu.memory_space<vmem_shared>> -> memref<50176x32xf32, #tpu.memory_space<vmem_shared>>
          tpu.enqueue_indirect_dma source(%arg16 : memref<128x32xf32, #tpu.memory_space<vmem>>) target(%dma_start3A_208 : memref<50176x32xf32, #tpu.memory_space<vmem_shared>>) offsets(%dma_start3A_205 : memref<128xi32, #tpu.memory_space<vmem>>) semaphore(%arg20 : memref<!tpu.dma_semaphore, #tpu.memory_space<semaphore_mem>>) {add = true}
        } else {
        }
        %dma_wait3A_185 = arith.constant 0 : i32
        %dma_wait3A_186 = arith.constant 0 : i32
        %dma_wait3A_187 = tpu.memref_slice %arg17[%dma_wait3A_185, %dma_wait3A_186] : memref<50176x32xf32, #tpu.memory_space<vmem_shared>> -> memref<128x32xf32, #tpu.memory_space<vmem_shared>>
        %dma_wait3A_188 = arith.constant 0 : i32
        %dma_wait3A_189 = arith.constant 0 : i32
        %dma_wait3A_190 = tpu.memref_slice %arg17[%dma_wait3A_188, %dma_wait3A_189] : memref<50176x32xf32, #tpu.memory_space<vmem_shared>> -> memref<128x32xf32, #tpu.memory_space<vmem_shared>>
        tpu.wait_dma2 semaphore(%arg21 : memref<!tpu.dma_semaphore, #tpu.memory_space<semaphore_mem>>) src(%arg16 : memref<128x32xf32, #tpu.memory_space<vmem>>) dst(%dma_wait3A_190 : memref<128x32xf32, #tpu.memory_space<vmem_shared>>)
        %lt3A_191 = arith.constant 24 : i32
        %lt3A_192 = arith.cmpi slt, %scan3A_154, %lt3A_191 : i32
        %convert_element_type3A_193 = arith.extui %lt3A_192 : i1 to i32
        %cond3A_194 = arith.constant 0 : i32
        %cond3A_195 = arith.cmpi ne, %convert_element_type3A_193, %cond3A_194 : i32
        scf.if %cond3A_195 {
          %add3A_197 = arith.constant 1 : i32
          %add3A_198 = arith.addi %scan3A_154, %add3A_197 : i32
          %mul3A_199 = arith.constant 2 : i32
          %mul3A_200 = arith.muli %mul3A_199, %add3A_198 : i32
          %add3A_201 = arith.constant 1 : i32
          %add3A_202 = arith.addi %mul3A_200, %add3A_201 : i32
          %dma_start3A_203 = arith.constant 0 : i32
          %dma_start3A_204 = tpu.memref_slice %arg11[%add3A_202, %dma_start3A_203] : memref<50x128xi32, #tpu.memory_space<vmem>> -> memref<1x128xi32, #tpu.memory_space<vmem>>
          %dma_start3A_205 = tpu.memref_squeeze %dma_start3A_204 : memref<1x128xi32, #tpu.memory_space<vmem>> -> memref<128xi32, #tpu.memory_space<vmem>>
          %dma_start3A_206 = arith.constant 0 : i32
          %dma_start3A_207 = arith.constant 0 : i32
          %dma_start3A_208 = tpu.memref_slice %arg17[%dma_start3A_206, %dma_start3A_207] : memref<50176x32xf32, #tpu.memory_space<vmem_shared>> -> memref<50176x32xf32, #tpu.memory_space<vmem_shared>>
          tpu.enqueue_indirect_dma source(%arg16 : memref<128x32xf32, #tpu.memory_space<vmem>>) target(%dma_start3A_208 : memref<50176x32xf32, #tpu.memory_space<vmem_shared>>) offsets(%dma_start3A_205 : memref<128xi32, #tpu.memory_space<vmem>>) semaphore(%arg21 : memref<!tpu.dma_semaphore, #tpu.memory_space<semaphore_mem>>) {add = true}
        } else {
        }
        %scan3A_196 = arith.constant 0 : i32
        scf.yield %scan3A_196 : i32
      }
      %scan3A_152 = arith.constant 25 : i32
      %scan3A_153 = arith.constant 0 : i32
      scf.yield %scan3A_153 : i32
    }
    %scan3A_29 = arith.constant 8 : i32
    %barrier3A_30 = arith.constant 0 : index
    tpu.barrier barrier_id(%barrier3A_30)
    %broadcast_in_dim3A_31 = arith.constant 0.000000e+00 : f32
    %broadcast_in_dim3A_32 = vector.broadcast %broadcast_in_dim3A_31 : f32 to vector<16xf32>
    %scan3A_33 = arith.constant 0 : i32
    %scan3A_34 = arith.constant 0 : i32
    %scan3A_35 = arith.constant 128 : i32
    %scan3A_36 = arith.addi %scan3A_34, %scan3A_35 : i32
    %scan3A_37 = arith.constant 1 : i32
    %scan3A_38 = scf.for %scan3A_113 = %scan3A_34 to %scan3A_36 step %scan3A_37 iter_args(%scan3A_114 = %scan3A_33) -> (i32)  : i32 {
      %swap3A = arith.index_cast %scan3A_113 : i32 to index
      %swap3A_115 = arith.constant 0 : index
      %swap3A_116 = tpu.vector_load %arg16[%swap3A, %swap3A_115] {strides = array<i32>} : memref<128x32xf32, #tpu.memory_space<vmem>>, vector<16xf32>,
      tpu.vector_store %arg16[%swap3A, %swap3A_115], %broadcast_in_dim3A_32 {strides = array<i32>} : memref<128x32xf32, #tpu.memory_space<vmem>>, vector<16xf32>,
      %swap3A_117 = arith.index_cast %scan3A_113 : i32 to index
      %swap3A_118 = arith.constant 16 : index
      %swap3A_119 = tpu.vector_load %arg16[%swap3A_117, %swap3A_118] {strides = array<i32>} : memref<128x32xf32, #tpu.memory_space<vmem>>, vector<16xf32>,
      tpu.vector_store %arg16[%swap3A_117, %swap3A_118], %broadcast_in_dim3A_32 {strides = array<i32>} : memref<128x32xf32, #tpu.memory_space<vmem>>, vector<16xf32>,
      %scan3A_120 = arith.constant 0 : i32
      scf.yield %scan3A_120 : i32
    }
    %scan3A_39 = arith.constant 128 : i32
    %scan3A_40 = arith.constant 0 : i32
    %scan3A_41 = arith.constant 0 : i32
    %scan3A_42 = arith.constant 25 : i32
    %scan3A_43 = arith.addi %scan3A_41, %scan3A_42 : i32
    %scan3A_44 = arith.constant 1 : i32
    %scan3A_45 = scf.for %scan3A_113 = %scan3A_41 to %scan3A_43 step %scan3A_44 iter_args(%scan3A_114 = %scan3A_40) -> (i32)  : i32 {
      %mul3A = arith.constant 3125 : i32
      %mul3A_115 = arith.muli %arg1, %mul3A : i32
      %mul3A_116 = arith.constant 125 : i32
      %mul3A_117 = arith.muli %scan3A_113, %mul3A_116 : i32
      %add3A = arith.addi %mul3A_115, %mul3A_117 : i32
      "tpu.region"() ({
        %run_scoped3A = tpu.sem_alloc : memref<!tpu.dma_semaphore, #tpu.memory_space<semaphore_mem>>
        %dma_start3A = arith.constant 0 : i32
        %dma_start3A_135 = arith.constant 0 : i32
        %dma_start3A_136 = tpu.memref_slice %arg14[%dma_start3A, %dma_start3A_135] : memref<128x32xf32, #tpu.memory_space<vmem>> -> memref<125x32xf32, #tpu.memory_space<vmem>>
        %dma_start3A_137 = arith.constant 0 : i32
        %dma_start3A_138 = tpu.memref_slice %arg17[%add3A, %dma_start3A_137] : memref<50176x32xf32, #tpu.memory_space<vmem_shared>> -> memref<125x32xf32, #tpu.memory_space<vmem_shared>>
        %dma_start3A_139 = arith.constant 0 : i32
        %dma_start3A_140 = arith.constant 0 : i32
        %dma_start3A_141 = tpu.memref_slice %arg14[%dma_start3A_139, %dma_start3A_140] : memref<128x32xf32, #tpu.memory_space<vmem>> -> memref<125x32xf32, #tpu.memory_space<vmem>>
        %dma_start3A_142 = arith.constant 0 : i32
        %dma_start3A_143 = tpu.memref_slice %arg17[%add3A, %dma_start3A_142] : memref<50176x32xf32, #tpu.memory_space<vmem_shared>> -> memref<125x32xf32, #tpu.memory_space<vmem_shared>>
        tpu.enqueue_dma source(%dma_start3A_143 : memref<125x32xf32, #tpu.memory_space<vmem_shared>>) target(%dma_start3A_141 : memref<125x32xf32, #tpu.memory_space<vmem>>) target_semaphore(%run_scoped3A : memref<!tpu.dma_semaphore, #tpu.memory_space<semaphore_mem>>)
        %dma_wait3A = arith.constant 0 : i32
        %dma_wait3A_144 = arith.constant 0 : i32
        %dma_wait3A_145 = tpu.memref_slice %arg14[%dma_wait3A, %dma_wait3A_144] : memref<128x32xf32, #tpu.memory_space<vmem>> -> memref<125x32xf32, #tpu.memory_space<vmem>>
        %dma_wait3A_146 = arith.constant 0 : i32
        %dma_wait3A_147 = tpu.memref_slice %arg17[%add3A, %dma_wait3A_146] : memref<50176x32xf32, #tpu.memory_space<vmem_shared>> -> memref<125x32xf32, #tpu.memory_space<vmem_shared>>
        %dma_wait3A_148 = arith.constant 0 : i32
        %dma_wait3A_149 = arith.constant 0 : i32
        %dma_wait3A_150 = tpu.memref_slice %arg14[%dma_wait3A_148, %dma_wait3A_149] : memref<128x32xf32, #tpu.memory_space<vmem>> -> memref<125x32xf32, #tpu.memory_space<vmem>>
        %dma_wait3A_151 = arith.constant 0 : i32
        %dma_wait3A_152 = tpu.memref_slice %arg17[%add3A, %dma_wait3A_151] : memref<50176x32xf32, #tpu.memory_space<vmem_shared>> -> memref<125x32xf32, #tpu.memory_space<vmem_shared>>
        tpu.wait_dma2 semaphore(%run_scoped3A : memref<!tpu.dma_semaphore, #tpu.memory_space<semaphore_mem>>) src(%dma_wait3A_152 : memref<125x32xf32, #tpu.memory_space<vmem_shared>>) dst(%dma_wait3A_150 : memref<125x32xf32, #tpu.memory_space<vmem>>)
        tpu.yield
      }) : () -> ()
      %scan3A_118 = arith.constant 0 : i32
      %scan3A_119 = arith.constant 0 : i32
      %scan3A_120 = arith.constant 125 : i32
      %scan3A_121 = arith.addi %scan3A_119, %scan3A_120 : i32
      %scan3A_122 = arith.constant 1 : i32
      %scan3A_123 = scf.for %scan3A_135 = %scan3A_119 to %scan3A_121 step %scan3A_122 iter_args(%scan3A_136 = %scan3A_118) -> (i32)  : i32 {
        %get3A = arith.index_cast %scan3A_135 : i32 to index
        %get3A_137 = arith.constant 0 : index
        %get3A_138 = tpu.vector_load %arg14[%get3A, %get3A_137] {strides = array<i32>} : memref<128x32xf32, #tpu.memory_space<vmem>>, vector<16xf32>,
        %max3A = arith.constant 1.000000e+00 : f32
        %max3A_139 = vector.broadcast %max3A : f32 to vector<16xf32>
        %max3A_140 = arith.maximumf %get3A_138, %max3A_139 : vector<16xf32>
        %bitcast3A = vector.bitcast %max3A_140 : vector<16xf32> to vector<16xi32>
        %broadcast_in_dim3A_141 = arith.constant 1597463007 : i32
        %broadcast_in_dim3A_142 = vector.broadcast %broadcast_in_dim3A_141 : i32 to vector<16xi32>
        %broadcast_in_dim3A_143 = arith.constant 1 : i32
        %broadcast_in_dim3A_144 = vector.broadcast %broadcast_in_dim3A_143 : i32 to vector<16xi32>
        %shift_right_logical3A = arith.shrui %bitcast3A, %broadcast_in_dim3A_144 : vector<16xi32>
        %sub3A = arith.subi %broadcast_in_dim3A_142, %shift_right_logical3A : vector<16xi32>
        %bitcast3A_145 = vector.bitcast %sub3A : vector<16xi32> to vector<16xf32>
        %mul3A_146 = arith.constant 5.000000e-01 : f32
        %mul3A_147 = vector.broadcast %mul3A_146 : f32 to vector<16xf32>
        %mul3A_148 = arith.mulf %mul3A_147, %max3A_140 : vector<16xf32>
        %mul3A_149 = arith.mulf %mul3A_148, %bitcast3A_145 : vector<16xf32>
        %mul3A_150 = arith.mulf %mul3A_149, %bitcast3A_145 : vector<16xf32>
        %sub3A_151 = arith.constant 1.500000e+00 : f32
        %sub3A_152 = vector.broadcast %sub3A_151 : f32 to vector<16xf32>
        %sub3A_153 = arith.subf %sub3A_152, %mul3A_150 : vector<16xf32>
        %mul3A_154 = arith.mulf %bitcast3A_145, %sub3A_153 : vector<16xf32>
        %mul3A_155 = arith.constant 5.000000e-01 : f32
        %mul3A_156 = vector.broadcast %mul3A_155 : f32 to vector<16xf32>
        %mul3A_157 = arith.mulf %mul3A_156, %max3A_140 : vector<16xf32>
        %mul3A_158 = arith.mulf %mul3A_157, %mul3A_154 : vector<16xf32>
        %mul3A_159 = arith.mulf %mul3A_158, %mul3A_154 : vector<16xf32>
        %sub3A_160 = arith.constant 1.500000e+00 : f32
        %sub3A_161 = vector.broadcast %sub3A_160 : f32 to vector<16xf32>
        %sub3A_162 = arith.subf %sub3A_161, %mul3A_159 : vector<16xf32>
        %mul3A_163 = arith.mulf %mul3A_154, %sub3A_162 : vector<16xf32>
        %mul3A_164 = arith.constant 5.000000e-01 : f32
        %mul3A_165 = vector.broadcast %mul3A_164 : f32 to vector<16xf32>
        %mul3A_166 = arith.mulf %mul3A_165, %max3A_140 : vector<16xf32>
        %mul3A_167 = arith.mulf %mul3A_166, %mul3A_163 : vector<16xf32>
        %mul3A_168 = arith.mulf %mul3A_167, %mul3A_163 : vector<16xf32>
        %sub3A_169 = arith.constant 1.500000e+00 : f32
        %sub3A_170 = vector.broadcast %sub3A_169 : f32 to vector<16xf32>
        %sub3A_171 = arith.subf %sub3A_170, %mul3A_168 : vector<16xf32>
        %mul3A_172 = arith.mulf %mul3A_163, %sub3A_171 : vector<16xf32>
        %mul3A_173 = arith.mulf %mul3A_172, %mul3A_172 : vector<16xf32>
        %swap3A = arith.index_cast %scan3A_135 : i32 to index
        %swap3A_174 = arith.constant 0 : index
        %swap3A_175 = tpu.vector_load %arg13[%swap3A, %swap3A_174] {strides = array<i32>} : memref<128x32xf32, #tpu.memory_space<vmem>>, vector<16xf32>,
        tpu.vector_store %arg13[%swap3A, %swap3A_174], %mul3A_172 {strides = array<i32>} : memref<128x32xf32, #tpu.memory_space<vmem>>, vector<16xf32>,
        %swap3A_176 = arith.index_cast %scan3A_135 : i32 to index
        %swap3A_177 = arith.constant 0 : index
        %swap3A_178 = tpu.vector_load %arg14[%swap3A_176, %swap3A_177] {strides = array<i32>} : memref<128x32xf32, #tpu.memory_space<vmem>>, vector<16xf32>,
        tpu.vector_store %arg14[%swap3A_176, %swap3A_177], %mul3A_173 {strides = array<i32>} : memref<128x32xf32, #tpu.memory_space<vmem>>, vector<16xf32>,
        %swap3A_179 = arith.index_cast %scan3A_135 : i32 to index
        %swap3A_180 = arith.constant 16 : index
        %swap3A_181 = tpu.vector_load %arg13[%swap3A_179, %swap3A_180] {strides = array<i32>} : memref<128x32xf32, #tpu.memory_space<vmem>>, vector<16xf32>,
        tpu.vector_store %arg13[%swap3A_179, %swap3A_180], %mul3A_172 {strides = array<i32>} : memref<128x32xf32, #tpu.memory_space<vmem>>, vector<16xf32>,
        %swap3A_182 = arith.index_cast %scan3A_135 : i32 to index
        %swap3A_183 = arith.constant 16 : index
        %swap3A_184 = tpu.vector_load %arg14[%swap3A_182, %swap3A_183] {strides = array<i32>} : memref<128x32xf32, #tpu.memory_space<vmem>>, vector<16xf32>,
        tpu.vector_store %arg14[%swap3A_182, %swap3A_183], %mul3A_173 {strides = array<i32>} : memref<128x32xf32, #tpu.memory_space<vmem>>, vector<16xf32>,
        %scan3A_185 = arith.constant 0 : i32
        scf.yield %scan3A_185 : i32
      }
      %scan3A_124 = arith.constant 125 : i32
      "tpu.region"() ({
        %run_scoped3A = tpu.sem_alloc : memref<!tpu.dma_semaphore, #tpu.memory_space<semaphore_mem>>
        %dma_start3A = arith.constant 0 : i32
        %dma_start3A_135 = arith.constant 0 : i32
        %dma_start3A_136 = tpu.memref_slice %arg13[%dma_start3A, %dma_start3A_135] : memref<128x32xf32, #tpu.memory_space<vmem>> -> memref<125x32xf32, #tpu.memory_space<vmem>>
        %dma_start3A_137 = arith.constant 0 : i32
        %dma_start3A_138 = tpu.memref_slice %arg8[%arg0, %add3A, %dma_start3A_137] : memref<2x50000x32xf32, #tpu.memory_space<hbm>> -> memref<1x125x32xf32, #tpu.memory_space<hbm>>
        %dma_start3A_139 = tpu.memref_squeeze %dma_start3A_138 : memref<1x125x32xf32, #tpu.memory_space<hbm>> -> memref<125x32xf32, #tpu.memory_space<hbm>>
        %dma_start3A_140 = arith.constant 0 : i32
        %dma_start3A_141 = tpu.memref_slice %arg8[%arg0, %add3A, %dma_start3A_140] : memref<2x50000x32xf32, #tpu.memory_space<hbm>> -> memref<1x125x32xf32, #tpu.memory_space<hbm>>
        %dma_start3A_142 = tpu.memref_squeeze %dma_start3A_141 : memref<1x125x32xf32, #tpu.memory_space<hbm>> -> memref<125x32xf32, #tpu.memory_space<hbm>>
        %dma_start3A_143 = arith.constant 0 : i32
        %dma_start3A_144 = arith.constant 0 : i32
        %dma_start3A_145 = tpu.memref_slice %arg13[%dma_start3A_143, %dma_start3A_144] : memref<128x32xf32, #tpu.memory_space<vmem>> -> memref<125x32xf32, #tpu.memory_space<vmem>>
        tpu.enqueue_dma source(%dma_start3A_145 : memref<125x32xf32, #tpu.memory_space<vmem>>) target(%dma_start3A_142 : memref<125x32xf32, #tpu.memory_space<hbm>>) target_semaphore(%run_scoped3A : memref<!tpu.dma_semaphore, #tpu.memory_space<semaphore_mem>>)
        %dma_wait3A = arith.constant 0 : i32
        %dma_wait3A_146 = arith.constant 0 : i32
        %dma_wait3A_147 = tpu.memref_slice %arg13[%dma_wait3A, %dma_wait3A_146] : memref<128x32xf32, #tpu.memory_space<vmem>> -> memref<125x32xf32, #tpu.memory_space<vmem>>
        %dma_wait3A_148 = arith.constant 0 : i32
        %dma_wait3A_149 = tpu.memref_slice %arg8[%arg0, %add3A, %dma_wait3A_148] : memref<2x50000x32xf32, #tpu.memory_space<hbm>> -> memref<1x125x32xf32, #tpu.memory_space<hbm>>
        %dma_wait3A_150 = tpu.memref_squeeze %dma_wait3A_149 : memref<1x125x32xf32, #tpu.memory_space<hbm>> -> memref<125x32xf32, #tpu.memory_space<hbm>>
        %dma_wait3A_151 = arith.constant 0 : i32
        %dma_wait3A_152 = tpu.memref_slice %arg8[%arg0, %add3A, %dma_wait3A_151] : memref<2x50000x32xf32, #tpu.memory_space<hbm>> -> memref<1x125x32xf32, #tpu.memory_space<hbm>>
        %dma_wait3A_153 = tpu.memref_squeeze %dma_wait3A_152 : memref<1x125x32xf32, #tpu.memory_space<hbm>> -> memref<125x32xf32, #tpu.memory_space<hbm>>
        %dma_wait3A_154 = arith.constant 0 : i32
        %dma_wait3A_155 = arith.constant 0 : i32
        %dma_wait3A_156 = tpu.memref_slice %arg13[%dma_wait3A_154, %dma_wait3A_155] : memref<128x32xf32, #tpu.memory_space<vmem>> -> memref<125x32xf32, #tpu.memory_space<vmem>>
        tpu.wait_dma2 semaphore(%run_scoped3A : memref<!tpu.dma_semaphore, #tpu.memory_space<semaphore_mem>>) src(%dma_wait3A_156 : memref<125x32xf32, #tpu.memory_space<vmem>>) dst(%dma_wait3A_153 : memref<125x32xf32, #tpu.memory_space<hbm>>)
        tpu.yield
      }) : () -> ()
      "tpu.region"() ({
        %run_scoped3A = tpu.sem_alloc : memref<!tpu.dma_semaphore, #tpu.memory_space<semaphore_mem>>
        %dma_start3A = arith.constant 0 : i32
        %dma_start3A_135 = arith.constant 0 : i32
        %dma_start3A_136 = tpu.memref_slice %arg14[%dma_start3A, %dma_start3A_135] : memref<128x32xf32, #tpu.memory_space<vmem>> -> memref<125x32xf32, #tpu.memory_space<vmem>>
        %dma_start3A_137 = arith.constant 0 : i32
        %dma_start3A_138 = tpu.memref_slice %arg9[%arg0, %add3A, %dma_start3A_137] : memref<2x50000x32xf32, #tpu.memory_space<hbm>> -> memref<1x125x32xf32, #tpu.memory_space<hbm>>
        %dma_start3A_139 = tpu.memref_squeeze %dma_start3A_138 : memref<1x125x32xf32, #tpu.memory_space<hbm>> -> memref<125x32xf32, #tpu.memory_space<hbm>>
        %dma_start3A_140 = arith.constant 0 : i32
        %dma_start3A_141 = tpu.memref_slice %arg9[%arg0, %add3A, %dma_start3A_140] : memref<2x50000x32xf32, #tpu.memory_space<hbm>> -> memref<1x125x32xf32, #tpu.memory_space<hbm>>
        %dma_start3A_142 = tpu.memref_squeeze %dma_start3A_141 : memref<1x125x32xf32, #tpu.memory_space<hbm>> -> memref<125x32xf32, #tpu.memory_space<hbm>>
        %dma_start3A_143 = arith.constant 0 : i32
        %dma_start3A_144 = arith.constant 0 : i32
        %dma_start3A_145 = tpu.memref_slice %arg14[%dma_start3A_143, %dma_start3A_144] : memref<128x32xf32, #tpu.memory_space<vmem>> -> memref<125x32xf32, #tpu.memory_space<vmem>>
        tpu.enqueue_dma source(%dma_start3A_145 : memref<125x32xf32, #tpu.memory_space<vmem>>) target(%dma_start3A_142 : memref<125x32xf32, #tpu.memory_space<hbm>>) target_semaphore(%run_scoped3A : memref<!tpu.dma_semaphore, #tpu.memory_space<semaphore_mem>>)
        %dma_wait3A = arith.constant 0 : i32
        %dma_wait3A_146 = arith.constant 0 : i32
        %dma_wait3A_147 = tpu.memref_slice %arg14[%dma_wait3A, %dma_wait3A_146] : memref<128x32xf32, #tpu.memory_space<vmem>> -> memref<125x32xf32, #tpu.memory_space<vmem>>
        %dma_wait3A_148 = arith.constant 0 : i32
        %dma_wait3A_149 = tpu.memref_slice %arg9[%arg0, %add3A, %dma_wait3A_148] : memref<2x50000x32xf32, #tpu.memory_space<hbm>> -> memref<1x125x32xf32, #tpu.memory_space<hbm>>
        %dma_wait3A_150 = tpu.memref_squeeze %dma_wait3A_149 : memref<1x125x32xf32, #tpu.memory_space<hbm>> -> memref<125x32xf32, #tpu.memory_space<hbm>>
        %dma_wait3A_151 = arith.constant 0 : i32
        %dma_wait3A_152 = tpu.memref_slice %arg9[%arg0, %add3A, %dma_wait3A_151] : memref<2x50000x32xf32, #tpu.memory_space<hbm>> -> memref<1x125x32xf32, #tpu.memory_space<hbm>>
        %dma_wait3A_153 = tpu.memref_squeeze %dma_wait3A_152 : memref<1x125x32xf32, #tpu.memory_space<hbm>> -> memref<125x32xf32, #tpu.memory_space<hbm>>
        %dma_wait3A_154 = arith.constant 0 : i32
        %dma_wait3A_155 = arith.constant 0 : i32
        %dma_wait3A_156 = tpu.memref_slice %arg14[%dma_wait3A_154, %dma_wait3A_155] : memref<128x32xf32, #tpu.memory_space<vmem>> -> memref<125x32xf32, #tpu.memory_space<vmem>>
        tpu.wait_dma2 semaphore(%run_scoped3A : memref<!tpu.dma_semaphore, #tpu.memory_space<semaphore_mem>>) src(%dma_wait3A_156 : memref<125x32xf32, #tpu.memory_space<vmem>>) dst(%dma_wait3A_153 : memref<125x32xf32, #tpu.memory_space<hbm>>)
        tpu.yield
      }) : () -> ()
      %mul3A_125 = arith.constant 32 : i32
      %mul3A_126 = arith.muli %arg0, %mul3A_125 : i32
      "tpu.region"() ({
        %run_scoped3A = tpu.sem_alloc : memref<!tpu.dma_semaphore, #tpu.memory_space<semaphore_mem>>
        %dma_start3A = arith.constant 0 : i32
        %dma_start3A_135 = arith.constant 0 : i32
        %dma_start3A_136 = tpu.memref_slice %arg15[%dma_start3A, %dma_start3A_135] : memref<128x32xf32, #tpu.memory_space<vmem>> -> memref<125x32xf32, #tpu.memory_space<vmem>>
        %dma_start3A_137 = tpu.memref_slice %arg3[%add3A, %mul3A_126] : memref<50000x64xf32, #tpu.memory_space<hbm>> -> memref<125x32xf32, #tpu.memory_space<hbm>>
        %dma_start3A_138 = arith.constant 0 : i32
        %dma_start3A_139 = arith.constant 0 : i32
        %dma_start3A_140 = tpu.memref_slice %arg15[%dma_start3A_138, %dma_start3A_139] : memref<128x32xf32, #tpu.memory_space<vmem>> -> memref<125x32xf32, #tpu.memory_space<vmem>>
        %dma_start3A_141 = tpu.memref_slice %arg3[%add3A, %mul3A_126] : memref<50000x64xf32, #tpu.memory_space<hbm>> -> memref<125x32xf32, #tpu.memory_space<hbm>>
        tpu.enqueue_dma source(%dma_start3A_141 : memref<125x32xf32, #tpu.memory_space<hbm>>) target(%dma_start3A_140 : memref<125x32xf32, #tpu.memory_space<vmem>>) target_semaphore(%run_scoped3A : memref<!tpu.dma_semaphore, #tpu.memory_space<semaphore_mem>>)
        %dma_wait3A = arith.constant 0 : i32
        %dma_wait3A_142 = arith.constant 0 : i32
        %dma_wait3A_143 = tpu.memref_slice %arg15[%dma_wait3A, %dma_wait3A_142] : memref<128x32xf32, #tpu.memory_space<vmem>> -> memref<125x32xf32, #tpu.memory_space<vmem>>
        %dma_wait3A_144 = tpu.memref_slice %arg3[%add3A, %mul3A_126] : memref<50000x64xf32, #tpu.memory_space<hbm>> -> memref<125x32xf32, #tpu.memory_space<hbm>>
        %dma_wait3A_145 = arith.constant 0 : i32
        %dma_wait3A_146 = arith.constant 0 : i32
        %dma_wait3A_147 = tpu.memref_slice %arg15[%dma_wait3A_145, %dma_wait3A_146] : memref<128x32xf32, #tpu.memory_space<vmem>> -> memref<125x32xf32, #tpu.memory_space<vmem>>
        %dma_wait3A_148 = tpu.memref_slice %arg3[%add3A, %mul3A_126] : memref<50000x64xf32, #tpu.memory_space<hbm>> -> memref<125x32xf32, #tpu.memory_space<hbm>>
        tpu.wait_dma2 semaphore(%run_scoped3A : memref<!tpu.dma_semaphore, #tpu.memory_space<semaphore_mem>>) src(%dma_wait3A_148 : memref<125x32xf32, #tpu.memory_space<hbm>>) dst(%dma_wait3A_147 : memref<125x32xf32, #tpu.memory_space<vmem>>)
        tpu.yield
      }) : () -> ()
      %scan3A_127 = arith.constant 0 : i32
      %scan3A_128 = arith.constant 0 : i32
      %scan3A_129 = arith.constant 125 : i32
      %scan3A_130 = arith.addi %scan3A_128, %scan3A_129 : i32
      %scan3A_131 = arith.constant 1 : i32
      %scan3A_132 = scf.for %scan3A_135 = %scan3A_128 to %scan3A_130 step %scan3A_131 iter_args(%scan3A_136 = %scan3A_127) -> (i32)  : i32 {
        %get3A = arith.index_cast %scan3A_135 : i32 to index
        %get3A_137 = arith.constant 0 : index
        %get3A_138 = tpu.vector_load %arg15[%get3A, %get3A_137] {strides = array<i32>} : memref<128x32xf32, #tpu.memory_space<vmem>>, vector<16xf32>,
        %get3A_139 = arith.index_cast %scan3A_135 : i32 to index
        %get3A_140 = arith.constant 0 : index
        %get3A_141 = tpu.vector_load %arg13[%get3A_139, %get3A_140] {strides = array<i32>} : memref<128x32xf32, #tpu.memory_space<vmem>>, vector<16xf32>,
        %mul3A_142 = arith.mulf %get3A_138, %get3A_141 : vector<16xf32>
        %swap3A = arith.index_cast %scan3A_135 : i32 to index
        %swap3A_143 = arith.constant 0 : index
        %swap3A_144 = tpu.vector_load %arg15[%swap3A, %swap3A_143] {strides = array<i32>} : memref<128x32xf32, #tpu.memory_space<vmem>>, vector<16xf32>,
        tpu.vector_store %arg15[%swap3A, %swap3A_143], %mul3A_142 {strides = array<i32>} : memref<128x32xf32, #tpu.memory_space<vmem>>, vector<16xf32>,
        %get3A_145 = arith.index_cast %scan3A_135 : i32 to index
        %get3A_146 = arith.constant 16 : index
        %get3A_147 = tpu.vector_load %arg15[%get3A_145, %get3A_146] {strides = array<i32>} : memref<128x32xf32, #tpu.memory_space<vmem>>, vector<16xf32>,
        %get3A_148 = arith.index_cast %scan3A_135 : i32 to index
        %get3A_149 = arith.constant 16 : index
        %get3A_150 = tpu.vector_load %arg13[%get3A_148, %get3A_149] {strides = array<i32>} : memref<128x32xf32, #tpu.memory_space<vmem>>, vector<16xf32>,
        %mul3A_151 = arith.mulf %get3A_147, %get3A_150 : vector<16xf32>
        %swap3A_152 = arith.index_cast %scan3A_135 : i32 to index
        %swap3A_153 = arith.constant 16 : index
        %swap3A_154 = tpu.vector_load %arg15[%swap3A_152, %swap3A_153] {strides = array<i32>} : memref<128x32xf32, #tpu.memory_space<vmem>>, vector<16xf32>,
        tpu.vector_store %arg15[%swap3A_152, %swap3A_153], %mul3A_151 {strides = array<i32>} : memref<128x32xf32, #tpu.memory_space<vmem>>, vector<16xf32>,
        %scan3A_155 = arith.constant 0 : i32
        scf.yield %scan3A_155 : i32
      }
      %scan3A_133 = arith.constant 125 : i32
      "tpu.region"() ({
        %run_scoped3A = tpu.sem_alloc : memref<!tpu.dma_semaphore, #tpu.memory_space<semaphore_mem>>
        %dma_start3A = arith.constant 0 : i32
        %dma_start3A_135 = arith.constant 0 : i32
        %dma_start3A_136 = tpu.memref_slice %arg15[%dma_start3A, %dma_start3A_135] : memref<128x32xf32, #tpu.memory_space<vmem>> -> memref<125x32xf32, #tpu.memory_space<vmem>>
        %dma_start3A_137 = arith.constant 0 : i32
        %dma_start3A_138 = tpu.memref_slice %arg5[%arg0, %add3A, %dma_start3A_137] : memref<2x50176x32xf32, #tpu.memory_space<hbm>> -> memref<1x125x32xf32, #tpu.memory_space<hbm>>
        %dma_start3A_139 = tpu.memref_squeeze %dma_start3A_138 : memref<1x125x32xf32, #tpu.memory_space<hbm>> -> memref<125x32xf32, #tpu.memory_space<hbm>>
        %dma_start3A_140 = arith.constant 0 : i32
        %dma_start3A_141 = tpu.memref_slice %arg5[%arg0, %add3A, %dma_start3A_140] : memref<2x50176x32xf32, #tpu.memory_space<hbm>> -> memref<1x125x32xf32, #tpu.memory_space<hbm>>
        %dma_start3A_142 = tpu.memref_squeeze %dma_start3A_141 : memref<1x125x32xf32, #tpu.memory_space<hbm>> -> memref<125x32xf32, #tpu.memory_space<hbm>>
        %dma_start3A_143 = arith.constant 0 : i32
        %dma_start3A_144 = arith.constant 0 : i32
        %dma_start3A_145 = tpu.memref_slice %arg15[%dma_start3A_143, %dma_start3A_144] : memref<128x32xf32, #tpu.memory_space<vmem>> -> memref<125x32xf32, #tpu.memory_space<vmem>>
        tpu.enqueue_dma source(%dma_start3A_145 : memref<125x32xf32, #tpu.memory_space<vmem>>) target(%dma_start3A_142 : memref<125x32xf32, #tpu.memory_space<hbm>>) target_semaphore(%run_scoped3A : memref<!tpu.dma_semaphore, #tpu.memory_space<semaphore_mem>>)
        %dma_wait3A = arith.constant 0 : i32
        %dma_wait3A_146 = arith.constant 0 : i32
        %dma_wait3A_147 = tpu.memref_slice %arg15[%dma_wait3A, %dma_wait3A_146] : memref<128x32xf32, #tpu.memory_space<vmem>> -> memref<125x32xf32, #tpu.memory_space<vmem>>
        %dma_wait3A_148 = arith.constant 0 : i32
        %dma_wait3A_149 = tpu.memref_slice %arg5[%arg0, %add3A, %dma_wait3A_148] : memref<2x50176x32xf32, #tpu.memory_space<hbm>> -> memref<1x125x32xf32, #tpu.memory_space<hbm>>
        %dma_wait3A_150 = tpu.memref_squeeze %dma_wait3A_149 : memref<1x125x32xf32, #tpu.memory_space<hbm>> -> memref<125x32xf32, #tpu.memory_space<hbm>>
        %dma_wait3A_151 = arith.constant 0 : i32
        %dma_wait3A_152 = tpu.memref_slice %arg5[%arg0, %add3A, %dma_wait3A_151] : memref<2x50176x32xf32, #tpu.memory_space<hbm>> -> memref<1x125x32xf32, #tpu.memory_space<hbm>>
        %dma_wait3A_153 = tpu.memref_squeeze %dma_wait3A_152 : memref<1x125x32xf32, #tpu.memory_space<hbm>> -> memref<125x32xf32, #tpu.memory_space<hbm>>
        %dma_wait3A_154 = arith.constant 0 : i32
        %dma_wait3A_155 = arith.constant 0 : i32
        %dma_wait3A_156 = tpu.memref_slice %arg15[%dma_wait3A_154, %dma_wait3A_155] : memref<128x32xf32, #tpu.memory_space<vmem>> -> memref<125x32xf32, #tpu.memory_space<vmem>>
        tpu.wait_dma2 semaphore(%run_scoped3A : memref<!tpu.dma_semaphore, #tpu.memory_space<semaphore_mem>>) src(%dma_wait3A_156 : memref<125x32xf32, #tpu.memory_space<vmem>>) dst(%dma_wait3A_153 : memref<125x32xf32, #tpu.memory_space<hbm>>)
        tpu.yield
      }) : () -> ()
      "tpu.region"() ({
        %run_scoped3A = tpu.sem_alloc : memref<!tpu.dma_semaphore, #tpu.memory_space<semaphore_mem>>
        %dma_start3A = arith.constant 0 : i32
        %dma_start3A_135 = arith.constant 0 : i32
        %dma_start3A_136 = tpu.memref_slice %arg16[%dma_start3A, %dma_start3A_135] : memref<128x32xf32, #tpu.memory_space<vmem>> -> memref<125x32xf32, #tpu.memory_space<vmem>>
        %dma_start3A_137 = arith.constant 0 : i32
        %dma_start3A_138 = tpu.memref_slice %arg17[%add3A, %dma_start3A_137] : memref<50176x32xf32, #tpu.memory_space<vmem_shared>> -> memref<125x32xf32, #tpu.memory_space<vmem_shared>>
        %dma_start3A_139 = arith.constant 0 : i32
        %dma_start3A_140 = tpu.memref_slice %arg17[%add3A, %dma_start3A_139] : memref<50176x32xf32, #tpu.memory_space<vmem_shared>> -> memref<125x32xf32, #tpu.memory_space<vmem_shared>>
        %dma_start3A_141 = arith.constant 0 : i32
        %dma_start3A_142 = arith.constant 0 : i32
        %dma_start3A_143 = tpu.memref_slice %arg16[%dma_start3A_141, %dma_start3A_142] : memref<128x32xf32, #tpu.memory_space<vmem>> -> memref<125x32xf32, #tpu.memory_space<vmem>>
        tpu.enqueue_dma source(%dma_start3A_143 : memref<125x32xf32, #tpu.memory_space<vmem>>) target(%dma_start3A_140 : memref<125x32xf32, #tpu.memory_space<vmem_shared>>) target_semaphore(%run_scoped3A : memref<!tpu.dma_semaphore, #tpu.memory_space<semaphore_mem>>)
        %dma_wait3A = arith.constant 0 : i32
        %dma_wait3A_144 = arith.constant 0 : i32
        %dma_wait3A_145 = tpu.memref_slice %arg16[%dma_wait3A, %dma_wait3A_144] : memref<128x32xf32, #tpu.memory_space<vmem>> -> memref<125x32xf32, #tpu.memory_space<vmem>>
        %dma_wait3A_146 = arith.constant 0 : i32
        %dma_wait3A_147 = tpu.memref_slice %arg17[%add3A, %dma_wait3A_146] : memref<50176x32xf32, #tpu.memory_space<vmem_shared>> -> memref<125x32xf32, #tpu.memory_space<vmem_shared>>
        %dma_wait3A_148 = arith.constant 0 : i32
        %dma_wait3A_149 = tpu.memref_slice %arg17[%add3A, %dma_wait3A_148] : memref<50176x32xf32, #tpu.memory_space<vmem_shared>> -> memref<125x32xf32, #tpu.memory_space<vmem_shared>>
        %dma_wait3A_150 = arith.constant 0 : i32
        %dma_wait3A_151 = arith.constant 0 : i32
        %dma_wait3A_152 = tpu.memref_slice %arg16[%dma_wait3A_150, %dma_wait3A_151] : memref<128x32xf32, #tpu.memory_space<vmem>> -> memref<125x32xf32, #tpu.memory_space<vmem>>
        tpu.wait_dma2 semaphore(%run_scoped3A : memref<!tpu.dma_semaphore, #tpu.memory_space<semaphore_mem>>) src(%dma_wait3A_152 : memref<125x32xf32, #tpu.memory_space<vmem>>) dst(%dma_wait3A_149 : memref<125x32xf32, #tpu.memory_space<vmem_shared>>)
        tpu.yield
      }) : () -> ()
      %scan3A_134 = arith.constant 0 : i32
      scf.yield %scan3A_134 : i32
    }
    %scan3A_46 = arith.constant 25 : i32
    %barrier3A_47 = arith.constant 0 : index
    tpu.barrier barrier_id(%barrier3A_47)
    %scan3A_48 = arith.constant 0 : i32
    %scan3A_49 = arith.constant 0 : i32
    %scan3A_50 = arith.constant 8 : i32
    %scan3A_51 = arith.addi %scan3A_49, %scan3A_50 : i32
    %scan3A_52 = arith.constant 1 : i32
    %scan3A_53 = scf.for %scan3A_113 = %scan3A_49 to %scan3A_51 step %scan3A_52 iter_args(%scan3A_114 = %scan3A_48) -> (i32)  : i32 {
      %mul3A = arith.constant 400 : i32
      %mul3A_115 = arith.muli %arg1, %mul3A : i32
      %mul3A_116 = arith.constant 50 : i32
      %mul3A_117 = arith.muli %scan3A_113, %mul3A_116 : i32
      %add3A = arith.addi %mul3A_115, %mul3A_117 : i32
      %run_scoped3A = arith.constant 0 : i32
      "tpu.region"() ({
        %run_scoped3A_170 = tpu.sem_alloc : memref<!tpu.dma_semaphore, #tpu.memory_space<semaphore_mem>>
        %dma_start3A_171 = arith.constant 0 : i32
        %dma_start3A_172 = tpu.memref_slice %arg2[%run_scoped3A, %add3A, %dma_start3A_171] : memref<2x6400x128xi32, #tpu.memory_space<hbm>> -> memref<1x50x128xi32, #tpu.memory_space<hbm>>
        %dma_start3A_173 = tpu.memref_squeeze %dma_start3A_172 : memref<1x50x128xi32, #tpu.memory_space<hbm>> -> memref<50x128xi32, #tpu.memory_space<hbm>>
        %dma_start3A_174 = arith.constant 0 : i32
        %dma_start3A_175 = tpu.memref_slice %arg2[%run_scoped3A, %add3A, %dma_start3A_174] : memref<2x6400x128xi32, #tpu.memory_space<hbm>> -> memref<1x50x128xi32, #tpu.memory_space<hbm>>
        %dma_start3A_176 = tpu.memref_squeeze %dma_start3A_175 : memref<1x50x128xi32, #tpu.memory_space<hbm>> -> memref<50x128xi32, #tpu.memory_space<hbm>>
        tpu.enqueue_dma source(%dma_start3A_176 : memref<50x128xi32, #tpu.memory_space<hbm>>) target(%arg11 : memref<50x128xi32, #tpu.memory_space<vmem>>) target_semaphore(%run_scoped3A_170 : memref<!tpu.dma_semaphore, #tpu.memory_space<semaphore_mem>>)
        %dma_wait3A = arith.constant 0 : i32
        %dma_wait3A_177 = tpu.memref_slice %arg2[%run_scoped3A, %add3A, %dma_wait3A] : memref<2x6400x128xi32, #tpu.memory_space<hbm>> -> memref<1x50x128xi32, #tpu.memory_space<hbm>>
        %dma_wait3A_178 = tpu.memref_squeeze %dma_wait3A_177 : memref<1x50x128xi32, #tpu.memory_space<hbm>> -> memref<50x128xi32, #tpu.memory_space<hbm>>
        %dma_wait3A_179 = arith.constant 0 : i32
        %dma_wait3A_180 = tpu.memref_slice %arg2[%run_scoped3A, %add3A, %dma_wait3A_179] : memref<2x6400x128xi32, #tpu.memory_space<hbm>> -> memref<1x50x128xi32, #tpu.memory_space<hbm>>
        %dma_wait3A_181 = tpu.memref_squeeze %dma_wait3A_180 : memref<1x50x128xi32, #tpu.memory_space<hbm>> -> memref<50x128xi32, #tpu.memory_space<hbm>>
        tpu.wait_dma2 semaphore(%run_scoped3A_170 : memref<!tpu.dma_semaphore, #tpu.memory_space<semaphore_mem>>) src(%dma_wait3A_181 : memref<50x128xi32, #tpu.memory_space<hbm>>) dst(%arg11 : memref<50x128xi32, #tpu.memory_space<vmem>>)
        tpu.yield
      }) : () -> ()
      %run_scoped3A_118 = arith.constant 1 : i32
      "tpu.region"() ({
        %run_scoped3A_170 = tpu.sem_alloc : memref<!tpu.dma_semaphore, #tpu.memory_space<semaphore_mem>>
        %dma_start3A_171 = arith.constant 0 : i32
        %dma_start3A_172 = tpu.memref_slice %arg2[%run_scoped3A_118, %add3A, %dma_start3A_171] : memref<2x6400x128xi32, #tpu.memory_space<hbm>> -> memref<1x50x128xi32, #tpu.memory_space<hbm>>
        %dma_start3A_173 = tpu.memref_squeeze %dma_start3A_172 : memref<1x50x128xi32, #tpu.memory_space<hbm>> -> memref<50x128xi32, #tpu.memory_space<hbm>>
        %dma_start3A_174 = arith.constant 0 : i32
        %dma_start3A_175 = tpu.memref_slice %arg2[%run_scoped3A_118, %add3A, %dma_start3A_174] : memref<2x6400x128xi32, #tpu.memory_space<hbm>> -> memref<1x50x128xi32, #tpu.memory_space<hbm>>
        %dma_start3A_176 = tpu.memref_squeeze %dma_start3A_175 : memref<1x50x128xi32, #tpu.memory_space<hbm>> -> memref<50x128xi32, #tpu.memory_space<hbm>>
        tpu.enqueue_dma source(%dma_start3A_176 : memref<50x128xi32, #tpu.memory_space<hbm>>) target(%arg12 : memref<50x128xi32, #tpu.memory_space<vmem>>) target_semaphore(%run_scoped3A_170 : memref<!tpu.dma_semaphore, #tpu.memory_space<semaphore_mem>>)
        %dma_wait3A = arith.constant 0 : i32
        %dma_wait3A_177 = tpu.memref_slice %arg2[%run_scoped3A_118, %add3A, %dma_wait3A] : memref<2x6400x128xi32, #tpu.memory_space<hbm>> -> memref<1x50x128xi32, #tpu.memory_space<hbm>>
        %dma_wait3A_178 = tpu.memref_squeeze %dma_wait3A_177 : memref<1x50x128xi32, #tpu.memory_space<hbm>> -> memref<50x128xi32, #tpu.memory_space<hbm>>
        %dma_wait3A_179 = arith.constant 0 : i32
        %dma_wait3A_180 = tpu.memref_slice %arg2[%run_scoped3A_118, %add3A, %dma_wait3A_179] : memref<2x6400x128xi32, #tpu.memory_space<hbm>> -> memref<1x50x128xi32, #tpu.memory_space<hbm>>
        %dma_wait3A_181 = tpu.memref_squeeze %dma_wait3A_180 : memref<1x50x128xi32, #tpu.memory_space<hbm>> -> memref<50x128xi32, #tpu.memory_space<hbm>>
        tpu.wait_dma2 semaphore(%run_scoped3A_170 : memref<!tpu.dma_semaphore, #tpu.memory_space<semaphore_mem>>) src(%dma_wait3A_181 : memref<50x128xi32, #tpu.memory_space<hbm>>) dst(%arg12 : memref<50x128xi32, #tpu.memory_space<vmem>>)
        tpu.yield
      }) : () -> ()
      %dma_start3A = arith.constant 0 : i32
      %dma_start3A_119 = arith.constant 0 : i32
      %dma_start3A_120 = tpu.memref_slice %arg11[%dma_start3A, %dma_start3A_119] : memref<50x128xi32, #tpu.memory_space<vmem>> -> memref<1x128xi32, #tpu.memory_space<vmem>>
      %dma_start3A_121 = tpu.memref_squeeze %dma_start3A_120 : memref<1x128xi32, #tpu.memory_space<vmem>> -> memref<128xi32, #tpu.memory_space<vmem>>
      %dma_start3A_122 = arith.constant 0 : i32
      %dma_start3A_123 = arith.constant 0 : i32
      %dma_start3A_124 = tpu.memref_slice %arg5[%arg0, %dma_start3A_122, %dma_start3A_123] : memref<2x50176x32xf32, #tpu.memory_space<hbm>> -> memref<1x50176x32xf32, #tpu.memory_space<hbm>>
      %dma_start3A_125 = tpu.memref_squeeze %dma_start3A_124 : memref<1x50176x32xf32, #tpu.memory_space<hbm>> -> memref<50176x32xf32, #tpu.memory_space<hbm>>
      %dma_start3A_126 = arith.constant 0 : i32
      %dma_start3A_127 = arith.constant 0 : i32
      %dma_start3A_128 = tpu.memref_slice %dma_start3A_125[%dma_start3A_126, %dma_start3A_127] : memref<50176x32xf32, #tpu.memory_space<hbm>> -> memref<50176x32xf32, #tpu.memory_space<hbm>>
      tpu.enqueue_indirect_dma source(%dma_start3A_128 : memref<50176x32xf32, #tpu.memory_space<hbm>>) target(%arg13 : memref<128x32xf32, #tpu.memory_space<vmem>>) offsets(%dma_start3A_121 : memref<128xi32, #tpu.memory_space<vmem>>) semaphore(%arg18 : memref<!tpu.dma_semaphore, #tpu.memory_space<semaphore_mem>>)
      %dma_start3A_129 = arith.constant 0 : i32
      %dma_start3A_130 = arith.constant 0 : i32
      %dma_start3A_131 = tpu.memref_slice %arg12[%dma_start3A_129, %dma_start3A_130] : memref<50x128xi32, #tpu.memory_space<vmem>> -> memref<1x128xi32, #tpu.memory_space<vmem>>
      %dma_start3A_132 = tpu.memref_squeeze %dma_start3A_131 : memref<1x128xi32, #tpu.memory_space<vmem>> -> memref<128xi32, #tpu.memory_space<vmem>>
      %dma_start3A_133 = arith.constant 0 : i32
      %dma_start3A_134 = arith.constant 0 : i32
      %dma_start3A_135 = tpu.memref_slice %arg5[%arg0, %dma_start3A_133, %dma_start3A_134] : memref<2x50176x32xf32, #tpu.memory_space<hbm>> -> memref<1x50176x32xf32, #tpu.memory_space<hbm>>
      %dma_start3A_136 = tpu.memref_squeeze %dma_start3A_135 : memref<1x50176x32xf32, #tpu.memory_space<hbm>> -> memref<50176x32xf32, #tpu.memory_space<hbm>>
      %dma_start3A_137 = arith.constant 0 : i32
      %dma_start3A_138 = arith.constant 0 : i32
      %dma_start3A_139 = tpu.memref_slice %dma_start3A_136[%dma_start3A_137, %dma_start3A_138] : memref<50176x32xf32, #tpu.memory_space<hbm>> -> memref<50176x32xf32, #tpu.memory_space<hbm>>
      tpu.enqueue_indirect_dma source(%dma_start3A_139 : memref<50176x32xf32, #tpu.memory_space<hbm>>) target(%arg14 : memref<128x32xf32, #tpu.memory_space<vmem>>) offsets(%dma_start3A_132 : memref<128xi32, #tpu.memory_space<vmem>>) semaphore(%arg19 : memref<!tpu.dma_semaphore, #tpu.memory_space<semaphore_mem>>)
      %dma_start3A_140 = arith.constant 1 : i32
      %dma_start3A_141 = arith.constant 0 : i32
      %dma_start3A_142 = tpu.memref_slice %arg11[%dma_start3A_140, %dma_start3A_141] : memref<50x128xi32, #tpu.memory_space<vmem>> -> memref<1x128xi32, #tpu.memory_space<vmem>>
      %dma_start3A_143 = tpu.memref_squeeze %dma_start3A_142 : memref<1x128xi32, #tpu.memory_space<vmem>> -> memref<128xi32, #tpu.memory_space<vmem>>
      %dma_start3A_144 = arith.constant 0 : i32
      %dma_start3A_145 = arith.constant 0 : i32
      %dma_start3A_146 = tpu.memref_slice %arg5[%arg0, %dma_start3A_144, %dma_start3A_145] : memref<2x50176x32xf32, #tpu.memory_space<hbm>> -> memref<1x50176x32xf32, #tpu.memory_space<hbm>>
      %dma_start3A_147 = tpu.memref_squeeze %dma_start3A_146 : memref<1x50176x32xf32, #tpu.memory_space<hbm>> -> memref<50176x32xf32, #tpu.memory_space<hbm>>
      %dma_start3A_148 = arith.constant 0 : i32
      %dma_start3A_149 = arith.constant 0 : i32
      %dma_start3A_150 = tpu.memref_slice %dma_start3A_147[%dma_start3A_148, %dma_start3A_149] : memref<50176x32xf32, #tpu.memory_space<hbm>> -> memref<50176x32xf32, #tpu.memory_space<hbm>>
      tpu.enqueue_indirect_dma source(%dma_start3A_150 : memref<50176x32xf32, #tpu.memory_space<hbm>>) target(%arg15 : memref<128x32xf32, #tpu.memory_space<vmem>>) offsets(%dma_start3A_143 : memref<128xi32, #tpu.memory_space<vmem>>) semaphore(%arg20 : memref<!tpu.dma_semaphore, #tpu.memory_space<semaphore_mem>>)
      %dma_start3A_151 = arith.constant 1 : i32
      %dma_start3A_152 = arith.constant 0 : i32
      %dma_start3A_153 = tpu.memref_slice %arg12[%dma_start3A_151, %dma_start3A_152] : memref<50x128xi32, #tpu.memory_space<vmem>> -> memref<1x128xi32, #tpu.memory_space<vmem>>
      %dma_start3A_154 = tpu.memref_squeeze %dma_start3A_153 : memref<1x128xi32, #tpu.memory_space<vmem>> -> memref<128xi32, #tpu.memory_space<vmem>>
      %dma_start3A_155 = arith.constant 0 : i32
      %dma_start3A_156 = arith.constant 0 : i32
      %dma_start3A_157 = tpu.memref_slice %arg5[%arg0, %dma_start3A_155, %dma_start3A_156] : memref<2x50176x32xf32, #tpu.memory_space<hbm>> -> memref<1x50176x32xf32, #tpu.memory_space<hbm>>
      %dma_start3A_158 = tpu.memref_squeeze %dma_start3A_157 : memref<1x50176x32xf32, #tpu.memory_space<hbm>> -> memref<50176x32xf32, #tpu.memory_space<hbm>>
      %dma_start3A_159 = arith.constant 0 : i32
      %dma_start3A_160 = arith.constant 0 : i32
      %dma_start3A_161 = tpu.memref_slice %dma_start3A_158[%dma_start3A_159, %dma_start3A_160] : memref<50176x32xf32, #tpu.memory_space<hbm>> -> memref<50176x32xf32, #tpu.memory_space<hbm>>
      tpu.enqueue_indirect_dma source(%dma_start3A_161 : memref<50176x32xf32, #tpu.memory_space<hbm>>) target(%arg16 : memref<128x32xf32, #tpu.memory_space<vmem>>) offsets(%dma_start3A_154 : memref<128xi32, #tpu.memory_space<vmem>>) semaphore(%arg21 : memref<!tpu.dma_semaphore, #tpu.memory_space<semaphore_mem>>)
      %scan3A_162 = arith.constant 0 : i32
      %scan3A_163 = arith.constant 0 : i32
      %scan3A_164 = arith.constant 25 : i32
      %scan3A_165 = arith.addi %scan3A_163, %scan3A_164 : i32
      %scan3A_166 = arith.constant 1 : i32
      %scan3A_167 = scf.for %scan3A_170 = %scan3A_163 to %scan3A_165 step %scan3A_166 iter_args(%scan3A_171 = %scan3A_162) -> (i32)  : i32 {
        %dma_wait3A = arith.constant 0 : i32
        %dma_wait3A_172 = arith.constant 0 : i32
        %dma_wait3A_173 = tpu.memref_slice %arg5[%arg0, %dma_wait3A, %dma_wait3A_172] : memref<2x50176x32xf32, #tpu.memory_space<hbm>> -> memref<1x50176x32xf32, #tpu.memory_space<hbm>>
        %dma_wait3A_174 = tpu.memref_squeeze %dma_wait3A_173 : memref<1x50176x32xf32, #tpu.memory_space<hbm>> -> memref<50176x32xf32, #tpu.memory_space<hbm>>
        %dma_wait3A_175 = arith.constant 0 : i32
        %dma_wait3A_176 = arith.constant 0 : i32
        %dma_wait3A_177 = tpu.memref_slice %dma_wait3A_174[%dma_wait3A_175, %dma_wait3A_176] : memref<50176x32xf32, #tpu.memory_space<hbm>> -> memref<128x32xf32, #tpu.memory_space<hbm>>
        %dma_wait3A_178 = arith.constant 0 : i32
        %dma_wait3A_179 = arith.constant 0 : i32
        %dma_wait3A_180 = tpu.memref_slice %arg5[%arg0, %dma_wait3A_178, %dma_wait3A_179] : memref<2x50176x32xf32, #tpu.memory_space<hbm>> -> memref<1x50176x32xf32, #tpu.memory_space<hbm>>
        %dma_wait3A_181 = tpu.memref_squeeze %dma_wait3A_180 : memref<1x50176x32xf32, #tpu.memory_space<hbm>> -> memref<50176x32xf32, #tpu.memory_space<hbm>>
        %dma_wait3A_182 = arith.constant 0 : i32
        %dma_wait3A_183 = arith.constant 0 : i32
        %dma_wait3A_184 = tpu.memref_slice %dma_wait3A_181[%dma_wait3A_182, %dma_wait3A_183] : memref<50176x32xf32, #tpu.memory_space<hbm>> -> memref<128x32xf32, #tpu.memory_space<hbm>>
        tpu.wait_dma2 semaphore(%arg18 : memref<!tpu.dma_semaphore, #tpu.memory_space<semaphore_mem>>) src(%dma_wait3A_184 : memref<128x32xf32, #tpu.memory_space<hbm>>) dst(%arg13 : memref<128x32xf32, #tpu.memory_space<vmem>>)
        %mul3A_185 = arith.constant 2 : i32
        %mul3A_186 = arith.muli %mul3A_185, %scan3A_170 : i32
        %add3A_187 = arith.constant 0 : i32
        %add3A_188 = arith.addi %mul3A_186, %add3A_187 : i32
        "tpu.region"() ({
          %run_scoped3A_261 = tpu.sem_alloc : memref<!tpu.dma_semaphore, #tpu.memory_space<semaphore_mem>>
          %dma_start3A_262 = arith.constant 0 : i32
          %dma_start3A_263 = tpu.memref_slice %arg12[%add3A_188, %dma_start3A_262] : memref<50x128xi32, #tpu.memory_space<vmem>> -> memref<1x128xi32, #tpu.memory_space<vmem>>
          %dma_start3A_264 = tpu.memref_squeeze %dma_start3A_263 : memref<1x128xi32, #tpu.memory_space<vmem>> -> memref<128xi32, #tpu.memory_space<vmem>>
          %dma_start3A_265 = arith.constant 0 : i32
          %dma_start3A_266 = arith.constant 0 : i32
          %dma_start3A_267 = tpu.memref_slice %arg17[%dma_start3A_265, %dma_start3A_266] : memref<50176x32xf32, #tpu.memory_space<vmem_shared>> -> memref<50176x32xf32, #tpu.memory_space<vmem_shared>>
          tpu.enqueue_indirect_dma source(%arg13 : memref<128x32xf32, #tpu.memory_space<vmem>>) target(%dma_start3A_267 : memref<50176x32xf32, #tpu.memory_space<vmem_shared>>) offsets(%dma_start3A_264 : memref<128xi32, #tpu.memory_space<vmem>>) semaphore(%run_scoped3A_261 : memref<!tpu.dma_semaphore, #tpu.memory_space<semaphore_mem>>) {add = true}
          %dma_wait3A_268 = arith.constant 0 : i32
          %dma_wait3A_269 = tpu.memref_slice %arg12[%add3A_188, %dma_wait3A_268] : memref<50x128xi32, #tpu.memory_space<vmem>> -> memref<1x128xi32, #tpu.memory_space<vmem>>
          %dma_wait3A_270 = tpu.memref_squeeze %dma_wait3A_269 : memref<1x128xi32, #tpu.memory_space<vmem>> -> memref<128xi32, #tpu.memory_space<vmem>>
          %dma_wait3A_271 = arith.constant 0 : i32
          %dma_wait3A_272 = arith.constant 0 : i32
          %dma_wait3A_273 = tpu.memref_slice %arg17[%dma_wait3A_271, %dma_wait3A_272] : memref<50176x32xf32, #tpu.memory_space<vmem_shared>> -> memref<50176x32xf32, #tpu.memory_space<vmem_shared>>
          tpu.wait_indirect_dma semaphore(%run_scoped3A_261 : memref<!tpu.dma_semaphore, #tpu.memory_space<semaphore_mem>>) src(%arg13 : memref<128x32xf32, #tpu.memory_space<vmem>>) dst(%dma_wait3A_273 : memref<50176x32xf32, #tpu.memory_space<vmem_shared>>)
          tpu.yield
        }) : () -> ()
        %lt3A = arith.constant 24 : i32
        %lt3A_189 = arith.cmpi slt, %scan3A_170, %lt3A : i32
        %convert_element_type3A = arith.extui %lt3A_189 : i1 to i32
        %cond3A = arith.constant 0 : i32
        %cond3A_190 = arith.cmpi ne, %convert_element_type3A, %cond3A : i32
        scf.if %cond3A_190 {
          %add3A_261 = arith.constant 1 : i32
          %add3A_262 = arith.addi %scan3A_170, %add3A_261 : i32
          %mul3A_263 = arith.constant 2 : i32
          %mul3A_264 = arith.muli %mul3A_263, %add3A_262 : i32
          %add3A_265 = arith.constant 0 : i32
          %add3A_266 = arith.addi %mul3A_264, %add3A_265 : i32
          %dma_start3A_267 = arith.constant 0 : i32
          %dma_start3A_268 = tpu.memref_slice %arg11[%add3A_266, %dma_start3A_267] : memref<50x128xi32, #tpu.memory_space<vmem>> -> memref<1x128xi32, #tpu.memory_space<vmem>>
          %dma_start3A_269 = tpu.memref_squeeze %dma_start3A_268 : memref<1x128xi32, #tpu.memory_space<vmem>> -> memref<128xi32, #tpu.memory_space<vmem>>
          %dma_start3A_270 = arith.constant 0 : i32
          %dma_start3A_271 = arith.constant 0 : i32
          %dma_start3A_272 = tpu.memref_slice %arg5[%arg0, %dma_start3A_270, %dma_start3A_271] : memref<2x50176x32xf32, #tpu.memory_space<hbm>> -> memref<1x50176x32xf32, #tpu.memory_space<hbm>>
          %dma_start3A_273 = tpu.memref_squeeze %dma_start3A_272 : memref<1x50176x32xf32, #tpu.memory_space<hbm>> -> memref<50176x32xf32, #tpu.memory_space<hbm>>
          %dma_start3A_274 = arith.constant 0 : i32
          %dma_start3A_275 = arith.constant 0 : i32
          %dma_start3A_276 = tpu.memref_slice %dma_start3A_273[%dma_start3A_274, %dma_start3A_275] : memref<50176x32xf32, #tpu.memory_space<hbm>> -> memref<50176x32xf32, #tpu.memory_space<hbm>>
          tpu.enqueue_indirect_dma source(%dma_start3A_276 : memref<50176x32xf32, #tpu.memory_space<hbm>>) target(%arg13 : memref<128x32xf32, #tpu.memory_space<vmem>>) offsets(%dma_start3A_269 : memref<128xi32, #tpu.memory_space<vmem>>) semaphore(%arg18 : memref<!tpu.dma_semaphore, #tpu.memory_space<semaphore_mem>>)
        } else {
        }
        %dma_wait3A_191 = arith.constant 0 : i32
        %dma_wait3A_192 = arith.constant 0 : i32
        %dma_wait3A_193 = tpu.memref_slice %arg5[%arg0, %dma_wait3A_191, %dma_wait3A_192] : memref<2x50176x32xf32, #tpu.memory_space<hbm>> -> memref<1x50176x32xf32, #tpu.memory_space<hbm>>
        %dma_wait3A_194 = tpu.memref_squeeze %dma_wait3A_193 : memref<1x50176x32xf32, #tpu.memory_space<hbm>> -> memref<50176x32xf32, #tpu.memory_space<hbm>>
        %dma_wait3A_195 = arith.constant 0 : i32
        %dma_wait3A_196 = arith.constant 0 : i32
        %dma_wait3A_197 = tpu.memref_slice %dma_wait3A_194[%dma_wait3A_195, %dma_wait3A_196] : memref<50176x32xf32, #tpu.memory_space<hbm>> -> memref<128x32xf32, #tpu.memory_space<hbm>>
        %dma_wait3A_198 = arith.constant 0 : i32
        %dma_wait3A_199 = arith.constant 0 : i32
        %dma_wait3A_200 = tpu.memref_slice %arg5[%arg0, %dma_wait3A_198, %dma_wait3A_199] : memref<2x50176x32xf32, #tpu.memory_space<hbm>> -> memref<1x50176x32xf32, #tpu.memory_space<hbm>>
        %dma_wait3A_201 = tpu.memref_squeeze %dma_wait3A_200 : memref<1x50176x32xf32, #tpu.memory_space<hbm>> -> memref<50176x32xf32, #tpu.memory_space<hbm>>
        %dma_wait3A_202 = arith.constant 0 : i32
        %dma_wait3A_203 = arith.constant 0 : i32
        %dma_wait3A_204 = tpu.memref_slice %dma_wait3A_201[%dma_wait3A_202, %dma_wait3A_203] : memref<50176x32xf32, #tpu.memory_space<hbm>> -> memref<128x32xf32, #tpu.memory_space<hbm>>
        tpu.wait_dma2 semaphore(%arg19 : memref<!tpu.dma_semaphore, #tpu.memory_space<semaphore_mem>>) src(%dma_wait3A_204 : memref<128x32xf32, #tpu.memory_space<hbm>>) dst(%arg14 : memref<128x32xf32, #tpu.memory_space<vmem>>)
        %mul3A_205 = arith.constant 2 : i32
        %mul3A_206 = arith.muli %mul3A_205, %scan3A_170 : i32
        %add3A_207 = arith.constant 0 : i32
        %add3A_208 = arith.addi %mul3A_206, %add3A_207 : i32
        "tpu.region"() ({
          %run_scoped3A_261 = tpu.sem_alloc : memref<!tpu.dma_semaphore, #tpu.memory_space<semaphore_mem>>
          %dma_start3A_262 = arith.constant 0 : i32
          %dma_start3A_263 = tpu.memref_slice %arg11[%add3A_208, %dma_start3A_262] : memref<50x128xi32, #tpu.memory_space<vmem>> -> memref<1x128xi32, #tpu.memory_space<vmem>>
          %dma_start3A_264 = tpu.memref_squeeze %dma_start3A_263 : memref<1x128xi32, #tpu.memory_space<vmem>> -> memref<128xi32, #tpu.memory_space<vmem>>
          %dma_start3A_265 = arith.constant 0 : i32
          %dma_start3A_266 = arith.constant 0 : i32
          %dma_start3A_267 = tpu.memref_slice %arg17[%dma_start3A_265, %dma_start3A_266] : memref<50176x32xf32, #tpu.memory_space<vmem_shared>> -> memref<50176x32xf32, #tpu.memory_space<vmem_shared>>
          tpu.enqueue_indirect_dma source(%arg14 : memref<128x32xf32, #tpu.memory_space<vmem>>) target(%dma_start3A_267 : memref<50176x32xf32, #tpu.memory_space<vmem_shared>>) offsets(%dma_start3A_264 : memref<128xi32, #tpu.memory_space<vmem>>) semaphore(%run_scoped3A_261 : memref<!tpu.dma_semaphore, #tpu.memory_space<semaphore_mem>>) {add = true}
          %dma_wait3A_268 = arith.constant 0 : i32
          %dma_wait3A_269 = tpu.memref_slice %arg11[%add3A_208, %dma_wait3A_268] : memref<50x128xi32, #tpu.memory_space<vmem>> -> memref<1x128xi32, #tpu.memory_space<vmem>>
          %dma_wait3A_270 = tpu.memref_squeeze %dma_wait3A_269 : memref<1x128xi32, #tpu.memory_space<vmem>> -> memref<128xi32, #tpu.memory_space<vmem>>
          %dma_wait3A_271 = arith.constant 0 : i32
          %dma_wait3A_272 = arith.constant 0 : i32
          %dma_wait3A_273 = tpu.memref_slice %arg17[%dma_wait3A_271, %dma_wait3A_272] : memref<50176x32xf32, #tpu.memory_space<vmem_shared>> -> memref<50176x32xf32, #tpu.memory_space<vmem_shared>>
          tpu.wait_indirect_dma semaphore(%run_scoped3A_261 : memref<!tpu.dma_semaphore, #tpu.memory_space<semaphore_mem>>) src(%arg14 : memref<128x32xf32, #tpu.memory_space<vmem>>) dst(%dma_wait3A_273 : memref<50176x32xf32, #tpu.memory_space<vmem_shared>>)
          tpu.yield
        }) : () -> ()
        %lt3A_209 = arith.constant 24 : i32
        %lt3A_210 = arith.cmpi slt, %scan3A_170, %lt3A_209 : i32
        %convert_element_type3A_211 = arith.extui %lt3A_210 : i1 to i32
        %cond3A_212 = arith.constant 0 : i32
        %cond3A_213 = arith.cmpi ne, %convert_element_type3A_211, %cond3A_212 : i32
        scf.if %cond3A_213 {
          %add3A_261 = arith.constant 1 : i32
          %add3A_262 = arith.addi %scan3A_170, %add3A_261 : i32
          %mul3A_263 = arith.constant 2 : i32
          %mul3A_264 = arith.muli %mul3A_263, %add3A_262 : i32
          %add3A_265 = arith.constant 0 : i32
          %add3A_266 = arith.addi %mul3A_264, %add3A_265 : i32
          %dma_start3A_267 = arith.constant 0 : i32
          %dma_start3A_268 = tpu.memref_slice %arg12[%add3A_266, %dma_start3A_267] : memref<50x128xi32, #tpu.memory_space<vmem>> -> memref<1x128xi32, #tpu.memory_space<vmem>>
          %dma_start3A_269 = tpu.memref_squeeze %dma_start3A_268 : memref<1x128xi32, #tpu.memory_space<vmem>> -> memref<128xi32, #tpu.memory_space<vmem>>
          %dma_start3A_270 = arith.constant 0 : i32
          %dma_start3A_271 = arith.constant 0 : i32
          %dma_start3A_272 = tpu.memref_slice %arg5[%arg0, %dma_start3A_270, %dma_start3A_271] : memref<2x50176x32xf32, #tpu.memory_space<hbm>> -> memref<1x50176x32xf32, #tpu.memory_space<hbm>>
          %dma_start3A_273 = tpu.memref_squeeze %dma_start3A_272 : memref<1x50176x32xf32, #tpu.memory_space<hbm>> -> memref<50176x32xf32, #tpu.memory_space<hbm>>
          %dma_start3A_274 = arith.constant 0 : i32
          %dma_start3A_275 = arith.constant 0 : i32
          %dma_start3A_276 = tpu.memref_slice %dma_start3A_273[%dma_start3A_274, %dma_start3A_275] : memref<50176x32xf32, #tpu.memory_space<hbm>> -> memref<50176x32xf32, #tpu.memory_space<hbm>>
          tpu.enqueue_indirect_dma source(%dma_start3A_276 : memref<50176x32xf32, #tpu.memory_space<hbm>>) target(%arg14 : memref<128x32xf32, #tpu.memory_space<vmem>>) offsets(%dma_start3A_269 : memref<128xi32, #tpu.memory_space<vmem>>) semaphore(%arg19 : memref<!tpu.dma_semaphore, #tpu.memory_space<semaphore_mem>>)
        } else {
        }
        %dma_wait3A_214 = arith.constant 0 : i32
        %dma_wait3A_215 = arith.constant 0 : i32
        %dma_wait3A_216 = tpu.memref_slice %arg5[%arg0, %dma_wait3A_214, %dma_wait3A_215] : memref<2x50176x32xf32, #tpu.memory_space<hbm>> -> memref<1x50176x32xf32, #tpu.memory_space<hbm>>
        %dma_wait3A_217 = tpu.memref_squeeze %dma_wait3A_216 : memref<1x50176x32xf32, #tpu.memory_space<hbm>> -> memref<50176x32xf32, #tpu.memory_space<hbm>>
        %dma_wait3A_218 = arith.constant 0 : i32
        %dma_wait3A_219 = arith.constant 0 : i32
        %dma_wait3A_220 = tpu.memref_slice %dma_wait3A_217[%dma_wait3A_218, %dma_wait3A_219] : memref<50176x32xf32, #tpu.memory_space<hbm>> -> memref<128x32xf32, #tpu.memory_space<hbm>>
        %dma_wait3A_221 = arith.constant 0 : i32
        %dma_wait3A_222 = arith.constant 0 : i32
        %dma_wait3A_223 = tpu.memref_slice %arg5[%arg0, %dma_wait3A_221, %dma_wait3A_222] : memref<2x50176x32xf32, #tpu.memory_space<hbm>> -> memref<1x50176x32xf32, #tpu.memory_space<hbm>>
        %dma_wait3A_224 = tpu.memref_squeeze %dma_wait3A_223 : memref<1x50176x32xf32, #tpu.memory_space<hbm>> -> memref<50176x32xf32, #tpu.memory_space<hbm>>
        %dma_wait3A_225 = arith.constant 0 : i32
        %dma_wait3A_226 = arith.constant 0 : i32
        %dma_wait3A_227 = tpu.memref_slice %dma_wait3A_224[%dma_wait3A_225, %dma_wait3A_226] : memref<50176x32xf32, #tpu.memory_space<hbm>> -> memref<128x32xf32, #tpu.memory_space<hbm>>
        tpu.wait_dma2 semaphore(%arg20 : memref<!tpu.dma_semaphore, #tpu.memory_space<semaphore_mem>>) src(%dma_wait3A_227 : memref<128x32xf32, #tpu.memory_space<hbm>>) dst(%arg15 : memref<128x32xf32, #tpu.memory_space<vmem>>)
        %mul3A_228 = arith.constant 2 : i32
        %mul3A_229 = arith.muli %mul3A_228, %scan3A_170 : i32
        %add3A_230 = arith.constant 1 : i32
        %add3A_231 = arith.addi %mul3A_229, %add3A_230 : i32
        "tpu.region"() ({
          %run_scoped3A_261 = tpu.sem_alloc : memref<!tpu.dma_semaphore, #tpu.memory_space<semaphore_mem>>
          %dma_start3A_262 = arith.constant 0 : i32
          %dma_start3A_263 = tpu.memref_slice %arg12[%add3A_231, %dma_start3A_262] : memref<50x128xi32, #tpu.memory_space<vmem>> -> memref<1x128xi32, #tpu.memory_space<vmem>>
          %dma_start3A_264 = tpu.memref_squeeze %dma_start3A_263 : memref<1x128xi32, #tpu.memory_space<vmem>> -> memref<128xi32, #tpu.memory_space<vmem>>
          %dma_start3A_265 = arith.constant 0 : i32
          %dma_start3A_266 = arith.constant 0 : i32
          %dma_start3A_267 = tpu.memref_slice %arg17[%dma_start3A_265, %dma_start3A_266] : memref<50176x32xf32, #tpu.memory_space<vmem_shared>> -> memref<50176x32xf32, #tpu.memory_space<vmem_shared>>
          tpu.enqueue_indirect_dma source(%arg15 : memref<128x32xf32, #tpu.memory_space<vmem>>) target(%dma_start3A_267 : memref<50176x32xf32, #tpu.memory_space<vmem_shared>>) offsets(%dma_start3A_264 : memref<128xi32, #tpu.memory_space<vmem>>) semaphore(%run_scoped3A_261 : memref<!tpu.dma_semaphore, #tpu.memory_space<semaphore_mem>>) {add = true}
          %dma_wait3A_268 = arith.constant 0 : i32
          %dma_wait3A_269 = tpu.memref_slice %arg12[%add3A_231, %dma_wait3A_268] : memref<50x128xi32, #tpu.memory_space<vmem>> -> memref<1x128xi32, #tpu.memory_space<vmem>>
          %dma_wait3A_270 = tpu.memref_squeeze %dma_wait3A_269 : memref<1x128xi32, #tpu.memory_space<vmem>> -> memref<128xi32, #tpu.memory_space<vmem>>
          %dma_wait3A_271 = arith.constant 0 : i32
          %dma_wait3A_272 = arith.constant 0 : i32
          %dma_wait3A_273 = tpu.memref_slice %arg17[%dma_wait3A_271, %dma_wait3A_272] : memref<50176x32xf32, #tpu.memory_space<vmem_shared>> -> memref<50176x32xf32, #tpu.memory_space<vmem_shared>>
          tpu.wait_indirect_dma semaphore(%run_scoped3A_261 : memref<!tpu.dma_semaphore, #tpu.memory_space<semaphore_mem>>) src(%arg15 : memref<128x32xf32, #tpu.memory_space<vmem>>) dst(%dma_wait3A_273 : memref<50176x32xf32, #tpu.memory_space<vmem_shared>>)
          tpu.yield
        }) : () -> ()
        %lt3A_232 = arith.constant 24 : i32
        %lt3A_233 = arith.cmpi slt, %scan3A_170, %lt3A_232 : i32
        %convert_element_type3A_234 = arith.extui %lt3A_233 : i1 to i32
        %cond3A_235 = arith.constant 0 : i32
        %cond3A_236 = arith.cmpi ne, %convert_element_type3A_234, %cond3A_235 : i32
        scf.if %cond3A_236 {
          %add3A_261 = arith.constant 1 : i32
          %add3A_262 = arith.addi %scan3A_170, %add3A_261 : i32
          %mul3A_263 = arith.constant 2 : i32
          %mul3A_264 = arith.muli %mul3A_263, %add3A_262 : i32
          %add3A_265 = arith.constant 1 : i32
          %add3A_266 = arith.addi %mul3A_264, %add3A_265 : i32
          %dma_start3A_267 = arith.constant 0 : i32
          %dma_start3A_268 = tpu.memref_slice %arg11[%add3A_266, %dma_start3A_267] : memref<50x128xi32, #tpu.memory_space<vmem>> -> memref<1x128xi32, #tpu.memory_space<vmem>>
          %dma_start3A_269 = tpu.memref_squeeze %dma_start3A_268 : memref<1x128xi32, #tpu.memory_space<vmem>> -> memref<128xi32, #tpu.memory_space<vmem>>
          %dma_start3A_270 = arith.constant 0 : i32
          %dma_start3A_271 = arith.constant 0 : i32
          %dma_start3A_272 = tpu.memref_slice %arg5[%arg0, %dma_start3A_270, %dma_start3A_271] : memref<2x50176x32xf32, #tpu.memory_space<hbm>> -> memref<1x50176x32xf32, #tpu.memory_space<hbm>>
          %dma_start3A_273 = tpu.memref_squeeze %dma_start3A_272 : memref<1x50176x32xf32, #tpu.memory_space<hbm>> -> memref<50176x32xf32, #tpu.memory_space<hbm>>
          %dma_start3A_274 = arith.constant 0 : i32
          %dma_start3A_275 = arith.constant 0 : i32
          %dma_start3A_276 = tpu.memref_slice %dma_start3A_273[%dma_start3A_274, %dma_start3A_275] : memref<50176x32xf32, #tpu.memory_space<hbm>> -> memref<50176x32xf32, #tpu.memory_space<hbm>>
          tpu.enqueue_indirect_dma source(%dma_start3A_276 : memref<50176x32xf32, #tpu.memory_space<hbm>>) target(%arg15 : memref<128x32xf32, #tpu.memory_space<vmem>>) offsets(%dma_start3A_269 : memref<128xi32, #tpu.memory_space<vmem>>) semaphore(%arg20 : memref<!tpu.dma_semaphore, #tpu.memory_space<semaphore_mem>>)
        } else {
        }
        %dma_wait3A_237 = arith.constant 0 : i32
        %dma_wait3A_238 = arith.constant 0 : i32
        %dma_wait3A_239 = tpu.memref_slice %arg5[%arg0, %dma_wait3A_237, %dma_wait3A_238] : memref<2x50176x32xf32, #tpu.memory_space<hbm>> -> memref<1x50176x32xf32, #tpu.memory_space<hbm>>
        %dma_wait3A_240 = tpu.memref_squeeze %dma_wait3A_239 : memref<1x50176x32xf32, #tpu.memory_space<hbm>> -> memref<50176x32xf32, #tpu.memory_space<hbm>>
        %dma_wait3A_241 = arith.constant 0 : i32
        %dma_wait3A_242 = arith.constant 0 : i32
        %dma_wait3A_243 = tpu.memref_slice %dma_wait3A_240[%dma_wait3A_241, %dma_wait3A_242] : memref<50176x32xf32, #tpu.memory_space<hbm>> -> memref<128x32xf32, #tpu.memory_space<hbm>>
        %dma_wait3A_244 = arith.constant 0 : i32
        %dma_wait3A_245 = arith.constant 0 : i32
        %dma_wait3A_246 = tpu.memref_slice %arg5[%arg0, %dma_wait3A_244, %dma_wait3A_245] : memref<2x50176x32xf32, #tpu.memory_space<hbm>> -> memref<1x50176x32xf32, #tpu.memory_space<hbm>>
        %dma_wait3A_247 = tpu.memref_squeeze %dma_wait3A_246 : memref<1x50176x32xf32, #tpu.memory_space<hbm>> -> memref<50176x32xf32, #tpu.memory_space<hbm>>
        %dma_wait3A_248 = arith.constant 0 : i32
        %dma_wait3A_249 = arith.constant 0 : i32
        %dma_wait3A_250 = tpu.memref_slice %dma_wait3A_247[%dma_wait3A_248, %dma_wait3A_249] : memref<50176x32xf32, #tpu.memory_space<hbm>> -> memref<128x32xf32, #tpu.memory_space<hbm>>
        tpu.wait_dma2 semaphore(%arg21 : memref<!tpu.dma_semaphore, #tpu.memory_space<semaphore_mem>>) src(%dma_wait3A_250 : memref<128x32xf32, #tpu.memory_space<hbm>>) dst(%arg16 : memref<128x32xf32, #tpu.memory_space<vmem>>)
        %mul3A_251 = arith.constant 2 : i32
        %mul3A_252 = arith.muli %mul3A_251, %scan3A_170 : i32
        %add3A_253 = arith.constant 1 : i32
        %add3A_254 = arith.addi %mul3A_252, %add3A_253 : i32
        "tpu.region"() ({
          %run_scoped3A_261 = tpu.sem_alloc : memref<!tpu.dma_semaphore, #tpu.memory_space<semaphore_mem>>
          %dma_start3A_262 = arith.constant 0 : i32
          %dma_start3A_263 = tpu.memref_slice %arg11[%add3A_254, %dma_start3A_262] : memref<50x128xi32, #tpu.memory_space<vmem>> -> memref<1x128xi32, #tpu.memory_space<vmem>>
          %dma_start3A_264 = tpu.memref_squeeze %dma_start3A_263 : memref<1x128xi32, #tpu.memory_space<vmem>> -> memref<128xi32, #tpu.memory_space<vmem>>
          %dma_start3A_265 = arith.constant 0 : i32
          %dma_start3A_266 = arith.constant 0 : i32
          %dma_start3A_267 = tpu.memref_slice %arg17[%dma_start3A_265, %dma_start3A_266] : memref<50176x32xf32, #tpu.memory_space<vmem_shared>> -> memref<50176x32xf32, #tpu.memory_space<vmem_shared>>
          tpu.enqueue_indirect_dma source(%arg16 : memref<128x32xf32, #tpu.memory_space<vmem>>) target(%dma_start3A_267 : memref<50176x32xf32, #tpu.memory_space<vmem_shared>>) offsets(%dma_start3A_264 : memref<128xi32, #tpu.memory_space<vmem>>) semaphore(%run_scoped3A_261 : memref<!tpu.dma_semaphore, #tpu.memory_space<semaphore_mem>>) {add = true}
          %dma_wait3A_268 = arith.constant 0 : i32
          %dma_wait3A_269 = tpu.memref_slice %arg11[%add3A_254, %dma_wait3A_268] : memref<50x128xi32, #tpu.memory_space<vmem>> -> memref<1x128xi32, #tpu.memory_space<vmem>>
          %dma_wait3A_270 = tpu.memref_squeeze %dma_wait3A_269 : memref<1x128xi32, #tpu.memory_space<vmem>> -> memref<128xi32, #tpu.memory_space<vmem>>
          %dma_wait3A_271 = arith.constant 0 : i32
          %dma_wait3A_272 = arith.constant 0 : i32
          %dma_wait3A_273 = tpu.memref_slice %arg17[%dma_wait3A_271, %dma_wait3A_272] : memref<50176x32xf32, #tpu.memory_space<vmem_shared>> -> memref<50176x32xf32, #tpu.memory_space<vmem_shared>>
          tpu.wait_indirect_dma semaphore(%run_scoped3A_261 : memref<!tpu.dma_semaphore, #tpu.memory_space<semaphore_mem>>) src(%arg16 : memref<128x32xf32, #tpu.memory_space<vmem>>) dst(%dma_wait3A_273 : memref<50176x32xf32, #tpu.memory_space<vmem_shared>>)
          tpu.yield
        }) : () -> ()
        %lt3A_255 = arith.constant 24 : i32
        %lt3A_256 = arith.cmpi slt, %scan3A_170, %lt3A_255 : i32
        %convert_element_type3A_257 = arith.extui %lt3A_256 : i1 to i32
        %cond3A_258 = arith.constant 0 : i32
        %cond3A_259 = arith.cmpi ne, %convert_element_type3A_257, %cond3A_258 : i32
        scf.if %cond3A_259 {
          %add3A_261 = arith.constant 1 : i32
          %add3A_262 = arith.addi %scan3A_170, %add3A_261 : i32
          %mul3A_263 = arith.constant 2 : i32
          %mul3A_264 = arith.muli %mul3A_263, %add3A_262 : i32
          %add3A_265 = arith.constant 1 : i32
          %add3A_266 = arith.addi %mul3A_264, %add3A_265 : i32
          %dma_start3A_267 = arith.constant 0 : i32
          %dma_start3A_268 = tpu.memref_slice %arg12[%add3A_266, %dma_start3A_267] : memref<50x128xi32, #tpu.memory_space<vmem>> -> memref<1x128xi32, #tpu.memory_space<vmem>>
          %dma_start3A_269 = tpu.memref_squeeze %dma_start3A_268 : memref<1x128xi32, #tpu.memory_space<vmem>> -> memref<128xi32, #tpu.memory_space<vmem>>
          %dma_start3A_270 = arith.constant 0 : i32
          %dma_start3A_271 = arith.constant 0 : i32
          %dma_start3A_272 = tpu.memref_slice %arg5[%arg0, %dma_start3A_270, %dma_start3A_271] : memref<2x50176x32xf32, #tpu.memory_space<hbm>> -> memref<1x50176x32xf32, #tpu.memory_space<hbm>>
          %dma_start3A_273 = tpu.memref_squeeze %dma_start3A_272 : memref<1x50176x32xf32, #tpu.memory_space<hbm>> -> memref<50176x32xf32, #tpu.memory_space<hbm>>
          %dma_start3A_274 = arith.constant 0 : i32
          %dma_start3A_275 = arith.constant 0 : i32
          %dma_start3A_276 = tpu.memref_slice %dma_start3A_273[%dma_start3A_274, %dma_start3A_275] : memref<50176x32xf32, #tpu.memory_space<hbm>> -> memref<50176x32xf32, #tpu.memory_space<hbm>>
          tpu.enqueue_indirect_dma source(%dma_start3A_276 : memref<50176x32xf32, #tpu.memory_space<hbm>>) target(%arg16 : memref<128x32xf32, #tpu.memory_space<vmem>>) offsets(%dma_start3A_269 : memref<128xi32, #tpu.memory_space<vmem>>) semaphore(%arg21 : memref<!tpu.dma_semaphore, #tpu.memory_space<semaphore_mem>>)
        } else {
        }
        %scan3A_260 = arith.constant 0 : i32
        scf.yield %scan3A_260 : i32
      }
      %scan3A_168 = arith.constant 25 : i32
      %scan3A_169 = arith.constant 0 : i32
      scf.yield %scan3A_169 : i32
    }
    %scan3A_54 = arith.constant 8 : i32
    %barrier3A_55 = arith.constant 0 : index
    tpu.barrier barrier_id(%barrier3A_55)
    %broadcast_in_dim3A_56 = arith.constant 0.000000e+00 : f32
    %broadcast_in_dim3A_57 = vector.broadcast %broadcast_in_dim3A_56 : f32 to vector<16xf32>
    %scan3A_58 = arith.constant 0 : i32
    %scan3A_59 = arith.constant 0 : i32
    %scan3A_60 = arith.constant 128 : i32
    %scan3A_61 = arith.addi %scan3A_59, %scan3A_60 : i32
    %scan3A_62 = arith.constant 1 : i32
    %scan3A_63 = scf.for %scan3A_113 = %scan3A_59 to %scan3A_61 step %scan3A_62 iter_args(%scan3A_114 = %scan3A_58) -> (i32)  : i32 {
      %swap3A = arith.index_cast %scan3A_113 : i32 to index
      %swap3A_115 = arith.constant 0 : index
      %swap3A_116 = tpu.vector_load %arg16[%swap3A, %swap3A_115] {strides = array<i32>} : memref<128x32xf32, #tpu.memory_space<vmem>>, vector<16xf32>,
      tpu.vector_store %arg16[%swap3A, %swap3A_115], %broadcast_in_dim3A_57 {strides = array<i32>} : memref<128x32xf32, #tpu.memory_space<vmem>>, vector<16xf32>,
      %swap3A_117 = arith.index_cast %scan3A_113 : i32 to index
      %swap3A_118 = arith.constant 16 : index
      %swap3A_119 = tpu.vector_load %arg16[%swap3A_117, %swap3A_118] {strides = array<i32>} : memref<128x32xf32, #tpu.memory_space<vmem>>, vector<16xf32>,
      tpu.vector_store %arg16[%swap3A_117, %swap3A_118], %broadcast_in_dim3A_57 {strides = array<i32>} : memref<128x32xf32, #tpu.memory_space<vmem>>, vector<16xf32>,
      %scan3A_120 = arith.constant 0 : i32
      scf.yield %scan3A_120 : i32
    }
    %scan3A_64 = arith.constant 128 : i32
    %scan3A_65 = arith.constant 0 : i32
    %scan3A_66 = arith.constant 0 : i32
    %scan3A_67 = arith.constant 25 : i32
    %scan3A_68 = arith.addi %scan3A_66, %scan3A_67 : i32
    %scan3A_69 = arith.constant 1 : i32
    %scan3A_70 = scf.for %scan3A_113 = %scan3A_66 to %scan3A_68 step %scan3A_69 iter_args(%scan3A_114 = %scan3A_65) -> (i32)  : i32 {
      %mul3A = arith.constant 3125 : i32
      %mul3A_115 = arith.muli %arg1, %mul3A : i32
      %mul3A_116 = arith.constant 125 : i32
      %mul3A_117 = arith.muli %scan3A_113, %mul3A_116 : i32
      %add3A = arith.addi %mul3A_115, %mul3A_117 : i32
      "tpu.region"() ({
        %run_scoped3A = tpu.sem_alloc : memref<!tpu.dma_semaphore, #tpu.memory_space<semaphore_mem>>
        %dma_start3A = arith.constant 0 : i32
        %dma_start3A_126 = arith.constant 0 : i32
        %dma_start3A_127 = tpu.memref_slice %arg13[%dma_start3A, %dma_start3A_126] : memref<128x32xf32, #tpu.memory_space<vmem>> -> memref<125x32xf32, #tpu.memory_space<vmem>>
        %dma_start3A_128 = arith.constant 0 : i32
        %dma_start3A_129 = tpu.memref_slice %arg17[%add3A, %dma_start3A_128] : memref<50176x32xf32, #tpu.memory_space<vmem_shared>> -> memref<125x32xf32, #tpu.memory_space<vmem_shared>>
        %dma_start3A_130 = arith.constant 0 : i32
        %dma_start3A_131 = arith.constant 0 : i32
        %dma_start3A_132 = tpu.memref_slice %arg13[%dma_start3A_130, %dma_start3A_131] : memref<128x32xf32, #tpu.memory_space<vmem>> -> memref<125x32xf32, #tpu.memory_space<vmem>>
        %dma_start3A_133 = arith.constant 0 : i32
        %dma_start3A_134 = tpu.memref_slice %arg17[%add3A, %dma_start3A_133] : memref<50176x32xf32, #tpu.memory_space<vmem_shared>> -> memref<125x32xf32, #tpu.memory_space<vmem_shared>>
        tpu.enqueue_dma source(%dma_start3A_134 : memref<125x32xf32, #tpu.memory_space<vmem_shared>>) target(%dma_start3A_132 : memref<125x32xf32, #tpu.memory_space<vmem>>) target_semaphore(%run_scoped3A : memref<!tpu.dma_semaphore, #tpu.memory_space<semaphore_mem>>)
        %dma_wait3A = arith.constant 0 : i32
        %dma_wait3A_135 = arith.constant 0 : i32
        %dma_wait3A_136 = tpu.memref_slice %arg13[%dma_wait3A, %dma_wait3A_135] : memref<128x32xf32, #tpu.memory_space<vmem>> -> memref<125x32xf32, #tpu.memory_space<vmem>>
        %dma_wait3A_137 = arith.constant 0 : i32
        %dma_wait3A_138 = tpu.memref_slice %arg17[%add3A, %dma_wait3A_137] : memref<50176x32xf32, #tpu.memory_space<vmem_shared>> -> memref<125x32xf32, #tpu.memory_space<vmem_shared>>
        %dma_wait3A_139 = arith.constant 0 : i32
        %dma_wait3A_140 = arith.constant 0 : i32
        %dma_wait3A_141 = tpu.memref_slice %arg13[%dma_wait3A_139, %dma_wait3A_140] : memref<128x32xf32, #tpu.memory_space<vmem>> -> memref<125x32xf32, #tpu.memory_space<vmem>>
        %dma_wait3A_142 = arith.constant 0 : i32
        %dma_wait3A_143 = tpu.memref_slice %arg17[%add3A, %dma_wait3A_142] : memref<50176x32xf32, #tpu.memory_space<vmem_shared>> -> memref<125x32xf32, #tpu.memory_space<vmem_shared>>
        tpu.wait_dma2 semaphore(%run_scoped3A : memref<!tpu.dma_semaphore, #tpu.memory_space<semaphore_mem>>) src(%dma_wait3A_143 : memref<125x32xf32, #tpu.memory_space<vmem_shared>>) dst(%dma_wait3A_141 : memref<125x32xf32, #tpu.memory_space<vmem>>)
        tpu.yield
      }) : () -> ()
      "tpu.region"() ({
        %run_scoped3A = tpu.sem_alloc : memref<!tpu.dma_semaphore, #tpu.memory_space<semaphore_mem>>
        %dma_start3A = arith.constant 0 : i32
        %dma_start3A_126 = arith.constant 0 : i32
        %dma_start3A_127 = tpu.memref_slice %arg13[%dma_start3A, %dma_start3A_126] : memref<128x32xf32, #tpu.memory_space<vmem>> -> memref<125x32xf32, #tpu.memory_space<vmem>>
        %dma_start3A_128 = arith.constant 0 : i32
        %dma_start3A_129 = tpu.memref_slice %arg10[%arg0, %add3A, %dma_start3A_128] : memref<2x50000x32xf32, #tpu.memory_space<hbm>> -> memref<1x125x32xf32, #tpu.memory_space<hbm>>
        %dma_start3A_130 = tpu.memref_squeeze %dma_start3A_129 : memref<1x125x32xf32, #tpu.memory_space<hbm>> -> memref<125x32xf32, #tpu.memory_space<hbm>>
        %dma_start3A_131 = arith.constant 0 : i32
        %dma_start3A_132 = tpu.memref_slice %arg10[%arg0, %add3A, %dma_start3A_131] : memref<2x50000x32xf32, #tpu.memory_space<hbm>> -> memref<1x125x32xf32, #tpu.memory_space<hbm>>
        %dma_start3A_133 = tpu.memref_squeeze %dma_start3A_132 : memref<1x125x32xf32, #tpu.memory_space<hbm>> -> memref<125x32xf32, #tpu.memory_space<hbm>>
        %dma_start3A_134 = arith.constant 0 : i32
        %dma_start3A_135 = arith.constant 0 : i32
        %dma_start3A_136 = tpu.memref_slice %arg13[%dma_start3A_134, %dma_start3A_135] : memref<128x32xf32, #tpu.memory_space<vmem>> -> memref<125x32xf32, #tpu.memory_space<vmem>>
        tpu.enqueue_dma source(%dma_start3A_136 : memref<125x32xf32, #tpu.memory_space<vmem>>) target(%dma_start3A_133 : memref<125x32xf32, #tpu.memory_space<hbm>>) target_semaphore(%run_scoped3A : memref<!tpu.dma_semaphore, #tpu.memory_space<semaphore_mem>>)
        %dma_wait3A = arith.constant 0 : i32
        %dma_wait3A_137 = arith.constant 0 : i32
        %dma_wait3A_138 = tpu.memref_slice %arg13[%dma_wait3A, %dma_wait3A_137] : memref<128x32xf32, #tpu.memory_space<vmem>> -> memref<125x32xf32, #tpu.memory_space<vmem>>
        %dma_wait3A_139 = arith.constant 0 : i32
        %dma_wait3A_140 = tpu.memref_slice %arg10[%arg0, %add3A, %dma_wait3A_139] : memref<2x50000x32xf32, #tpu.memory_space<hbm>> -> memref<1x125x32xf32, #tpu.memory_space<hbm>>
        %dma_wait3A_141 = tpu.memref_squeeze %dma_wait3A_140 : memref<1x125x32xf32, #tpu.memory_space<hbm>> -> memref<125x32xf32, #tpu.memory_space<hbm>>
        %dma_wait3A_142 = arith.constant 0 : i32
        %dma_wait3A_143 = tpu.memref_slice %arg10[%arg0, %add3A, %dma_wait3A_142] : memref<2x50000x32xf32, #tpu.memory_space<hbm>> -> memref<1x125x32xf32, #tpu.memory_space<hbm>>
        %dma_wait3A_144 = tpu.memref_squeeze %dma_wait3A_143 : memref<1x125x32xf32, #tpu.memory_space<hbm>> -> memref<125x32xf32, #tpu.memory_space<hbm>>
        %dma_wait3A_145 = arith.constant 0 : i32
        %dma_wait3A_146 = arith.constant 0 : i32
        %dma_wait3A_147 = tpu.memref_slice %arg13[%dma_wait3A_145, %dma_wait3A_146] : memref<128x32xf32, #tpu.memory_space<vmem>> -> memref<125x32xf32, #tpu.memory_space<vmem>>
        tpu.wait_dma2 semaphore(%run_scoped3A : memref<!tpu.dma_semaphore, #tpu.memory_space<semaphore_mem>>) src(%dma_wait3A_147 : memref<125x32xf32, #tpu.memory_space<vmem>>) dst(%dma_wait3A_144 : memref<125x32xf32, #tpu.memory_space<hbm>>)
        tpu.yield
      }) : () -> ()
      "tpu.region"() ({
        %run_scoped3A = tpu.sem_alloc : memref<!tpu.dma_semaphore, #tpu.memory_space<semaphore_mem>>
        %dma_start3A = arith.constant 0 : i32
        %dma_start3A_126 = arith.constant 0 : i32
        %dma_start3A_127 = tpu.memref_slice %arg14[%dma_start3A, %dma_start3A_126] : memref<128x32xf32, #tpu.memory_space<vmem>> -> memref<125x32xf32, #tpu.memory_space<vmem>>
        %dma_start3A_128 = arith.constant 0 : i32
        %dma_start3A_129 = tpu.memref_slice %arg9[%arg0, %add3A, %dma_start3A_128] : memref<2x50000x32xf32, #tpu.memory_space<hbm>> -> memref<1x125x32xf32, #tpu.memory_space<hbm>>
        %dma_start3A_130 = tpu.memref_squeeze %dma_start3A_129 : memref<1x125x32xf32, #tpu.memory_space<hbm>> -> memref<125x32xf32, #tpu.memory_space<hbm>>
        %dma_start3A_131 = arith.constant 0 : i32
        %dma_start3A_132 = arith.constant 0 : i32
        %dma_start3A_133 = tpu.memref_slice %arg14[%dma_start3A_131, %dma_start3A_132] : memref<128x32xf32, #tpu.memory_space<vmem>> -> memref<125x32xf32, #tpu.memory_space<vmem>>
        %dma_start3A_134 = arith.constant 0 : i32
        %dma_start3A_135 = tpu.memref_slice %arg9[%arg0, %add3A, %dma_start3A_134] : memref<2x50000x32xf32, #tpu.memory_space<hbm>> -> memref<1x125x32xf32, #tpu.memory_space<hbm>>
        %dma_start3A_136 = tpu.memref_squeeze %dma_start3A_135 : memref<1x125x32xf32, #tpu.memory_space<hbm>> -> memref<125x32xf32, #tpu.memory_space<hbm>>
        tpu.enqueue_dma source(%dma_start3A_136 : memref<125x32xf32, #tpu.memory_space<hbm>>) target(%dma_start3A_133 : memref<125x32xf32, #tpu.memory_space<vmem>>) target_semaphore(%run_scoped3A : memref<!tpu.dma_semaphore, #tpu.memory_space<semaphore_mem>>)
        %dma_wait3A = arith.constant 0 : i32
        %dma_wait3A_137 = arith.constant 0 : i32
        %dma_wait3A_138 = tpu.memref_slice %arg14[%dma_wait3A, %dma_wait3A_137] : memref<128x32xf32, #tpu.memory_space<vmem>> -> memref<125x32xf32, #tpu.memory_space<vmem>>
        %dma_wait3A_139 = arith.constant 0 : i32
        %dma_wait3A_140 = tpu.memref_slice %arg9[%arg0, %add3A, %dma_wait3A_139] : memref<2x50000x32xf32, #tpu.memory_space<hbm>> -> memref<1x125x32xf32, #tpu.memory_space<hbm>>
        %dma_wait3A_141 = tpu.memref_squeeze %dma_wait3A_140 : memref<1x125x32xf32, #tpu.memory_space<hbm>> -> memref<125x32xf32, #tpu.memory_space<hbm>>
        %dma_wait3A_142 = arith.constant 0 : i32
        %dma_wait3A_143 = arith.constant 0 : i32
        %dma_wait3A_144 = tpu.memref_slice %arg14[%dma_wait3A_142, %dma_wait3A_143] : memref<128x32xf32, #tpu.memory_space<vmem>> -> memref<125x32xf32, #tpu.memory_space<vmem>>
        %dma_wait3A_145 = arith.constant 0 : i32
        %dma_wait3A_146 = tpu.memref_slice %arg9[%arg0, %add3A, %dma_wait3A_145] : memref<2x50000x32xf32, #tpu.memory_space<hbm>> -> memref<1x125x32xf32, #tpu.memory_space<hbm>>
        %dma_wait3A_147 = tpu.memref_squeeze %dma_wait3A_146 : memref<1x125x32xf32, #tpu.memory_space<hbm>> -> memref<125x32xf32, #tpu.memory_space<hbm>>
        tpu.wait_dma2 semaphore(%run_scoped3A : memref<!tpu.dma_semaphore, #tpu.memory_space<semaphore_mem>>) src(%dma_wait3A_147 : memref<125x32xf32, #tpu.memory_space<hbm>>) dst(%dma_wait3A_144 : memref<125x32xf32, #tpu.memory_space<vmem>>)
        tpu.yield
      }) : () -> ()
      %scan3A_118 = arith.constant 0 : i32
      %scan3A_119 = arith.constant 0 : i32
      %scan3A_120 = arith.constant 125 : i32
      %scan3A_121 = arith.addi %scan3A_119, %scan3A_120 : i32
      %scan3A_122 = arith.constant 1 : i32
      %scan3A_123 = scf.for %scan3A_126 = %scan3A_119 to %scan3A_121 step %scan3A_122 iter_args(%scan3A_127 = %scan3A_118) -> (i32)  : i32 {
        %get3A = arith.index_cast %scan3A_126 : i32 to index
        %get3A_128 = arith.constant 0 : index
        %get3A_129 = tpu.vector_load %arg13[%get3A, %get3A_128] {strides = array<i32>} : memref<128x32xf32, #tpu.memory_space<vmem>>, vector<16xf32>,
        %get3A_130 = arith.index_cast %scan3A_126 : i32 to index
        %get3A_131 = arith.constant 0 : index
        %get3A_132 = tpu.vector_load %arg14[%get3A_130, %get3A_131] {strides = array<i32>} : memref<128x32xf32, #tpu.memory_space<vmem>>, vector<16xf32>,
        %mul3A_133 = arith.mulf %get3A_129, %get3A_132 : vector<16xf32>
        %swap3A = arith.index_cast %scan3A_126 : i32 to index
        %swap3A_134 = arith.constant 0 : index
        %swap3A_135 = tpu.vector_load %arg13[%swap3A, %swap3A_134] {strides = array<i32>} : memref<128x32xf32, #tpu.memory_space<vmem>>, vector<16xf32>,
        tpu.vector_store %arg13[%swap3A, %swap3A_134], %mul3A_133 {strides = array<i32>} : memref<128x32xf32, #tpu.memory_space<vmem>>, vector<16xf32>,
        %get3A_136 = arith.index_cast %scan3A_126 : i32 to index
        %get3A_137 = arith.constant 16 : index
        %get3A_138 = tpu.vector_load %arg13[%get3A_136, %get3A_137] {strides = array<i32>} : memref<128x32xf32, #tpu.memory_space<vmem>>, vector<16xf32>,
        %get3A_139 = arith.index_cast %scan3A_126 : i32 to index
        %get3A_140 = arith.constant 16 : index
        %get3A_141 = tpu.vector_load %arg14[%get3A_139, %get3A_140] {strides = array<i32>} : memref<128x32xf32, #tpu.memory_space<vmem>>, vector<16xf32>,
        %mul3A_142 = arith.mulf %get3A_138, %get3A_141 : vector<16xf32>
        %swap3A_143 = arith.index_cast %scan3A_126 : i32 to index
        %swap3A_144 = arith.constant 16 : index
        %swap3A_145 = tpu.vector_load %arg13[%swap3A_143, %swap3A_144] {strides = array<i32>} : memref<128x32xf32, #tpu.memory_space<vmem>>, vector<16xf32>,
        tpu.vector_store %arg13[%swap3A_143, %swap3A_144], %mul3A_142 {strides = array<i32>} : memref<128x32xf32, #tpu.memory_space<vmem>>, vector<16xf32>,
        %scan3A_146 = arith.constant 0 : i32
        scf.yield %scan3A_146 : i32
      }
      %scan3A_124 = arith.constant 125 : i32
      "tpu.region"() ({
        %run_scoped3A = tpu.sem_alloc : memref<!tpu.dma_semaphore, #tpu.memory_space<semaphore_mem>>
        %dma_start3A = arith.constant 0 : i32
        %dma_start3A_126 = arith.constant 0 : i32
        %dma_start3A_127 = tpu.memref_slice %arg13[%dma_start3A, %dma_start3A_126] : memref<128x32xf32, #tpu.memory_space<vmem>> -> memref<125x32xf32, #tpu.memory_space<vmem>>
        %dma_start3A_128 = arith.constant 0 : i32
        %dma_start3A_129 = tpu.memref_slice %arg6[%arg0, %add3A, %dma_start3A_128] : memref<2x50176x32xf32, #tpu.memory_space<hbm>> -> memref<1x125x32xf32, #tpu.memory_space<hbm>>
        %dma_start3A_130 = tpu.memref_squeeze %dma_start3A_129 : memref<1x125x32xf32, #tpu.memory_space<hbm>> -> memref<125x32xf32, #tpu.memory_space<hbm>>
        %dma_start3A_131 = arith.constant 0 : i32
        %dma_start3A_132 = tpu.memref_slice %arg6[%arg0, %add3A, %dma_start3A_131] : memref<2x50176x32xf32, #tpu.memory_space<hbm>> -> memref<1x125x32xf32, #tpu.memory_space<hbm>>
        %dma_start3A_133 = tpu.memref_squeeze %dma_start3A_132 : memref<1x125x32xf32, #tpu.memory_space<hbm>> -> memref<125x32xf32, #tpu.memory_space<hbm>>
        %dma_start3A_134 = arith.constant 0 : i32
        %dma_start3A_135 = arith.constant 0 : i32
        %dma_start3A_136 = tpu.memref_slice %arg13[%dma_start3A_134, %dma_start3A_135] : memref<128x32xf32, #tpu.memory_space<vmem>> -> memref<125x32xf32, #tpu.memory_space<vmem>>
        tpu.enqueue_dma source(%dma_start3A_136 : memref<125x32xf32, #tpu.memory_space<vmem>>) target(%dma_start3A_133 : memref<125x32xf32, #tpu.memory_space<hbm>>) target_semaphore(%run_scoped3A : memref<!tpu.dma_semaphore, #tpu.memory_space<semaphore_mem>>)
        %dma_wait3A = arith.constant 0 : i32
        %dma_wait3A_137 = arith.constant 0 : i32
        %dma_wait3A_138 = tpu.memref_slice %arg13[%dma_wait3A, %dma_wait3A_137] : memref<128x32xf32, #tpu.memory_space<vmem>> -> memref<125x32xf32, #tpu.memory_space<vmem>>
        %dma_wait3A_139 = arith.constant 0 : i32
        %dma_wait3A_140 = tpu.memref_slice %arg6[%arg0, %add3A, %dma_wait3A_139] : memref<2x50176x32xf32, #tpu.memory_space<hbm>> -> memref<1x125x32xf32, #tpu.memory_space<hbm>>
        %dma_wait3A_141 = tpu.memref_squeeze %dma_wait3A_140 : memref<1x125x32xf32, #tpu.memory_space<hbm>> -> memref<125x32xf32, #tpu.memory_space<hbm>>
        %dma_wait3A_142 = arith.constant 0 : i32
        %dma_wait3A_143 = tpu.memref_slice %arg6[%arg0, %add3A, %dma_wait3A_142] : memref<2x50176x32xf32, #tpu.memory_space<hbm>> -> memref<1x125x32xf32, #tpu.memory_space<hbm>>
        %dma_wait3A_144 = tpu.memref_squeeze %dma_wait3A_143 : memref<1x125x32xf32, #tpu.memory_space<hbm>> -> memref<125x32xf32, #tpu.memory_space<hbm>>
        %dma_wait3A_145 = arith.constant 0 : i32
        %dma_wait3A_146 = arith.constant 0 : i32
        %dma_wait3A_147 = tpu.memref_slice %arg13[%dma_wait3A_145, %dma_wait3A_146] : memref<128x32xf32, #tpu.memory_space<vmem>> -> memref<125x32xf32, #tpu.memory_space<vmem>>
        tpu.wait_dma2 semaphore(%run_scoped3A : memref<!tpu.dma_semaphore, #tpu.memory_space<semaphore_mem>>) src(%dma_wait3A_147 : memref<125x32xf32, #tpu.memory_space<vmem>>) dst(%dma_wait3A_144 : memref<125x32xf32, #tpu.memory_space<hbm>>)
        tpu.yield
      }) : () -> ()
      "tpu.region"() ({
        %run_scoped3A = tpu.sem_alloc : memref<!tpu.dma_semaphore, #tpu.memory_space<semaphore_mem>>
        %dma_start3A = arith.constant 0 : i32
        %dma_start3A_126 = arith.constant 0 : i32
        %dma_start3A_127 = tpu.memref_slice %arg16[%dma_start3A, %dma_start3A_126] : memref<128x32xf32, #tpu.memory_space<vmem>> -> memref<125x32xf32, #tpu.memory_space<vmem>>
        %dma_start3A_128 = arith.constant 0 : i32
        %dma_start3A_129 = tpu.memref_slice %arg17[%add3A, %dma_start3A_128] : memref<50176x32xf32, #tpu.memory_space<vmem_shared>> -> memref<125x32xf32, #tpu.memory_space<vmem_shared>>
        %dma_start3A_130 = arith.constant 0 : i32
        %dma_start3A_131 = tpu.memref_slice %arg17[%add3A, %dma_start3A_130] : memref<50176x32xf32, #tpu.memory_space<vmem_shared>> -> memref<125x32xf32, #tpu.memory_space<vmem_shared>>
        %dma_start3A_132 = arith.constant 0 : i32
        %dma_start3A_133 = arith.constant 0 : i32
        %dma_start3A_134 = tpu.memref_slice %arg16[%dma_start3A_132, %dma_start3A_133] : memref<128x32xf32, #tpu.memory_space<vmem>> -> memref<125x32xf32, #tpu.memory_space<vmem>>
        tpu.enqueue_dma source(%dma_start3A_134 : memref<125x32xf32, #tpu.memory_space<vmem>>) target(%dma_start3A_131 : memref<125x32xf32, #tpu.memory_space<vmem_shared>>) target_semaphore(%run_scoped3A : memref<!tpu.dma_semaphore, #tpu.memory_space<semaphore_mem>>)
        %dma_wait3A = arith.constant 0 : i32
        %dma_wait3A_135 = arith.constant 0 : i32
        %dma_wait3A_136 = tpu.memref_slice %arg16[%dma_wait3A, %dma_wait3A_135] : memref<128x32xf32, #tpu.memory_space<vmem>> -> memref<125x32xf32, #tpu.memory_space<vmem>>
        %dma_wait3A_137 = arith.constant 0 : i32
        %dma_wait3A_138 = tpu.memref_slice %arg17[%add3A, %dma_wait3A_137] : memref<50176x32xf32, #tpu.memory_space<vmem_shared>> -> memref<125x32xf32, #tpu.memory_space<vmem_shared>>
        %dma_wait3A_139 = arith.constant 0 : i32
        %dma_wait3A_140 = tpu.memref_slice %arg17[%add3A, %dma_wait3A_139] : memref<50176x32xf32, #tpu.memory_space<vmem_shared>> -> memref<125x32xf32, #tpu.memory_space<vmem_shared>>
        %dma_wait3A_141 = arith.constant 0 : i32
        %dma_wait3A_142 = arith.constant 0 : i32
        %dma_wait3A_143 = tpu.memref_slice %arg16[%dma_wait3A_141, %dma_wait3A_142] : memref<128x32xf32, #tpu.memory_space<vmem>> -> memref<125x32xf32, #tpu.memory_space<vmem>>
        tpu.wait_dma2 semaphore(%run_scoped3A : memref<!tpu.dma_semaphore, #tpu.memory_space<semaphore_mem>>) src(%dma_wait3A_143 : memref<125x32xf32, #tpu.memory_space<vmem>>) dst(%dma_wait3A_140 : memref<125x32xf32, #tpu.memory_space<vmem_shared>>)
        tpu.yield
      }) : () -> ()
      %scan3A_125 = arith.constant 0 : i32
      scf.yield %scan3A_125 : i32
    }
    %scan3A_71 = arith.constant 25 : i32
    %barrier3A_72 = arith.constant 0 : index
    tpu.barrier barrier_id(%barrier3A_72)
    %scan3A_73 = arith.constant 0 : i32
    %scan3A_74 = arith.constant 0 : i32
    %scan3A_75 = arith.constant 8 : i32
    %scan3A_76 = arith.addi %scan3A_74, %scan3A_75 : i32
    %scan3A_77 = arith.constant 1 : i32
    %scan3A_78 = scf.for %scan3A_113 = %scan3A_74 to %scan3A_76 step %scan3A_77 iter_args(%scan3A_114 = %scan3A_73) -> (i32)  : i32 {
      %mul3A = arith.constant 400 : i32
      %mul3A_115 = arith.muli %arg1, %mul3A : i32
      %mul3A_116 = arith.constant 50 : i32
      %mul3A_117 = arith.muli %scan3A_113, %mul3A_116 : i32
      %add3A = arith.addi %mul3A_115, %mul3A_117 : i32
      %run_scoped3A = arith.constant 0 : i32
      "tpu.region"() ({
        %run_scoped3A_170 = tpu.sem_alloc : memref<!tpu.dma_semaphore, #tpu.memory_space<semaphore_mem>>
        %dma_start3A_171 = arith.constant 0 : i32
        %dma_start3A_172 = tpu.memref_slice %arg2[%run_scoped3A, %add3A, %dma_start3A_171] : memref<2x6400x128xi32, #tpu.memory_space<hbm>> -> memref<1x50x128xi32, #tpu.memory_space<hbm>>
        %dma_start3A_173 = tpu.memref_squeeze %dma_start3A_172 : memref<1x50x128xi32, #tpu.memory_space<hbm>> -> memref<50x128xi32, #tpu.memory_space<hbm>>
        %dma_start3A_174 = arith.constant 0 : i32
        %dma_start3A_175 = tpu.memref_slice %arg2[%run_scoped3A, %add3A, %dma_start3A_174] : memref<2x6400x128xi32, #tpu.memory_space<hbm>> -> memref<1x50x128xi32, #tpu.memory_space<hbm>>
        %dma_start3A_176 = tpu.memref_squeeze %dma_start3A_175 : memref<1x50x128xi32, #tpu.memory_space<hbm>> -> memref<50x128xi32, #tpu.memory_space<hbm>>
        tpu.enqueue_dma source(%dma_start3A_176 : memref<50x128xi32, #tpu.memory_space<hbm>>) target(%arg11 : memref<50x128xi32, #tpu.memory_space<vmem>>) target_semaphore(%run_scoped3A_170 : memref<!tpu.dma_semaphore, #tpu.memory_space<semaphore_mem>>)
        %dma_wait3A = arith.constant 0 : i32
        %dma_wait3A_177 = tpu.memref_slice %arg2[%run_scoped3A, %add3A, %dma_wait3A] : memref<2x6400x128xi32, #tpu.memory_space<hbm>> -> memref<1x50x128xi32, #tpu.memory_space<hbm>>
        %dma_wait3A_178 = tpu.memref_squeeze %dma_wait3A_177 : memref<1x50x128xi32, #tpu.memory_space<hbm>> -> memref<50x128xi32, #tpu.memory_space<hbm>>
        %dma_wait3A_179 = arith.constant 0 : i32
        %dma_wait3A_180 = tpu.memref_slice %arg2[%run_scoped3A, %add3A, %dma_wait3A_179] : memref<2x6400x128xi32, #tpu.memory_space<hbm>> -> memref<1x50x128xi32, #tpu.memory_space<hbm>>
        %dma_wait3A_181 = tpu.memref_squeeze %dma_wait3A_180 : memref<1x50x128xi32, #tpu.memory_space<hbm>> -> memref<50x128xi32, #tpu.memory_space<hbm>>
        tpu.wait_dma2 semaphore(%run_scoped3A_170 : memref<!tpu.dma_semaphore, #tpu.memory_space<semaphore_mem>>) src(%dma_wait3A_181 : memref<50x128xi32, #tpu.memory_space<hbm>>) dst(%arg11 : memref<50x128xi32, #tpu.memory_space<vmem>>)
        tpu.yield
      }) : () -> ()
      %run_scoped3A_118 = arith.constant 1 : i32
      "tpu.region"() ({
        %run_scoped3A_170 = tpu.sem_alloc : memref<!tpu.dma_semaphore, #tpu.memory_space<semaphore_mem>>
        %dma_start3A_171 = arith.constant 0 : i32
        %dma_start3A_172 = tpu.memref_slice %arg2[%run_scoped3A_118, %add3A, %dma_start3A_171] : memref<2x6400x128xi32, #tpu.memory_space<hbm>> -> memref<1x50x128xi32, #tpu.memory_space<hbm>>
        %dma_start3A_173 = tpu.memref_squeeze %dma_start3A_172 : memref<1x50x128xi32, #tpu.memory_space<hbm>> -> memref<50x128xi32, #tpu.memory_space<hbm>>
        %dma_start3A_174 = arith.constant 0 : i32
        %dma_start3A_175 = tpu.memref_slice %arg2[%run_scoped3A_118, %add3A, %dma_start3A_174] : memref<2x6400x128xi32, #tpu.memory_space<hbm>> -> memref<1x50x128xi32, #tpu.memory_space<hbm>>
        %dma_start3A_176 = tpu.memref_squeeze %dma_start3A_175 : memref<1x50x128xi32, #tpu.memory_space<hbm>> -> memref<50x128xi32, #tpu.memory_space<hbm>>
        tpu.enqueue_dma source(%dma_start3A_176 : memref<50x128xi32, #tpu.memory_space<hbm>>) target(%arg12 : memref<50x128xi32, #tpu.memory_space<vmem>>) target_semaphore(%run_scoped3A_170 : memref<!tpu.dma_semaphore, #tpu.memory_space<semaphore_mem>>)
        %dma_wait3A = arith.constant 0 : i32
        %dma_wait3A_177 = tpu.memref_slice %arg2[%run_scoped3A_118, %add3A, %dma_wait3A] : memref<2x6400x128xi32, #tpu.memory_space<hbm>> -> memref<1x50x128xi32, #tpu.memory_space<hbm>>
        %dma_wait3A_178 = tpu.memref_squeeze %dma_wait3A_177 : memref<1x50x128xi32, #tpu.memory_space<hbm>> -> memref<50x128xi32, #tpu.memory_space<hbm>>
        %dma_wait3A_179 = arith.constant 0 : i32
        %dma_wait3A_180 = tpu.memref_slice %arg2[%run_scoped3A_118, %add3A, %dma_wait3A_179] : memref<2x6400x128xi32, #tpu.memory_space<hbm>> -> memref<1x50x128xi32, #tpu.memory_space<hbm>>
        %dma_wait3A_181 = tpu.memref_squeeze %dma_wait3A_180 : memref<1x50x128xi32, #tpu.memory_space<hbm>> -> memref<50x128xi32, #tpu.memory_space<hbm>>
        tpu.wait_dma2 semaphore(%run_scoped3A_170 : memref<!tpu.dma_semaphore, #tpu.memory_space<semaphore_mem>>) src(%dma_wait3A_181 : memref<50x128xi32, #tpu.memory_space<hbm>>) dst(%arg12 : memref<50x128xi32, #tpu.memory_space<vmem>>)
        tpu.yield
      }) : () -> ()
      %dma_start3A = arith.constant 0 : i32
      %dma_start3A_119 = arith.constant 0 : i32
      %dma_start3A_120 = tpu.memref_slice %arg11[%dma_start3A, %dma_start3A_119] : memref<50x128xi32, #tpu.memory_space<vmem>> -> memref<1x128xi32, #tpu.memory_space<vmem>>
      %dma_start3A_121 = tpu.memref_squeeze %dma_start3A_120 : memref<1x128xi32, #tpu.memory_space<vmem>> -> memref<128xi32, #tpu.memory_space<vmem>>
      %dma_start3A_122 = arith.constant 0 : i32
      %dma_start3A_123 = arith.constant 0 : i32
      %dma_start3A_124 = tpu.memref_slice %arg6[%arg0, %dma_start3A_122, %dma_start3A_123] : memref<2x50176x32xf32, #tpu.memory_space<hbm>> -> memref<1x50176x32xf32, #tpu.memory_space<hbm>>
      %dma_start3A_125 = tpu.memref_squeeze %dma_start3A_124 : memref<1x50176x32xf32, #tpu.memory_space<hbm>> -> memref<50176x32xf32, #tpu.memory_space<hbm>>
      %dma_start3A_126 = arith.constant 0 : i32
      %dma_start3A_127 = arith.constant 0 : i32
      %dma_start3A_128 = tpu.memref_slice %dma_start3A_125[%dma_start3A_126, %dma_start3A_127] : memref<50176x32xf32, #tpu.memory_space<hbm>> -> memref<50176x32xf32, #tpu.memory_space<hbm>>
      tpu.enqueue_indirect_dma source(%dma_start3A_128 : memref<50176x32xf32, #tpu.memory_space<hbm>>) target(%arg13 : memref<128x32xf32, #tpu.memory_space<vmem>>) offsets(%dma_start3A_121 : memref<128xi32, #tpu.memory_space<vmem>>) semaphore(%arg18 : memref<!tpu.dma_semaphore, #tpu.memory_space<semaphore_mem>>)
      %dma_start3A_129 = arith.constant 0 : i32
      %dma_start3A_130 = arith.constant 0 : i32
      %dma_start3A_131 = tpu.memref_slice %arg12[%dma_start3A_129, %dma_start3A_130] : memref<50x128xi32, #tpu.memory_space<vmem>> -> memref<1x128xi32, #tpu.memory_space<vmem>>
      %dma_start3A_132 = tpu.memref_squeeze %dma_start3A_131 : memref<1x128xi32, #tpu.memory_space<vmem>> -> memref<128xi32, #tpu.memory_space<vmem>>
      %dma_start3A_133 = arith.constant 0 : i32
      %dma_start3A_134 = arith.constant 0 : i32
      %dma_start3A_135 = tpu.memref_slice %arg6[%arg0, %dma_start3A_133, %dma_start3A_134] : memref<2x50176x32xf32, #tpu.memory_space<hbm>> -> memref<1x50176x32xf32, #tpu.memory_space<hbm>>
      %dma_start3A_136 = tpu.memref_squeeze %dma_start3A_135 : memref<1x50176x32xf32, #tpu.memory_space<hbm>> -> memref<50176x32xf32, #tpu.memory_space<hbm>>
      %dma_start3A_137 = arith.constant 0 : i32
      %dma_start3A_138 = arith.constant 0 : i32
      %dma_start3A_139 = tpu.memref_slice %dma_start3A_136[%dma_start3A_137, %dma_start3A_138] : memref<50176x32xf32, #tpu.memory_space<hbm>> -> memref<50176x32xf32, #tpu.memory_space<hbm>>
      tpu.enqueue_indirect_dma source(%dma_start3A_139 : memref<50176x32xf32, #tpu.memory_space<hbm>>) target(%arg14 : memref<128x32xf32, #tpu.memory_space<vmem>>) offsets(%dma_start3A_132 : memref<128xi32, #tpu.memory_space<vmem>>) semaphore(%arg19 : memref<!tpu.dma_semaphore, #tpu.memory_space<semaphore_mem>>)
      %dma_start3A_140 = arith.constant 1 : i32
      %dma_start3A_141 = arith.constant 0 : i32
      %dma_start3A_142 = tpu.memref_slice %arg11[%dma_start3A_140, %dma_start3A_141] : memref<50x128xi32, #tpu.memory_space<vmem>> -> memref<1x128xi32, #tpu.memory_space<vmem>>
      %dma_start3A_143 = tpu.memref_squeeze %dma_start3A_142 : memref<1x128xi32, #tpu.memory_space<vmem>> -> memref<128xi32, #tpu.memory_space<vmem>>
      %dma_start3A_144 = arith.constant 0 : i32
      %dma_start3A_145 = arith.constant 0 : i32
      %dma_start3A_146 = tpu.memref_slice %arg6[%arg0, %dma_start3A_144, %dma_start3A_145] : memref<2x50176x32xf32, #tpu.memory_space<hbm>> -> memref<1x50176x32xf32, #tpu.memory_space<hbm>>
      %dma_start3A_147 = tpu.memref_squeeze %dma_start3A_146 : memref<1x50176x32xf32, #tpu.memory_space<hbm>> -> memref<50176x32xf32, #tpu.memory_space<hbm>>
      %dma_start3A_148 = arith.constant 0 : i32
      %dma_start3A_149 = arith.constant 0 : i32
      %dma_start3A_150 = tpu.memref_slice %dma_start3A_147[%dma_start3A_148, %dma_start3A_149] : memref<50176x32xf32, #tpu.memory_space<hbm>> -> memref<50176x32xf32, #tpu.memory_space<hbm>>
      tpu.enqueue_indirect_dma source(%dma_start3A_150 : memref<50176x32xf32, #tpu.memory_space<hbm>>) target(%arg15 : memref<128x32xf32, #tpu.memory_space<vmem>>) offsets(%dma_start3A_143 : memref<128xi32, #tpu.memory_space<vmem>>) semaphore(%arg20 : memref<!tpu.dma_semaphore, #tpu.memory_space<semaphore_mem>>)
      %dma_start3A_151 = arith.constant 1 : i32
      %dma_start3A_152 = arith.constant 0 : i32
      %dma_start3A_153 = tpu.memref_slice %arg12[%dma_start3A_151, %dma_start3A_152] : memref<50x128xi32, #tpu.memory_space<vmem>> -> memref<1x128xi32, #tpu.memory_space<vmem>>
      %dma_start3A_154 = tpu.memref_squeeze %dma_start3A_153 : memref<1x128xi32, #tpu.memory_space<vmem>> -> memref<128xi32, #tpu.memory_space<vmem>>
      %dma_start3A_155 = arith.constant 0 : i32
      %dma_start3A_156 = arith.constant 0 : i32
      %dma_start3A_157 = tpu.memref_slice %arg6[%arg0, %dma_start3A_155, %dma_start3A_156] : memref<2x50176x32xf32, #tpu.memory_space<hbm>> -> memref<1x50176x32xf32, #tpu.memory_space<hbm>>
      %dma_start3A_158 = tpu.memref_squeeze %dma_start3A_157 : memref<1x50176x32xf32, #tpu.memory_space<hbm>> -> memref<50176x32xf32, #tpu.memory_space<hbm>>
      %dma_start3A_159 = arith.constant 0 : i32
      %dma_start3A_160 = arith.constant 0 : i32
      %dma_start3A_161 = tpu.memref_slice %dma_start3A_158[%dma_start3A_159, %dma_start3A_160] : memref<50176x32xf32, #tpu.memory_space<hbm>> -> memref<50176x32xf32, #tpu.memory_space<hbm>>
      tpu.enqueue_indirect_dma source(%dma_start3A_161 : memref<50176x32xf32, #tpu.memory_space<hbm>>) target(%arg16 : memref<128x32xf32, #tpu.memory_space<vmem>>) offsets(%dma_start3A_154 : memref<128xi32, #tpu.memory_space<vmem>>) semaphore(%arg21 : memref<!tpu.dma_semaphore, #tpu.memory_space<semaphore_mem>>)
      %scan3A_162 = arith.constant 0 : i32
      %scan3A_163 = arith.constant 0 : i32
      %scan3A_164 = arith.constant 25 : i32
      %scan3A_165 = arith.addi %scan3A_163, %scan3A_164 : i32
      %scan3A_166 = arith.constant 1 : i32
      %scan3A_167 = scf.for %scan3A_170 = %scan3A_163 to %scan3A_165 step %scan3A_166 iter_args(%scan3A_171 = %scan3A_162) -> (i32)  : i32 {
        %dma_wait3A = arith.constant 0 : i32
        %dma_wait3A_172 = arith.constant 0 : i32
        %dma_wait3A_173 = tpu.memref_slice %arg6[%arg0, %dma_wait3A, %dma_wait3A_172] : memref<2x50176x32xf32, #tpu.memory_space<hbm>> -> memref<1x50176x32xf32, #tpu.memory_space<hbm>>
        %dma_wait3A_174 = tpu.memref_squeeze %dma_wait3A_173 : memref<1x50176x32xf32, #tpu.memory_space<hbm>> -> memref<50176x32xf32, #tpu.memory_space<hbm>>
        %dma_wait3A_175 = arith.constant 0 : i32
        %dma_wait3A_176 = arith.constant 0 : i32
        %dma_wait3A_177 = tpu.memref_slice %dma_wait3A_174[%dma_wait3A_175, %dma_wait3A_176] : memref<50176x32xf32, #tpu.memory_space<hbm>> -> memref<128x32xf32, #tpu.memory_space<hbm>>
        %dma_wait3A_178 = arith.constant 0 : i32
        %dma_wait3A_179 = arith.constant 0 : i32
        %dma_wait3A_180 = tpu.memref_slice %arg6[%arg0, %dma_wait3A_178, %dma_wait3A_179] : memref<2x50176x32xf32, #tpu.memory_space<hbm>> -> memref<1x50176x32xf32, #tpu.memory_space<hbm>>
        %dma_wait3A_181 = tpu.memref_squeeze %dma_wait3A_180 : memref<1x50176x32xf32, #tpu.memory_space<hbm>> -> memref<50176x32xf32, #tpu.memory_space<hbm>>
        %dma_wait3A_182 = arith.constant 0 : i32
        %dma_wait3A_183 = arith.constant 0 : i32
        %dma_wait3A_184 = tpu.memref_slice %dma_wait3A_181[%dma_wait3A_182, %dma_wait3A_183] : memref<50176x32xf32, #tpu.memory_space<hbm>> -> memref<128x32xf32, #tpu.memory_space<hbm>>
        tpu.wait_dma2 semaphore(%arg18 : memref<!tpu.dma_semaphore, #tpu.memory_space<semaphore_mem>>) src(%dma_wait3A_184 : memref<128x32xf32, #tpu.memory_space<hbm>>) dst(%arg13 : memref<128x32xf32, #tpu.memory_space<vmem>>)
        %mul3A_185 = arith.constant 2 : i32
        %mul3A_186 = arith.muli %mul3A_185, %scan3A_170 : i32
        %add3A_187 = arith.constant 0 : i32
        %add3A_188 = arith.addi %mul3A_186, %add3A_187 : i32
        "tpu.region"() ({
          %run_scoped3A_261 = tpu.sem_alloc : memref<!tpu.dma_semaphore, #tpu.memory_space<semaphore_mem>>
          %dma_start3A_262 = arith.constant 0 : i32
          %dma_start3A_263 = tpu.memref_slice %arg12[%add3A_188, %dma_start3A_262] : memref<50x128xi32, #tpu.memory_space<vmem>> -> memref<1x128xi32, #tpu.memory_space<vmem>>
          %dma_start3A_264 = tpu.memref_squeeze %dma_start3A_263 : memref<1x128xi32, #tpu.memory_space<vmem>> -> memref<128xi32, #tpu.memory_space<vmem>>
          %dma_start3A_265 = arith.constant 0 : i32
          %dma_start3A_266 = arith.constant 0 : i32
          %dma_start3A_267 = tpu.memref_slice %arg17[%dma_start3A_265, %dma_start3A_266] : memref<50176x32xf32, #tpu.memory_space<vmem_shared>> -> memref<50176x32xf32, #tpu.memory_space<vmem_shared>>
          tpu.enqueue_indirect_dma source(%arg13 : memref<128x32xf32, #tpu.memory_space<vmem>>) target(%dma_start3A_267 : memref<50176x32xf32, #tpu.memory_space<vmem_shared>>) offsets(%dma_start3A_264 : memref<128xi32, #tpu.memory_space<vmem>>) semaphore(%run_scoped3A_261 : memref<!tpu.dma_semaphore, #tpu.memory_space<semaphore_mem>>) {add = true}
          %dma_wait3A_268 = arith.constant 0 : i32
          %dma_wait3A_269 = tpu.memref_slice %arg12[%add3A_188, %dma_wait3A_268] : memref<50x128xi32, #tpu.memory_space<vmem>> -> memref<1x128xi32, #tpu.memory_space<vmem>>
          %dma_wait3A_270 = tpu.memref_squeeze %dma_wait3A_269 : memref<1x128xi32, #tpu.memory_space<vmem>> -> memref<128xi32, #tpu.memory_space<vmem>>
          %dma_wait3A_271 = arith.constant 0 : i32
          %dma_wait3A_272 = arith.constant 0 : i32
          %dma_wait3A_273 = tpu.memref_slice %arg17[%dma_wait3A_271, %dma_wait3A_272] : memref<50176x32xf32, #tpu.memory_space<vmem_shared>> -> memref<50176x32xf32, #tpu.memory_space<vmem_shared>>
          tpu.wait_indirect_dma semaphore(%run_scoped3A_261 : memref<!tpu.dma_semaphore, #tpu.memory_space<semaphore_mem>>) src(%arg13 : memref<128x32xf32, #tpu.memory_space<vmem>>) dst(%dma_wait3A_273 : memref<50176x32xf32, #tpu.memory_space<vmem_shared>>)
          tpu.yield
        }) : () -> ()
        %lt3A = arith.constant 24 : i32
        %lt3A_189 = arith.cmpi slt, %scan3A_170, %lt3A : i32
        %convert_element_type3A = arith.extui %lt3A_189 : i1 to i32
        %cond3A = arith.constant 0 : i32
        %cond3A_190 = arith.cmpi ne, %convert_element_type3A, %cond3A : i32
        scf.if %cond3A_190 {
          %add3A_261 = arith.constant 1 : i32
          %add3A_262 = arith.addi %scan3A_170, %add3A_261 : i32
          %mul3A_263 = arith.constant 2 : i32
          %mul3A_264 = arith.muli %mul3A_263, %add3A_262 : i32
          %add3A_265 = arith.constant 0 : i32
          %add3A_266 = arith.addi %mul3A_264, %add3A_265 : i32
          %dma_start3A_267 = arith.constant 0 : i32
          %dma_start3A_268 = tpu.memref_slice %arg11[%add3A_266, %dma_start3A_267] : memref<50x128xi32, #tpu.memory_space<vmem>> -> memref<1x128xi32, #tpu.memory_space<vmem>>
          %dma_start3A_269 = tpu.memref_squeeze %dma_start3A_268 : memref<1x128xi32, #tpu.memory_space<vmem>> -> memref<128xi32, #tpu.memory_space<vmem>>
          %dma_start3A_270 = arith.constant 0 : i32
          %dma_start3A_271 = arith.constant 0 : i32
          %dma_start3A_272 = tpu.memref_slice %arg6[%arg0, %dma_start3A_270, %dma_start3A_271] : memref<2x50176x32xf32, #tpu.memory_space<hbm>> -> memref<1x50176x32xf32, #tpu.memory_space<hbm>>
          %dma_start3A_273 = tpu.memref_squeeze %dma_start3A_272 : memref<1x50176x32xf32, #tpu.memory_space<hbm>> -> memref<50176x32xf32, #tpu.memory_space<hbm>>
          %dma_start3A_274 = arith.constant 0 : i32
          %dma_start3A_275 = arith.constant 0 : i32
          %dma_start3A_276 = tpu.memref_slice %dma_start3A_273[%dma_start3A_274, %dma_start3A_275] : memref<50176x32xf32, #tpu.memory_space<hbm>> -> memref<50176x32xf32, #tpu.memory_space<hbm>>
          tpu.enqueue_indirect_dma source(%dma_start3A_276 : memref<50176x32xf32, #tpu.memory_space<hbm>>) target(%arg13 : memref<128x32xf32, #tpu.memory_space<vmem>>) offsets(%dma_start3A_269 : memref<128xi32, #tpu.memory_space<vmem>>) semaphore(%arg18 : memref<!tpu.dma_semaphore, #tpu.memory_space<semaphore_mem>>)
        } else {
        }
        %dma_wait3A_191 = arith.constant 0 : i32
        %dma_wait3A_192 = arith.constant 0 : i32
        %dma_wait3A_193 = tpu.memref_slice %arg6[%arg0, %dma_wait3A_191, %dma_wait3A_192] : memref<2x50176x32xf32, #tpu.memory_space<hbm>> -> memref<1x50176x32xf32, #tpu.memory_space<hbm>>
        %dma_wait3A_194 = tpu.memref_squeeze %dma_wait3A_193 : memref<1x50176x32xf32, #tpu.memory_space<hbm>> -> memref<50176x32xf32, #tpu.memory_space<hbm>>
        %dma_wait3A_195 = arith.constant 0 : i32
        %dma_wait3A_196 = arith.constant 0 : i32
        %dma_wait3A_197 = tpu.memref_slice %dma_wait3A_194[%dma_wait3A_195, %dma_wait3A_196] : memref<50176x32xf32, #tpu.memory_space<hbm>> -> memref<128x32xf32, #tpu.memory_space<hbm>>
        %dma_wait3A_198 = arith.constant 0 : i32
        %dma_wait3A_199 = arith.constant 0 : i32
        %dma_wait3A_200 = tpu.memref_slice %arg6[%arg0, %dma_wait3A_198, %dma_wait3A_199] : memref<2x50176x32xf32, #tpu.memory_space<hbm>> -> memref<1x50176x32xf32, #tpu.memory_space<hbm>>
        %dma_wait3A_201 = tpu.memref_squeeze %dma_wait3A_200 : memref<1x50176x32xf32, #tpu.memory_space<hbm>> -> memref<50176x32xf32, #tpu.memory_space<hbm>>
        %dma_wait3A_202 = arith.constant 0 : i32
        %dma_wait3A_203 = arith.constant 0 : i32
        %dma_wait3A_204 = tpu.memref_slice %dma_wait3A_201[%dma_wait3A_202, %dma_wait3A_203] : memref<50176x32xf32, #tpu.memory_space<hbm>> -> memref<128x32xf32, #tpu.memory_space<hbm>>
        tpu.wait_dma2 semaphore(%arg19 : memref<!tpu.dma_semaphore, #tpu.memory_space<semaphore_mem>>) src(%dma_wait3A_204 : memref<128x32xf32, #tpu.memory_space<hbm>>) dst(%arg14 : memref<128x32xf32, #tpu.memory_space<vmem>>)
        %mul3A_205 = arith.constant 2 : i32
        %mul3A_206 = arith.muli %mul3A_205, %scan3A_170 : i32
        %add3A_207 = arith.constant 0 : i32
        %add3A_208 = arith.addi %mul3A_206, %add3A_207 : i32
        "tpu.region"() ({
          %run_scoped3A_261 = tpu.sem_alloc : memref<!tpu.dma_semaphore, #tpu.memory_space<semaphore_mem>>
          %dma_start3A_262 = arith.constant 0 : i32
          %dma_start3A_263 = tpu.memref_slice %arg11[%add3A_208, %dma_start3A_262] : memref<50x128xi32, #tpu.memory_space<vmem>> -> memref<1x128xi32, #tpu.memory_space<vmem>>
          %dma_start3A_264 = tpu.memref_squeeze %dma_start3A_263 : memref<1x128xi32, #tpu.memory_space<vmem>> -> memref<128xi32, #tpu.memory_space<vmem>>
          %dma_start3A_265 = arith.constant 0 : i32
          %dma_start3A_266 = arith.constant 0 : i32
          %dma_start3A_267 = tpu.memref_slice %arg17[%dma_start3A_265, %dma_start3A_266] : memref<50176x32xf32, #tpu.memory_space<vmem_shared>> -> memref<50176x32xf32, #tpu.memory_space<vmem_shared>>
          tpu.enqueue_indirect_dma source(%arg14 : memref<128x32xf32, #tpu.memory_space<vmem>>) target(%dma_start3A_267 : memref<50176x32xf32, #tpu.memory_space<vmem_shared>>) offsets(%dma_start3A_264 : memref<128xi32, #tpu.memory_space<vmem>>) semaphore(%run_scoped3A_261 : memref<!tpu.dma_semaphore, #tpu.memory_space<semaphore_mem>>) {add = true}
          %dma_wait3A_268 = arith.constant 0 : i32
          %dma_wait3A_269 = tpu.memref_slice %arg11[%add3A_208, %dma_wait3A_268] : memref<50x128xi32, #tpu.memory_space<vmem>> -> memref<1x128xi32, #tpu.memory_space<vmem>>
          %dma_wait3A_270 = tpu.memref_squeeze %dma_wait3A_269 : memref<1x128xi32, #tpu.memory_space<vmem>> -> memref<128xi32, #tpu.memory_space<vmem>>
          %dma_wait3A_271 = arith.constant 0 : i32
          %dma_wait3A_272 = arith.constant 0 : i32
          %dma_wait3A_273 = tpu.memref_slice %arg17[%dma_wait3A_271, %dma_wait3A_272] : memref<50176x32xf32, #tpu.memory_space<vmem_shared>> -> memref<50176x32xf32, #tpu.memory_space<vmem_shared>>
          tpu.wait_indirect_dma semaphore(%run_scoped3A_261 : memref<!tpu.dma_semaphore, #tpu.memory_space<semaphore_mem>>) src(%arg14 : memref<128x32xf32, #tpu.memory_space<vmem>>) dst(%dma_wait3A_273 : memref<50176x32xf32, #tpu.memory_space<vmem_shared>>)
          tpu.yield
        }) : () -> ()
        %lt3A_209 = arith.constant 24 : i32
        %lt3A_210 = arith.cmpi slt, %scan3A_170, %lt3A_209 : i32
        %convert_element_type3A_211 = arith.extui %lt3A_210 : i1 to i32
        %cond3A_212 = arith.constant 0 : i32
        %cond3A_213 = arith.cmpi ne, %convert_element_type3A_211, %cond3A_212 : i32
        scf.if %cond3A_213 {
          %add3A_261 = arith.constant 1 : i32
          %add3A_262 = arith.addi %scan3A_170, %add3A_261 : i32
          %mul3A_263 = arith.constant 2 : i32
          %mul3A_264 = arith.muli %mul3A_263, %add3A_262 : i32
          %add3A_265 = arith.constant 0 : i32
          %add3A_266 = arith.addi %mul3A_264, %add3A_265 : i32
          %dma_start3A_267 = arith.constant 0 : i32
          %dma_start3A_268 = tpu.memref_slice %arg12[%add3A_266, %dma_start3A_267] : memref<50x128xi32, #tpu.memory_space<vmem>> -> memref<1x128xi32, #tpu.memory_space<vmem>>
          %dma_start3A_269 = tpu.memref_squeeze %dma_start3A_268 : memref<1x128xi32, #tpu.memory_space<vmem>> -> memref<128xi32, #tpu.memory_space<vmem>>
          %dma_start3A_270 = arith.constant 0 : i32
          %dma_start3A_271 = arith.constant 0 : i32
          %dma_start3A_272 = tpu.memref_slice %arg6[%arg0, %dma_start3A_270, %dma_start3A_271] : memref<2x50176x32xf32, #tpu.memory_space<hbm>> -> memref<1x50176x32xf32, #tpu.memory_space<hbm>>
          %dma_start3A_273 = tpu.memref_squeeze %dma_start3A_272 : memref<1x50176x32xf32, #tpu.memory_space<hbm>> -> memref<50176x32xf32, #tpu.memory_space<hbm>>
          %dma_start3A_274 = arith.constant 0 : i32
          %dma_start3A_275 = arith.constant 0 : i32
          %dma_start3A_276 = tpu.memref_slice %dma_start3A_273[%dma_start3A_274, %dma_start3A_275] : memref<50176x32xf32, #tpu.memory_space<hbm>> -> memref<50176x32xf32, #tpu.memory_space<hbm>>
          tpu.enqueue_indirect_dma source(%dma_start3A_276 : memref<50176x32xf32, #tpu.memory_space<hbm>>) target(%arg14 : memref<128x32xf32, #tpu.memory_space<vmem>>) offsets(%dma_start3A_269 : memref<128xi32, #tpu.memory_space<vmem>>) semaphore(%arg19 : memref<!tpu.dma_semaphore, #tpu.memory_space<semaphore_mem>>)
        } else {
        }
        %dma_wait3A_214 = arith.constant 0 : i32
        %dma_wait3A_215 = arith.constant 0 : i32
        %dma_wait3A_216 = tpu.memref_slice %arg6[%arg0, %dma_wait3A_214, %dma_wait3A_215] : memref<2x50176x32xf32, #tpu.memory_space<hbm>> -> memref<1x50176x32xf32, #tpu.memory_space<hbm>>
        %dma_wait3A_217 = tpu.memref_squeeze %dma_wait3A_216 : memref<1x50176x32xf32, #tpu.memory_space<hbm>> -> memref<50176x32xf32, #tpu.memory_space<hbm>>
        %dma_wait3A_218 = arith.constant 0 : i32
        %dma_wait3A_219 = arith.constant 0 : i32
        %dma_wait3A_220 = tpu.memref_slice %dma_wait3A_217[%dma_wait3A_218, %dma_wait3A_219] : memref<50176x32xf32, #tpu.memory_space<hbm>> -> memref<128x32xf32, #tpu.memory_space<hbm>>
        %dma_wait3A_221 = arith.constant 0 : i32
        %dma_wait3A_222 = arith.constant 0 : i32
        %dma_wait3A_223 = tpu.memref_slice %arg6[%arg0, %dma_wait3A_221, %dma_wait3A_222] : memref<2x50176x32xf32, #tpu.memory_space<hbm>> -> memref<1x50176x32xf32, #tpu.memory_space<hbm>>
        %dma_wait3A_224 = tpu.memref_squeeze %dma_wait3A_223 : memref<1x50176x32xf32, #tpu.memory_space<hbm>> -> memref<50176x32xf32, #tpu.memory_space<hbm>>
        %dma_wait3A_225 = arith.constant 0 : i32
        %dma_wait3A_226 = arith.constant 0 : i32
        %dma_wait3A_227 = tpu.memref_slice %dma_wait3A_224[%dma_wait3A_225, %dma_wait3A_226] : memref<50176x32xf32, #tpu.memory_space<hbm>> -> memref<128x32xf32, #tpu.memory_space<hbm>>
        tpu.wait_dma2 semaphore(%arg20 : memref<!tpu.dma_semaphore, #tpu.memory_space<semaphore_mem>>) src(%dma_wait3A_227 : memref<128x32xf32, #tpu.memory_space<hbm>>) dst(%arg15 : memref<128x32xf32, #tpu.memory_space<vmem>>)
        %mul3A_228 = arith.constant 2 : i32
        %mul3A_229 = arith.muli %mul3A_228, %scan3A_170 : i32
        %add3A_230 = arith.constant 1 : i32
        %add3A_231 = arith.addi %mul3A_229, %add3A_230 : i32
        "tpu.region"() ({
          %run_scoped3A_261 = tpu.sem_alloc : memref<!tpu.dma_semaphore, #tpu.memory_space<semaphore_mem>>
          %dma_start3A_262 = arith.constant 0 : i32
          %dma_start3A_263 = tpu.memref_slice %arg12[%add3A_231, %dma_start3A_262] : memref<50x128xi32, #tpu.memory_space<vmem>> -> memref<1x128xi32, #tpu.memory_space<vmem>>
          %dma_start3A_264 = tpu.memref_squeeze %dma_start3A_263 : memref<1x128xi32, #tpu.memory_space<vmem>> -> memref<128xi32, #tpu.memory_space<vmem>>
          %dma_start3A_265 = arith.constant 0 : i32
          %dma_start3A_266 = arith.constant 0 : i32
          %dma_start3A_267 = tpu.memref_slice %arg17[%dma_start3A_265, %dma_start3A_266] : memref<50176x32xf32, #tpu.memory_space<vmem_shared>> -> memref<50176x32xf32, #tpu.memory_space<vmem_shared>>
          tpu.enqueue_indirect_dma source(%arg15 : memref<128x32xf32, #tpu.memory_space<vmem>>) target(%dma_start3A_267 : memref<50176x32xf32, #tpu.memory_space<vmem_shared>>) offsets(%dma_start3A_264 : memref<128xi32, #tpu.memory_space<vmem>>) semaphore(%run_scoped3A_261 : memref<!tpu.dma_semaphore, #tpu.memory_space<semaphore_mem>>) {add = true}
          %dma_wait3A_268 = arith.constant 0 : i32
          %dma_wait3A_269 = tpu.memref_slice %arg12[%add3A_231, %dma_wait3A_268] : memref<50x128xi32, #tpu.memory_space<vmem>> -> memref<1x128xi32, #tpu.memory_space<vmem>>
          %dma_wait3A_270 = tpu.memref_squeeze %dma_wait3A_269 : memref<1x128xi32, #tpu.memory_space<vmem>> -> memref<128xi32, #tpu.memory_space<vmem>>
          %dma_wait3A_271 = arith.constant 0 : i32
          %dma_wait3A_272 = arith.constant 0 : i32
          %dma_wait3A_273 = tpu.memref_slice %arg17[%dma_wait3A_271, %dma_wait3A_272] : memref<50176x32xf32, #tpu.memory_space<vmem_shared>> -> memref<50176x32xf32, #tpu.memory_space<vmem_shared>>
          tpu.wait_indirect_dma semaphore(%run_scoped3A_261 : memref<!tpu.dma_semaphore, #tpu.memory_space<semaphore_mem>>) src(%arg15 : memref<128x32xf32, #tpu.memory_space<vmem>>) dst(%dma_wait3A_273 : memref<50176x32xf32, #tpu.memory_space<vmem_shared>>)
          tpu.yield
        }) : () -> ()
        %lt3A_232 = arith.constant 24 : i32
        %lt3A_233 = arith.cmpi slt, %scan3A_170, %lt3A_232 : i32
        %convert_element_type3A_234 = arith.extui %lt3A_233 : i1 to i32
        %cond3A_235 = arith.constant 0 : i32
        %cond3A_236 = arith.cmpi ne, %convert_element_type3A_234, %cond3A_235 : i32
        scf.if %cond3A_236 {
          %add3A_261 = arith.constant 1 : i32
          %add3A_262 = arith.addi %scan3A_170, %add3A_261 : i32
          %mul3A_263 = arith.constant 2 : i32
          %mul3A_264 = arith.muli %mul3A_263, %add3A_262 : i32
          %add3A_265 = arith.constant 1 : i32
          %add3A_266 = arith.addi %mul3A_264, %add3A_265 : i32
          %dma_start3A_267 = arith.constant 0 : i32
          %dma_start3A_268 = tpu.memref_slice %arg11[%add3A_266, %dma_start3A_267] : memref<50x128xi32, #tpu.memory_space<vmem>> -> memref<1x128xi32, #tpu.memory_space<vmem>>
          %dma_start3A_269 = tpu.memref_squeeze %dma_start3A_268 : memref<1x128xi32, #tpu.memory_space<vmem>> -> memref<128xi32, #tpu.memory_space<vmem>>
          %dma_start3A_270 = arith.constant 0 : i32
          %dma_start3A_271 = arith.constant 0 : i32
          %dma_start3A_272 = tpu.memref_slice %arg6[%arg0, %dma_start3A_270, %dma_start3A_271] : memref<2x50176x32xf32, #tpu.memory_space<hbm>> -> memref<1x50176x32xf32, #tpu.memory_space<hbm>>
          %dma_start3A_273 = tpu.memref_squeeze %dma_start3A_272 : memref<1x50176x32xf32, #tpu.memory_space<hbm>> -> memref<50176x32xf32, #tpu.memory_space<hbm>>
          %dma_start3A_274 = arith.constant 0 : i32
          %dma_start3A_275 = arith.constant 0 : i32
          %dma_start3A_276 = tpu.memref_slice %dma_start3A_273[%dma_start3A_274, %dma_start3A_275] : memref<50176x32xf32, #tpu.memory_space<hbm>> -> memref<50176x32xf32, #tpu.memory_space<hbm>>
          tpu.enqueue_indirect_dma source(%dma_start3A_276 : memref<50176x32xf32, #tpu.memory_space<hbm>>) target(%arg15 : memref<128x32xf32, #tpu.memory_space<vmem>>) offsets(%dma_start3A_269 : memref<128xi32, #tpu.memory_space<vmem>>) semaphore(%arg20 : memref<!tpu.dma_semaphore, #tpu.memory_space<semaphore_mem>>)
        } else {
        }
        %dma_wait3A_237 = arith.constant 0 : i32
        %dma_wait3A_238 = arith.constant 0 : i32
        %dma_wait3A_239 = tpu.memref_slice %arg6[%arg0, %dma_wait3A_237, %dma_wait3A_238] : memref<2x50176x32xf32, #tpu.memory_space<hbm>> -> memref<1x50176x32xf32, #tpu.memory_space<hbm>>
        %dma_wait3A_240 = tpu.memref_squeeze %dma_wait3A_239 : memref<1x50176x32xf32, #tpu.memory_space<hbm>> -> memref<50176x32xf32, #tpu.memory_space<hbm>>
        %dma_wait3A_241 = arith.constant 0 : i32
        %dma_wait3A_242 = arith.constant 0 : i32
        %dma_wait3A_243 = tpu.memref_slice %dma_wait3A_240[%dma_wait3A_241, %dma_wait3A_242] : memref<50176x32xf32, #tpu.memory_space<hbm>> -> memref<128x32xf32, #tpu.memory_space<hbm>>
        %dma_wait3A_244 = arith.constant 0 : i32
        %dma_wait3A_245 = arith.constant 0 : i32
        %dma_wait3A_246 = tpu.memref_slice %arg6[%arg0, %dma_wait3A_244, %dma_wait3A_245] : memref<2x50176x32xf32, #tpu.memory_space<hbm>> -> memref<1x50176x32xf32, #tpu.memory_space<hbm>>
        %dma_wait3A_247 = tpu.memref_squeeze %dma_wait3A_246 : memref<1x50176x32xf32, #tpu.memory_space<hbm>> -> memref<50176x32xf32, #tpu.memory_space<hbm>>
        %dma_wait3A_248 = arith.constant 0 : i32
        %dma_wait3A_249 = arith.constant 0 : i32
        %dma_wait3A_250 = tpu.memref_slice %dma_wait3A_247[%dma_wait3A_248, %dma_wait3A_249] : memref<50176x32xf32, #tpu.memory_space<hbm>> -> memref<128x32xf32, #tpu.memory_space<hbm>>
        tpu.wait_dma2 semaphore(%arg21 : memref<!tpu.dma_semaphore, #tpu.memory_space<semaphore_mem>>) src(%dma_wait3A_250 : memref<128x32xf32, #tpu.memory_space<hbm>>) dst(%arg16 : memref<128x32xf32, #tpu.memory_space<vmem>>)
        %mul3A_251 = arith.constant 2 : i32
        %mul3A_252 = arith.muli %mul3A_251, %scan3A_170 : i32
        %add3A_253 = arith.constant 1 : i32
        %add3A_254 = arith.addi %mul3A_252, %add3A_253 : i32
        "tpu.region"() ({
          %run_scoped3A_261 = tpu.sem_alloc : memref<!tpu.dma_semaphore, #tpu.memory_space<semaphore_mem>>
          %dma_start3A_262 = arith.constant 0 : i32
          %dma_start3A_263 = tpu.memref_slice %arg11[%add3A_254, %dma_start3A_262] : memref<50x128xi32, #tpu.memory_space<vmem>> -> memref<1x128xi32, #tpu.memory_space<vmem>>
          %dma_start3A_264 = tpu.memref_squeeze %dma_start3A_263 : memref<1x128xi32, #tpu.memory_space<vmem>> -> memref<128xi32, #tpu.memory_space<vmem>>
          %dma_start3A_265 = arith.constant 0 : i32
          %dma_start3A_266 = arith.constant 0 : i32
          %dma_start3A_267 = tpu.memref_slice %arg17[%dma_start3A_265, %dma_start3A_266] : memref<50176x32xf32, #tpu.memory_space<vmem_shared>> -> memref<50176x32xf32, #tpu.memory_space<vmem_shared>>
          tpu.enqueue_indirect_dma source(%arg16 : memref<128x32xf32, #tpu.memory_space<vmem>>) target(%dma_start3A_267 : memref<50176x32xf32, #tpu.memory_space<vmem_shared>>) offsets(%dma_start3A_264 : memref<128xi32, #tpu.memory_space<vmem>>) semaphore(%run_scoped3A_261 : memref<!tpu.dma_semaphore, #tpu.memory_space<semaphore_mem>>) {add = true}
          %dma_wait3A_268 = arith.constant 0 : i32
          %dma_wait3A_269 = tpu.memref_slice %arg11[%add3A_254, %dma_wait3A_268] : memref<50x128xi32, #tpu.memory_space<vmem>> -> memref<1x128xi32, #tpu.memory_space<vmem>>
          %dma_wait3A_270 = tpu.memref_squeeze %dma_wait3A_269 : memref<1x128xi32, #tpu.memory_space<vmem>> -> memref<128xi32, #tpu.memory_space<vmem>>
          %dma_wait3A_271 = arith.constant 0 : i32
          %dma_wait3A_272 = arith.constant 0 : i32
          %dma_wait3A_273 = tpu.memref_slice %arg17[%dma_wait3A_271, %dma_wait3A_272] : memref<50176x32xf32, #tpu.memory_space<vmem_shared>> -> memref<50176x32xf32, #tpu.memory_space<vmem_shared>>
          tpu.wait_indirect_dma semaphore(%run_scoped3A_261 : memref<!tpu.dma_semaphore, #tpu.memory_space<semaphore_mem>>) src(%arg16 : memref<128x32xf32, #tpu.memory_space<vmem>>) dst(%dma_wait3A_273 : memref<50176x32xf32, #tpu.memory_space<vmem_shared>>)
          tpu.yield
        }) : () -> ()
        %lt3A_255 = arith.constant 24 : i32
        %lt3A_256 = arith.cmpi slt, %scan3A_170, %lt3A_255 : i32
        %convert_element_type3A_257 = arith.extui %lt3A_256 : i1 to i32
        %cond3A_258 = arith.constant 0 : i32
        %cond3A_259 = arith.cmpi ne, %convert_element_type3A_257, %cond3A_258 : i32
        scf.if %cond3A_259 {
          %add3A_261 = arith.constant 1 : i32
          %add3A_262 = arith.addi %scan3A_170, %add3A_261 : i32
          %mul3A_263 = arith.constant 2 : i32
          %mul3A_264 = arith.muli %mul3A_263, %add3A_262 : i32
          %add3A_265 = arith.constant 1 : i32
          %add3A_266 = arith.addi %mul3A_264, %add3A_265 : i32
          %dma_start3A_267 = arith.constant 0 : i32
          %dma_start3A_268 = tpu.memref_slice %arg12[%add3A_266, %dma_start3A_267] : memref<50x128xi32, #tpu.memory_space<vmem>> -> memref<1x128xi32, #tpu.memory_space<vmem>>
          %dma_start3A_269 = tpu.memref_squeeze %dma_start3A_268 : memref<1x128xi32, #tpu.memory_space<vmem>> -> memref<128xi32, #tpu.memory_space<vmem>>
          %dma_start3A_270 = arith.constant 0 : i32
          %dma_start3A_271 = arith.constant 0 : i32
          %dma_start3A_272 = tpu.memref_slice %arg6[%arg0, %dma_start3A_270, %dma_start3A_271] : memref<2x50176x32xf32, #tpu.memory_space<hbm>> -> memref<1x50176x32xf32, #tpu.memory_space<hbm>>
          %dma_start3A_273 = tpu.memref_squeeze %dma_start3A_272 : memref<1x50176x32xf32, #tpu.memory_space<hbm>> -> memref<50176x32xf32, #tpu.memory_space<hbm>>
          %dma_start3A_274 = arith.constant 0 : i32
          %dma_start3A_275 = arith.constant 0 : i32
          %dma_start3A_276 = tpu.memref_slice %dma_start3A_273[%dma_start3A_274, %dma_start3A_275] : memref<50176x32xf32, #tpu.memory_space<hbm>> -> memref<50176x32xf32, #tpu.memory_space<hbm>>
          tpu.enqueue_indirect_dma source(%dma_start3A_276 : memref<50176x32xf32, #tpu.memory_space<hbm>>) target(%arg16 : memref<128x32xf32, #tpu.memory_space<vmem>>) offsets(%dma_start3A_269 : memref<128xi32, #tpu.memory_space<vmem>>) semaphore(%arg21 : memref<!tpu.dma_semaphore, #tpu.memory_space<semaphore_mem>>)
        } else {
        }
        %scan3A_260 = arith.constant 0 : i32
        scf.yield %scan3A_260 : i32
      }
      %scan3A_168 = arith.constant 25 : i32
      %scan3A_169 = arith.constant 0 : i32
      scf.yield %scan3A_169 : i32
    }
    %scan3A_79 = arith.constant 8 : i32
    %barrier3A_80 = arith.constant 0 : index
    tpu.barrier barrier_id(%barrier3A_80)
    %broadcast_in_dim3A_81 = arith.constant 0.000000e+00 : f32
    %broadcast_in_dim3A_82 = vector.broadcast %broadcast_in_dim3A_81 : f32 to vector<16xf32>
    %scan3A_83 = arith.constant 0 : i32
    %scan3A_84 = arith.constant 0 : i32
    %scan3A_85 = arith.constant 128 : i32
    %scan3A_86 = arith.addi %scan3A_84, %scan3A_85 : i32
    %scan3A_87 = arith.constant 1 : i32
    %scan3A_88 = scf.for %scan3A_113 = %scan3A_84 to %scan3A_86 step %scan3A_87 iter_args(%scan3A_114 = %scan3A_83) -> (i32)  : i32 {
      %swap3A = arith.index_cast %scan3A_113 : i32 to index
      %swap3A_115 = arith.constant 0 : index
      %swap3A_116 = tpu.vector_load %arg16[%swap3A, %swap3A_115] {strides = array<i32>} : memref<128x32xf32, #tpu.memory_space<vmem>>, vector<16xf32>,
      tpu.vector_store %arg16[%swap3A, %swap3A_115], %broadcast_in_dim3A_82 {strides = array<i32>} : memref<128x32xf32, #tpu.memory_space<vmem>>, vector<16xf32>,
      %swap3A_117 = arith.index_cast %scan3A_113 : i32 to index
      %swap3A_118 = arith.constant 16 : index
      %swap3A_119 = tpu.vector_load %arg16[%swap3A_117, %swap3A_118] {strides = array<i32>} : memref<128x32xf32, #tpu.memory_space<vmem>>, vector<16xf32>,
      tpu.vector_store %arg16[%swap3A_117, %swap3A_118], %broadcast_in_dim3A_82 {strides = array<i32>} : memref<128x32xf32, #tpu.memory_space<vmem>>, vector<16xf32>,
      %scan3A_120 = arith.constant 0 : i32
      scf.yield %scan3A_120 : i32
    }
    %scan3A_89 = arith.constant 128 : i32
    %scan3A_90 = arith.constant 0 : i32
    %scan3A_91 = arith.constant 0 : i32
    %scan3A_92 = arith.constant 25 : i32
    %scan3A_93 = arith.addi %scan3A_91, %scan3A_92 : i32
    %scan3A_94 = arith.constant 1 : i32
    %scan3A_95 = scf.for %scan3A_113 = %scan3A_91 to %scan3A_93 step %scan3A_94 iter_args(%scan3A_114 = %scan3A_90) -> (i32)  : i32 {
      %mul3A = arith.constant 3125 : i32
      %mul3A_115 = arith.muli %arg1, %mul3A : i32
      %mul3A_116 = arith.constant 125 : i32
      %mul3A_117 = arith.muli %scan3A_113, %mul3A_116 : i32
      %add3A = arith.addi %mul3A_115, %mul3A_117 : i32
      "tpu.region"() ({
        %run_scoped3A = tpu.sem_alloc : memref<!tpu.dma_semaphore, #tpu.memory_space<semaphore_mem>>
        %dma_start3A = arith.constant 0 : i32
        %dma_start3A_126 = arith.constant 0 : i32
        %dma_start3A_127 = tpu.memref_slice %arg13[%dma_start3A, %dma_start3A_126] : memref<128x32xf32, #tpu.memory_space<vmem>> -> memref<125x32xf32, #tpu.memory_space<vmem>>
        %dma_start3A_128 = arith.constant 0 : i32
        %dma_start3A_129 = tpu.memref_slice %arg17[%add3A, %dma_start3A_128] : memref<50176x32xf32, #tpu.memory_space<vmem_shared>> -> memref<125x32xf32, #tpu.memory_space<vmem_shared>>
        %dma_start3A_130 = arith.constant 0 : i32
        %dma_start3A_131 = arith.constant 0 : i32
        %dma_start3A_132 = tpu.memref_slice %arg13[%dma_start3A_130, %dma_start3A_131] : memref<128x32xf32, #tpu.memory_space<vmem>> -> memref<125x32xf32, #tpu.memory_space<vmem>>
        %dma_start3A_133 = arith.constant 0 : i32
        %dma_start3A_134 = tpu.memref_slice %arg17[%add3A, %dma_start3A_133] : memref<50176x32xf32, #tpu.memory_space<vmem_shared>> -> memref<125x32xf32, #tpu.memory_space<vmem_shared>>
        tpu.enqueue_dma source(%dma_start3A_134 : memref<125x32xf32, #tpu.memory_space<vmem_shared>>) target(%dma_start3A_132 : memref<125x32xf32, #tpu.memory_space<vmem>>) target_semaphore(%run_scoped3A : memref<!tpu.dma_semaphore, #tpu.memory_space<semaphore_mem>>)
        %dma_wait3A = arith.constant 0 : i32
        %dma_wait3A_135 = arith.constant 0 : i32
        %dma_wait3A_136 = tpu.memref_slice %arg13[%dma_wait3A, %dma_wait3A_135] : memref<128x32xf32, #tpu.memory_space<vmem>> -> memref<125x32xf32, #tpu.memory_space<vmem>>
        %dma_wait3A_137 = arith.constant 0 : i32
        %dma_wait3A_138 = tpu.memref_slice %arg17[%add3A, %dma_wait3A_137] : memref<50176x32xf32, #tpu.memory_space<vmem_shared>> -> memref<125x32xf32, #tpu.memory_space<vmem_shared>>
        %dma_wait3A_139 = arith.constant 0 : i32
        %dma_wait3A_140 = arith.constant 0 : i32
        %dma_wait3A_141 = tpu.memref_slice %arg13[%dma_wait3A_139, %dma_wait3A_140] : memref<128x32xf32, #tpu.memory_space<vmem>> -> memref<125x32xf32, #tpu.memory_space<vmem>>
        %dma_wait3A_142 = arith.constant 0 : i32
        %dma_wait3A_143 = tpu.memref_slice %arg17[%add3A, %dma_wait3A_142] : memref<50176x32xf32, #tpu.memory_space<vmem_shared>> -> memref<125x32xf32, #tpu.memory_space<vmem_shared>>
        tpu.wait_dma2 semaphore(%run_scoped3A : memref<!tpu.dma_semaphore, #tpu.memory_space<semaphore_mem>>) src(%dma_wait3A_143 : memref<125x32xf32, #tpu.memory_space<vmem_shared>>) dst(%dma_wait3A_141 : memref<125x32xf32, #tpu.memory_space<vmem>>)
        tpu.yield
      }) : () -> ()
      "tpu.region"() ({
        %run_scoped3A = tpu.sem_alloc : memref<!tpu.dma_semaphore, #tpu.memory_space<semaphore_mem>>
        %dma_start3A = arith.constant 0 : i32
        %dma_start3A_126 = arith.constant 0 : i32
        %dma_start3A_127 = tpu.memref_slice %arg14[%dma_start3A, %dma_start3A_126] : memref<128x32xf32, #tpu.memory_space<vmem>> -> memref<125x32xf32, #tpu.memory_space<vmem>>
        %dma_start3A_128 = arith.constant 0 : i32
        %dma_start3A_129 = tpu.memref_slice %arg10[%arg0, %add3A, %dma_start3A_128] : memref<2x50000x32xf32, #tpu.memory_space<hbm>> -> memref<1x125x32xf32, #tpu.memory_space<hbm>>
        %dma_start3A_130 = tpu.memref_squeeze %dma_start3A_129 : memref<1x125x32xf32, #tpu.memory_space<hbm>> -> memref<125x32xf32, #tpu.memory_space<hbm>>
        %dma_start3A_131 = arith.constant 0 : i32
        %dma_start3A_132 = arith.constant 0 : i32
        %dma_start3A_133 = tpu.memref_slice %arg14[%dma_start3A_131, %dma_start3A_132] : memref<128x32xf32, #tpu.memory_space<vmem>> -> memref<125x32xf32, #tpu.memory_space<vmem>>
        %dma_start3A_134 = arith.constant 0 : i32
        %dma_start3A_135 = tpu.memref_slice %arg10[%arg0, %add3A, %dma_start3A_134] : memref<2x50000x32xf32, #tpu.memory_space<hbm>> -> memref<1x125x32xf32, #tpu.memory_space<hbm>>
        %dma_start3A_136 = tpu.memref_squeeze %dma_start3A_135 : memref<1x125x32xf32, #tpu.memory_space<hbm>> -> memref<125x32xf32, #tpu.memory_space<hbm>>
        tpu.enqueue_dma source(%dma_start3A_136 : memref<125x32xf32, #tpu.memory_space<hbm>>) target(%dma_start3A_133 : memref<125x32xf32, #tpu.memory_space<vmem>>) target_semaphore(%run_scoped3A : memref<!tpu.dma_semaphore, #tpu.memory_space<semaphore_mem>>)
        %dma_wait3A = arith.constant 0 : i32
        %dma_wait3A_137 = arith.constant 0 : i32
        %dma_wait3A_138 = tpu.memref_slice %arg14[%dma_wait3A, %dma_wait3A_137] : memref<128x32xf32, #tpu.memory_space<vmem>> -> memref<125x32xf32, #tpu.memory_space<vmem>>
        %dma_wait3A_139 = arith.constant 0 : i32
        %dma_wait3A_140 = tpu.memref_slice %arg10[%arg0, %add3A, %dma_wait3A_139] : memref<2x50000x32xf32, #tpu.memory_space<hbm>> -> memref<1x125x32xf32, #tpu.memory_space<hbm>>
        %dma_wait3A_141 = tpu.memref_squeeze %dma_wait3A_140 : memref<1x125x32xf32, #tpu.memory_space<hbm>> -> memref<125x32xf32, #tpu.memory_space<hbm>>
        %dma_wait3A_142 = arith.constant 0 : i32
        %dma_wait3A_143 = arith.constant 0 : i32
        %dma_wait3A_144 = tpu.memref_slice %arg14[%dma_wait3A_142, %dma_wait3A_143] : memref<128x32xf32, #tpu.memory_space<vmem>> -> memref<125x32xf32, #tpu.memory_space<vmem>>
        %dma_wait3A_145 = arith.constant 0 : i32
        %dma_wait3A_146 = tpu.memref_slice %arg10[%arg0, %add3A, %dma_wait3A_145] : memref<2x50000x32xf32, #tpu.memory_space<hbm>> -> memref<1x125x32xf32, #tpu.memory_space<hbm>>
        %dma_wait3A_147 = tpu.memref_squeeze %dma_wait3A_146 : memref<1x125x32xf32, #tpu.memory_space<hbm>> -> memref<125x32xf32, #tpu.memory_space<hbm>>
        tpu.wait_dma2 semaphore(%run_scoped3A : memref<!tpu.dma_semaphore, #tpu.memory_space<semaphore_mem>>) src(%dma_wait3A_147 : memref<125x32xf32, #tpu.memory_space<hbm>>) dst(%dma_wait3A_144 : memref<125x32xf32, #tpu.memory_space<vmem>>)
        tpu.yield
      }) : () -> ()
      "tpu.region"() ({
        %run_scoped3A = tpu.sem_alloc : memref<!tpu.dma_semaphore, #tpu.memory_space<semaphore_mem>>
        %dma_start3A = arith.constant 0 : i32
        %dma_start3A_126 = arith.constant 0 : i32
        %dma_start3A_127 = tpu.memref_slice %arg15[%dma_start3A, %dma_start3A_126] : memref<128x32xf32, #tpu.memory_space<vmem>> -> memref<125x32xf32, #tpu.memory_space<vmem>>
        %dma_start3A_128 = arith.constant 0 : i32
        %dma_start3A_129 = tpu.memref_slice %arg9[%arg0, %add3A, %dma_start3A_128] : memref<2x50000x32xf32, #tpu.memory_space<hbm>> -> memref<1x125x32xf32, #tpu.memory_space<hbm>>
        %dma_start3A_130 = tpu.memref_squeeze %dma_start3A_129 : memref<1x125x32xf32, #tpu.memory_space<hbm>> -> memref<125x32xf32, #tpu.memory_space<hbm>>
        %dma_start3A_131 = arith.constant 0 : i32
        %dma_start3A_132 = arith.constant 0 : i32
        %dma_start3A_133 = tpu.memref_slice %arg15[%dma_start3A_131, %dma_start3A_132] : memref<128x32xf32, #tpu.memory_space<vmem>> -> memref<125x32xf32, #tpu.memory_space<vmem>>
        %dma_start3A_134 = arith.constant 0 : i32
        %dma_start3A_135 = tpu.memref_slice %arg9[%arg0, %add3A, %dma_start3A_134] : memref<2x50000x32xf32, #tpu.memory_space<hbm>> -> memref<1x125x32xf32, #tpu.memory_space<hbm>>
        %dma_start3A_136 = tpu.memref_squeeze %dma_start3A_135 : memref<1x125x32xf32, #tpu.memory_space<hbm>> -> memref<125x32xf32, #tpu.memory_space<hbm>>
        tpu.enqueue_dma source(%dma_start3A_136 : memref<125x32xf32, #tpu.memory_space<hbm>>) target(%dma_start3A_133 : memref<125x32xf32, #tpu.memory_space<vmem>>) target_semaphore(%run_scoped3A : memref<!tpu.dma_semaphore, #tpu.memory_space<semaphore_mem>>)
        %dma_wait3A = arith.constant 0 : i32
        %dma_wait3A_137 = arith.constant 0 : i32
        %dma_wait3A_138 = tpu.memref_slice %arg15[%dma_wait3A, %dma_wait3A_137] : memref<128x32xf32, #tpu.memory_space<vmem>> -> memref<125x32xf32, #tpu.memory_space<vmem>>
        %dma_wait3A_139 = arith.constant 0 : i32
        %dma_wait3A_140 = tpu.memref_slice %arg9[%arg0, %add3A, %dma_wait3A_139] : memref<2x50000x32xf32, #tpu.memory_space<hbm>> -> memref<1x125x32xf32, #tpu.memory_space<hbm>>
        %dma_wait3A_141 = tpu.memref_squeeze %dma_wait3A_140 : memref<1x125x32xf32, #tpu.memory_space<hbm>> -> memref<125x32xf32, #tpu.memory_space<hbm>>
        %dma_wait3A_142 = arith.constant 0 : i32
        %dma_wait3A_143 = arith.constant 0 : i32
        %dma_wait3A_144 = tpu.memref_slice %arg15[%dma_wait3A_142, %dma_wait3A_143] : memref<128x32xf32, #tpu.memory_space<vmem>> -> memref<125x32xf32, #tpu.memory_space<vmem>>
        %dma_wait3A_145 = arith.constant 0 : i32
        %dma_wait3A_146 = tpu.memref_slice %arg9[%arg0, %add3A, %dma_wait3A_145] : memref<2x50000x32xf32, #tpu.memory_space<hbm>> -> memref<1x125x32xf32, #tpu.memory_space<hbm>>
        %dma_wait3A_147 = tpu.memref_squeeze %dma_wait3A_146 : memref<1x125x32xf32, #tpu.memory_space<hbm>> -> memref<125x32xf32, #tpu.memory_space<hbm>>
        tpu.wait_dma2 semaphore(%run_scoped3A : memref<!tpu.dma_semaphore, #tpu.memory_space<semaphore_mem>>) src(%dma_wait3A_147 : memref<125x32xf32, #tpu.memory_space<hbm>>) dst(%dma_wait3A_144 : memref<125x32xf32, #tpu.memory_space<vmem>>)
        tpu.yield
      }) : () -> ()
      %scan3A_118 = arith.constant 0 : i32
      %scan3A_119 = arith.constant 0 : i32
      %scan3A_120 = arith.constant 125 : i32
      %scan3A_121 = arith.addi %scan3A_119, %scan3A_120 : i32
      %scan3A_122 = arith.constant 1 : i32
      %scan3A_123 = scf.for %scan3A_126 = %scan3A_119 to %scan3A_121 step %scan3A_122 iter_args(%scan3A_127 = %scan3A_118) -> (i32)  : i32 {
        %get3A = arith.index_cast %scan3A_126 : i32 to index
        %get3A_128 = arith.constant 0 : index
        %get3A_129 = tpu.vector_load %arg13[%get3A, %get3A_128] {strides = array<i32>} : memref<128x32xf32, #tpu.memory_space<vmem>>, vector<16xf32>,
        %get3A_130 = arith.index_cast %scan3A_126 : i32 to index
        %get3A_131 = arith.constant 0 : index
        %get3A_132 = tpu.vector_load %arg14[%get3A_130, %get3A_131] {strides = array<i32>} : memref<128x32xf32, #tpu.memory_space<vmem>>, vector<16xf32>,
        %add3A_133 = arith.addf %get3A_132, %get3A_129 : vector<16xf32>
        %swap3A = arith.index_cast %scan3A_126 : i32 to index
        %swap3A_134 = arith.constant 0 : index
        %swap3A_135 = tpu.vector_load %arg14[%swap3A, %swap3A_134] {strides = array<i32>} : memref<128x32xf32, #tpu.memory_space<vmem>>, vector<16xf32>,
        tpu.vector_store %arg14[%swap3A, %swap3A_134], %add3A_133 {strides = array<i32>} : memref<128x32xf32, #tpu.memory_space<vmem>>, vector<16xf32>,
        %get3A_136 = arith.index_cast %scan3A_126 : i32 to index
        %get3A_137 = arith.constant 0 : index
        %get3A_138 = tpu.vector_load %arg15[%get3A_136, %get3A_137] {strides = array<i32>} : memref<128x32xf32, #tpu.memory_space<vmem>>, vector<16xf32>,
        %mul3A_139 = arith.mulf %get3A_129, %get3A_138 : vector<16xf32>
        %swap3A_140 = arith.index_cast %scan3A_126 : i32 to index
        %swap3A_141 = arith.constant 0 : index
        %swap3A_142 = tpu.vector_load %arg13[%swap3A_140, %swap3A_141] {strides = array<i32>} : memref<128x32xf32, #tpu.memory_space<vmem>>, vector<16xf32>,
        tpu.vector_store %arg13[%swap3A_140, %swap3A_141], %mul3A_139 {strides = array<i32>} : memref<128x32xf32, #tpu.memory_space<vmem>>, vector<16xf32>,
        %get3A_143 = arith.index_cast %scan3A_126 : i32 to index
        %get3A_144 = arith.constant 16 : index
        %get3A_145 = tpu.vector_load %arg13[%get3A_143, %get3A_144] {strides = array<i32>} : memref<128x32xf32, #tpu.memory_space<vmem>>, vector<16xf32>,
        %get3A_146 = arith.index_cast %scan3A_126 : i32 to index
        %get3A_147 = arith.constant 16 : index
        %get3A_148 = tpu.vector_load %arg14[%get3A_146, %get3A_147] {strides = array<i32>} : memref<128x32xf32, #tpu.memory_space<vmem>>, vector<16xf32>,
        %add3A_149 = arith.addf %get3A_148, %get3A_145 : vector<16xf32>
        %swap3A_150 = arith.index_cast %scan3A_126 : i32 to index
        %swap3A_151 = arith.constant 16 : index
        %swap3A_152 = tpu.vector_load %arg14[%swap3A_150, %swap3A_151] {strides = array<i32>} : memref<128x32xf32, #tpu.memory_space<vmem>>, vector<16xf32>,
        tpu.vector_store %arg14[%swap3A_150, %swap3A_151], %add3A_149 {strides = array<i32>} : memref<128x32xf32, #tpu.memory_space<vmem>>, vector<16xf32>,
        %get3A_153 = arith.index_cast %scan3A_126 : i32 to index
        %get3A_154 = arith.constant 16 : index
        %get3A_155 = tpu.vector_load %arg15[%get3A_153, %get3A_154] {strides = array<i32>} : memref<128x32xf32, #tpu.memory_space<vmem>>, vector<16xf32>,
        %mul3A_156 = arith.mulf %get3A_145, %get3A_155 : vector<16xf32>
        %swap3A_157 = arith.index_cast %scan3A_126 : i32 to index
        %swap3A_158 = arith.constant 16 : index
        %swap3A_159 = tpu.vector_load %arg13[%swap3A_157, %swap3A_158] {strides = array<i32>} : memref<128x32xf32, #tpu.memory_space<vmem>>, vector<16xf32>,
        tpu.vector_store %arg13[%swap3A_157, %swap3A_158], %mul3A_156 {strides = array<i32>} : memref<128x32xf32, #tpu.memory_space<vmem>>, vector<16xf32>,
        %scan3A_160 = arith.constant 0 : i32
        scf.yield %scan3A_160 : i32
      }
      %scan3A_124 = arith.constant 125 : i32
      "tpu.region"() ({
        %run_scoped3A = tpu.sem_alloc : memref<!tpu.dma_semaphore, #tpu.memory_space<semaphore_mem>>
        %dma_start3A = arith.constant 0 : i32
        %dma_start3A_126 = arith.constant 0 : i32
        %dma_start3A_127 = tpu.memref_slice %arg14[%dma_start3A, %dma_start3A_126] : memref<128x32xf32, #tpu.memory_space<vmem>> -> memref<125x32xf32, #tpu.memory_space<vmem>>
        %dma_start3A_128 = arith.constant 0 : i32
        %dma_start3A_129 = tpu.memref_slice %arg10[%arg0, %add3A, %dma_start3A_128] : memref<2x50000x32xf32, #tpu.memory_space<hbm>> -> memref<1x125x32xf32, #tpu.memory_space<hbm>>
        %dma_start3A_130 = tpu.memref_squeeze %dma_start3A_129 : memref<1x125x32xf32, #tpu.memory_space<hbm>> -> memref<125x32xf32, #tpu.memory_space<hbm>>
        %dma_start3A_131 = arith.constant 0 : i32
        %dma_start3A_132 = tpu.memref_slice %arg10[%arg0, %add3A, %dma_start3A_131] : memref<2x50000x32xf32, #tpu.memory_space<hbm>> -> memref<1x125x32xf32, #tpu.memory_space<hbm>>
        %dma_start3A_133 = tpu.memref_squeeze %dma_start3A_132 : memref<1x125x32xf32, #tpu.memory_space<hbm>> -> memref<125x32xf32, #tpu.memory_space<hbm>>
        %dma_start3A_134 = arith.constant 0 : i32
        %dma_start3A_135 = arith.constant 0 : i32
        %dma_start3A_136 = tpu.memref_slice %arg14[%dma_start3A_134, %dma_start3A_135] : memref<128x32xf32, #tpu.memory_space<vmem>> -> memref<125x32xf32, #tpu.memory_space<vmem>>
        tpu.enqueue_dma source(%dma_start3A_136 : memref<125x32xf32, #tpu.memory_space<vmem>>) target(%dma_start3A_133 : memref<125x32xf32, #tpu.memory_space<hbm>>) target_semaphore(%run_scoped3A : memref<!tpu.dma_semaphore, #tpu.memory_space<semaphore_mem>>)
        %dma_wait3A = arith.constant 0 : i32
        %dma_wait3A_137 = arith.constant 0 : i32
        %dma_wait3A_138 = tpu.memref_slice %arg14[%dma_wait3A, %dma_wait3A_137] : memref<128x32xf32, #tpu.memory_space<vmem>> -> memref<125x32xf32, #tpu.memory_space<vmem>>
        %dma_wait3A_139 = arith.constant 0 : i32
        %dma_wait3A_140 = tpu.memref_slice %arg10[%arg0, %add3A, %dma_wait3A_139] : memref<2x50000x32xf32, #tpu.memory_space<hbm>> -> memref<1x125x32xf32, #tpu.memory_space<hbm>>
        %dma_wait3A_141 = tpu.memref_squeeze %dma_wait3A_140 : memref<1x125x32xf32, #tpu.memory_space<hbm>> -> memref<125x32xf32, #tpu.memory_space<hbm>>
        %dma_wait3A_142 = arith.constant 0 : i32
        %dma_wait3A_143 = tpu.memref_slice %arg10[%arg0, %add3A, %dma_wait3A_142] : memref<2x50000x32xf32, #tpu.memory_space<hbm>> -> memref<1x125x32xf32, #tpu.memory_space<hbm>>
        %dma_wait3A_144 = tpu.memref_squeeze %dma_wait3A_143 : memref<1x125x32xf32, #tpu.memory_space<hbm>> -> memref<125x32xf32, #tpu.memory_space<hbm>>
        %dma_wait3A_145 = arith.constant 0 : i32
        %dma_wait3A_146 = arith.constant 0 : i32
        %dma_wait3A_147 = tpu.memref_slice %arg14[%dma_wait3A_145, %dma_wait3A_146] : memref<128x32xf32, #tpu.memory_space<vmem>> -> memref<125x32xf32, #tpu.memory_space<vmem>>
        tpu.wait_dma2 semaphore(%run_scoped3A : memref<!tpu.dma_semaphore, #tpu.memory_space<semaphore_mem>>) src(%dma_wait3A_147 : memref<125x32xf32, #tpu.memory_space<vmem>>) dst(%dma_wait3A_144 : memref<125x32xf32, #tpu.memory_space<hbm>>)
        tpu.yield
      }) : () -> ()
      "tpu.region"() ({
        %run_scoped3A = tpu.sem_alloc : memref<!tpu.dma_semaphore, #tpu.memory_space<semaphore_mem>>
        %dma_start3A = arith.constant 0 : i32
        %dma_start3A_126 = arith.constant 0 : i32
        %dma_start3A_127 = tpu.memref_slice %arg13[%dma_start3A, %dma_start3A_126] : memref<128x32xf32, #tpu.memory_space<vmem>> -> memref<125x32xf32, #tpu.memory_space<vmem>>
        %dma_start3A_128 = arith.constant 0 : i32
        %dma_start3A_129 = tpu.memref_slice %arg7[%arg0, %add3A, %dma_start3A_128] : memref<2x50176x32xf32, #tpu.memory_space<hbm>> -> memref<1x125x32xf32, #tpu.memory_space<hbm>>
        %dma_start3A_130 = tpu.memref_squeeze %dma_start3A_129 : memref<1x125x32xf32, #tpu.memory_space<hbm>> -> memref<125x32xf32, #tpu.memory_space<hbm>>
        %dma_start3A_131 = arith.constant 0 : i32
        %dma_start3A_132 = tpu.memref_slice %arg7[%arg0, %add3A, %dma_start3A_131] : memref<2x50176x32xf32, #tpu.memory_space<hbm>> -> memref<1x125x32xf32, #tpu.memory_space<hbm>>
        %dma_start3A_133 = tpu.memref_squeeze %dma_start3A_132 : memref<1x125x32xf32, #tpu.memory_space<hbm>> -> memref<125x32xf32, #tpu.memory_space<hbm>>
        %dma_start3A_134 = arith.constant 0 : i32
        %dma_start3A_135 = arith.constant 0 : i32
        %dma_start3A_136 = tpu.memref_slice %arg13[%dma_start3A_134, %dma_start3A_135] : memref<128x32xf32, #tpu.memory_space<vmem>> -> memref<125x32xf32, #tpu.memory_space<vmem>>
        tpu.enqueue_dma source(%dma_start3A_136 : memref<125x32xf32, #tpu.memory_space<vmem>>) target(%dma_start3A_133 : memref<125x32xf32, #tpu.memory_space<hbm>>) target_semaphore(%run_scoped3A : memref<!tpu.dma_semaphore, #tpu.memory_space<semaphore_mem>>)
        %dma_wait3A = arith.constant 0 : i32
        %dma_wait3A_137 = arith.constant 0 : i32
        %dma_wait3A_138 = tpu.memref_slice %arg13[%dma_wait3A, %dma_wait3A_137] : memref<128x32xf32, #tpu.memory_space<vmem>> -> memref<125x32xf32, #tpu.memory_space<vmem>>
        %dma_wait3A_139 = arith.constant 0 : i32
        %dma_wait3A_140 = tpu.memref_slice %arg7[%arg0, %add3A, %dma_wait3A_139] : memref<2x50176x32xf32, #tpu.memory_space<hbm>> -> memref<1x125x32xf32, #tpu.memory_space<hbm>>
        %dma_wait3A_141 = tpu.memref_squeeze %dma_wait3A_140 : memref<1x125x32xf32, #tpu.memory_space<hbm>> -> memref<125x32xf32, #tpu.memory_space<hbm>>
        %dma_wait3A_142 = arith.constant 0 : i32
        %dma_wait3A_143 = tpu.memref_slice %arg7[%arg0, %add3A, %dma_wait3A_142] : memref<2x50176x32xf32, #tpu.memory_space<hbm>> -> memref<1x125x32xf32, #tpu.memory_space<hbm>>
        %dma_wait3A_144 = tpu.memref_squeeze %dma_wait3A_143 : memref<1x125x32xf32, #tpu.memory_space<hbm>> -> memref<125x32xf32, #tpu.memory_space<hbm>>
        %dma_wait3A_145 = arith.constant 0 : i32
        %dma_wait3A_146 = arith.constant 0 : i32
        %dma_wait3A_147 = tpu.memref_slice %arg13[%dma_wait3A_145, %dma_wait3A_146] : memref<128x32xf32, #tpu.memory_space<vmem>> -> memref<125x32xf32, #tpu.memory_space<vmem>>
        tpu.wait_dma2 semaphore(%run_scoped3A : memref<!tpu.dma_semaphore, #tpu.memory_space<semaphore_mem>>) src(%dma_wait3A_147 : memref<125x32xf32, #tpu.memory_space<vmem>>) dst(%dma_wait3A_144 : memref<125x32xf32, #tpu.memory_space<hbm>>)
        tpu.yield
      }) : () -> ()
      "tpu.region"() ({
        %run_scoped3A = tpu.sem_alloc : memref<!tpu.dma_semaphore, #tpu.memory_space<semaphore_mem>>
        %dma_start3A = arith.constant 0 : i32
        %dma_start3A_126 = arith.constant 0 : i32
        %dma_start3A_127 = tpu.memref_slice %arg16[%dma_start3A, %dma_start3A_126] : memref<128x32xf32, #tpu.memory_space<vmem>> -> memref<125x32xf32, #tpu.memory_space<vmem>>
        %dma_start3A_128 = arith.constant 0 : i32
        %dma_start3A_129 = tpu.memref_slice %arg17[%add3A, %dma_start3A_128] : memref<50176x32xf32, #tpu.memory_space<vmem_shared>> -> memref<125x32xf32, #tpu.memory_space<vmem_shared>>
        %dma_start3A_130 = arith.constant 0 : i32
        %dma_start3A_131 = tpu.memref_slice %arg17[%add3A, %dma_start3A_130] : memref<50176x32xf32, #tpu.memory_space<vmem_shared>> -> memref<125x32xf32, #tpu.memory_space<vmem_shared>>
        %dma_start3A_132 = arith.constant 0 : i32
        %dma_start3A_133 = arith.constant 0 : i32
        %dma_start3A_134 = tpu.memref_slice %arg16[%dma_start3A_132, %dma_start3A_133] : memref<128x32xf32, #tpu.memory_space<vmem>> -> memref<125x32xf32, #tpu.memory_space<vmem>>
        tpu.enqueue_dma source(%dma_start3A_134 : memref<125x32xf32, #tpu.memory_space<vmem>>) target(%dma_start3A_131 : memref<125x32xf32, #tpu.memory_space<vmem_shared>>) target_semaphore(%run_scoped3A : memref<!tpu.dma_semaphore, #tpu.memory_space<semaphore_mem>>)
        %dma_wait3A = arith.constant 0 : i32
        %dma_wait3A_135 = arith.constant 0 : i32
        %dma_wait3A_136 = tpu.memref_slice %arg16[%dma_wait3A, %dma_wait3A_135] : memref<128x32xf32, #tpu.memory_space<vmem>> -> memref<125x32xf32, #tpu.memory_space<vmem>>
        %dma_wait3A_137 = arith.constant 0 : i32
        %dma_wait3A_138 = tpu.memref_slice %arg17[%add3A, %dma_wait3A_137] : memref<50176x32xf32, #tpu.memory_space<vmem_shared>> -> memref<125x32xf32, #tpu.memory_space<vmem_shared>>
        %dma_wait3A_139 = arith.constant 0 : i32
        %dma_wait3A_140 = tpu.memref_slice %arg17[%add3A, %dma_wait3A_139] : memref<50176x32xf32, #tpu.memory_space<vmem_shared>> -> memref<125x32xf32, #tpu.memory_space<vmem_shared>>
        %dma_wait3A_141 = arith.constant 0 : i32
        %dma_wait3A_142 = arith.constant 0 : i32
        %dma_wait3A_143 = tpu.memref_slice %arg16[%dma_wait3A_141, %dma_wait3A_142] : memref<128x32xf32, #tpu.memory_space<vmem>> -> memref<125x32xf32, #tpu.memory_space<vmem>>
        tpu.wait_dma2 semaphore(%run_scoped3A : memref<!tpu.dma_semaphore, #tpu.memory_space<semaphore_mem>>) src(%dma_wait3A_143 : memref<125x32xf32, #tpu.memory_space<vmem>>) dst(%dma_wait3A_140 : memref<125x32xf32, #tpu.memory_space<vmem_shared>>)
        tpu.yield
      }) : () -> ()
      %scan3A_125 = arith.constant 0 : i32
      scf.yield %scan3A_125 : i32
    }
    %scan3A_96 = arith.constant 25 : i32
    %barrier3A_97 = arith.constant 0 : index
    tpu.barrier barrier_id(%barrier3A_97)
    %scan3A_98 = arith.constant 0 : i32
    %scan3A_99 = arith.constant 0 : i32
    %scan3A_100 = arith.constant 8 : i32
    %scan3A_101 = arith.addi %scan3A_99, %scan3A_100 : i32
    %scan3A_102 = arith.constant 1 : i32
    %scan3A_103 = scf.for %scan3A_113 = %scan3A_99 to %scan3A_101 step %scan3A_102 iter_args(%scan3A_114 = %scan3A_98) -> (i32)  : i32 {
      %mul3A = arith.constant 400 : i32
      %mul3A_115 = arith.muli %arg1, %mul3A : i32
      %mul3A_116 = arith.constant 50 : i32
      %mul3A_117 = arith.muli %scan3A_113, %mul3A_116 : i32
      %add3A = arith.addi %mul3A_115, %mul3A_117 : i32
      %run_scoped3A = arith.constant 0 : i32
      "tpu.region"() ({
        %run_scoped3A_170 = tpu.sem_alloc : memref<!tpu.dma_semaphore, #tpu.memory_space<semaphore_mem>>
        %dma_start3A_171 = arith.constant 0 : i32
        %dma_start3A_172 = tpu.memref_slice %arg2[%run_scoped3A, %add3A, %dma_start3A_171] : memref<2x6400x128xi32, #tpu.memory_space<hbm>> -> memref<1x50x128xi32, #tpu.memory_space<hbm>>
        %dma_start3A_173 = tpu.memref_squeeze %dma_start3A_172 : memref<1x50x128xi32, #tpu.memory_space<hbm>> -> memref<50x128xi32, #tpu.memory_space<hbm>>
        %dma_start3A_174 = arith.constant 0 : i32
        %dma_start3A_175 = tpu.memref_slice %arg2[%run_scoped3A, %add3A, %dma_start3A_174] : memref<2x6400x128xi32, #tpu.memory_space<hbm>> -> memref<1x50x128xi32, #tpu.memory_space<hbm>>
        %dma_start3A_176 = tpu.memref_squeeze %dma_start3A_175 : memref<1x50x128xi32, #tpu.memory_space<hbm>> -> memref<50x128xi32, #tpu.memory_space<hbm>>
        tpu.enqueue_dma source(%dma_start3A_176 : memref<50x128xi32, #tpu.memory_space<hbm>>) target(%arg11 : memref<50x128xi32, #tpu.memory_space<vmem>>) target_semaphore(%run_scoped3A_170 : memref<!tpu.dma_semaphore, #tpu.memory_space<semaphore_mem>>)
        %dma_wait3A = arith.constant 0 : i32
        %dma_wait3A_177 = tpu.memref_slice %arg2[%run_scoped3A, %add3A, %dma_wait3A] : memref<2x6400x128xi32, #tpu.memory_space<hbm>> -> memref<1x50x128xi32, #tpu.memory_space<hbm>>
        %dma_wait3A_178 = tpu.memref_squeeze %dma_wait3A_177 : memref<1x50x128xi32, #tpu.memory_space<hbm>> -> memref<50x128xi32, #tpu.memory_space<hbm>>
        %dma_wait3A_179 = arith.constant 0 : i32
        %dma_wait3A_180 = tpu.memref_slice %arg2[%run_scoped3A, %add3A, %dma_wait3A_179] : memref<2x6400x128xi32, #tpu.memory_space<hbm>> -> memref<1x50x128xi32, #tpu.memory_space<hbm>>
        %dma_wait3A_181 = tpu.memref_squeeze %dma_wait3A_180 : memref<1x50x128xi32, #tpu.memory_space<hbm>> -> memref<50x128xi32, #tpu.memory_space<hbm>>
        tpu.wait_dma2 semaphore(%run_scoped3A_170 : memref<!tpu.dma_semaphore, #tpu.memory_space<semaphore_mem>>) src(%dma_wait3A_181 : memref<50x128xi32, #tpu.memory_space<hbm>>) dst(%arg11 : memref<50x128xi32, #tpu.memory_space<vmem>>)
        tpu.yield
      }) : () -> ()
      %run_scoped3A_118 = arith.constant 1 : i32
      "tpu.region"() ({
        %run_scoped3A_170 = tpu.sem_alloc : memref<!tpu.dma_semaphore, #tpu.memory_space<semaphore_mem>>
        %dma_start3A_171 = arith.constant 0 : i32
        %dma_start3A_172 = tpu.memref_slice %arg2[%run_scoped3A_118, %add3A, %dma_start3A_171] : memref<2x6400x128xi32, #tpu.memory_space<hbm>> -> memref<1x50x128xi32, #tpu.memory_space<hbm>>
        %dma_start3A_173 = tpu.memref_squeeze %dma_start3A_172 : memref<1x50x128xi32, #tpu.memory_space<hbm>> -> memref<50x128xi32, #tpu.memory_space<hbm>>
        %dma_start3A_174 = arith.constant 0 : i32
        %dma_start3A_175 = tpu.memref_slice %arg2[%run_scoped3A_118, %add3A, %dma_start3A_174] : memref<2x6400x128xi32, #tpu.memory_space<hbm>> -> memref<1x50x128xi32, #tpu.memory_space<hbm>>
        %dma_start3A_176 = tpu.memref_squeeze %dma_start3A_175 : memref<1x50x128xi32, #tpu.memory_space<hbm>> -> memref<50x128xi32, #tpu.memory_space<hbm>>
        tpu.enqueue_dma source(%dma_start3A_176 : memref<50x128xi32, #tpu.memory_space<hbm>>) target(%arg12 : memref<50x128xi32, #tpu.memory_space<vmem>>) target_semaphore(%run_scoped3A_170 : memref<!tpu.dma_semaphore, #tpu.memory_space<semaphore_mem>>)
        %dma_wait3A = arith.constant 0 : i32
        %dma_wait3A_177 = tpu.memref_slice %arg2[%run_scoped3A_118, %add3A, %dma_wait3A] : memref<2x6400x128xi32, #tpu.memory_space<hbm>> -> memref<1x50x128xi32, #tpu.memory_space<hbm>>
        %dma_wait3A_178 = tpu.memref_squeeze %dma_wait3A_177 : memref<1x50x128xi32, #tpu.memory_space<hbm>> -> memref<50x128xi32, #tpu.memory_space<hbm>>
        %dma_wait3A_179 = arith.constant 0 : i32
        %dma_wait3A_180 = tpu.memref_slice %arg2[%run_scoped3A_118, %add3A, %dma_wait3A_179] : memref<2x6400x128xi32, #tpu.memory_space<hbm>> -> memref<1x50x128xi32, #tpu.memory_space<hbm>>
        %dma_wait3A_181 = tpu.memref_squeeze %dma_wait3A_180 : memref<1x50x128xi32, #tpu.memory_space<hbm>> -> memref<50x128xi32, #tpu.memory_space<hbm>>
        tpu.wait_dma2 semaphore(%run_scoped3A_170 : memref<!tpu.dma_semaphore, #tpu.memory_space<semaphore_mem>>) src(%dma_wait3A_181 : memref<50x128xi32, #tpu.memory_space<hbm>>) dst(%arg12 : memref<50x128xi32, #tpu.memory_space<vmem>>)
        tpu.yield
      }) : () -> ()
      %dma_start3A = arith.constant 0 : i32
      %dma_start3A_119 = arith.constant 0 : i32
      %dma_start3A_120 = tpu.memref_slice %arg11[%dma_start3A, %dma_start3A_119] : memref<50x128xi32, #tpu.memory_space<vmem>> -> memref<1x128xi32, #tpu.memory_space<vmem>>
      %dma_start3A_121 = tpu.memref_squeeze %dma_start3A_120 : memref<1x128xi32, #tpu.memory_space<vmem>> -> memref<128xi32, #tpu.memory_space<vmem>>
      %dma_start3A_122 = arith.constant 0 : i32
      %dma_start3A_123 = arith.constant 0 : i32
      %dma_start3A_124 = tpu.memref_slice %arg7[%arg0, %dma_start3A_122, %dma_start3A_123] : memref<2x50176x32xf32, #tpu.memory_space<hbm>> -> memref<1x50176x32xf32, #tpu.memory_space<hbm>>
      %dma_start3A_125 = tpu.memref_squeeze %dma_start3A_124 : memref<1x50176x32xf32, #tpu.memory_space<hbm>> -> memref<50176x32xf32, #tpu.memory_space<hbm>>
      %dma_start3A_126 = arith.constant 0 : i32
      %dma_start3A_127 = arith.constant 0 : i32
      %dma_start3A_128 = tpu.memref_slice %dma_start3A_125[%dma_start3A_126, %dma_start3A_127] : memref<50176x32xf32, #tpu.memory_space<hbm>> -> memref<50176x32xf32, #tpu.memory_space<hbm>>
      tpu.enqueue_indirect_dma source(%dma_start3A_128 : memref<50176x32xf32, #tpu.memory_space<hbm>>) target(%arg13 : memref<128x32xf32, #tpu.memory_space<vmem>>) offsets(%dma_start3A_121 : memref<128xi32, #tpu.memory_space<vmem>>) semaphore(%arg18 : memref<!tpu.dma_semaphore, #tpu.memory_space<semaphore_mem>>)
      %dma_start3A_129 = arith.constant 0 : i32
      %dma_start3A_130 = arith.constant 0 : i32
      %dma_start3A_131 = tpu.memref_slice %arg12[%dma_start3A_129, %dma_start3A_130] : memref<50x128xi32, #tpu.memory_space<vmem>> -> memref<1x128xi32, #tpu.memory_space<vmem>>
      %dma_start3A_132 = tpu.memref_squeeze %dma_start3A_131 : memref<1x128xi32, #tpu.memory_space<vmem>> -> memref<128xi32, #tpu.memory_space<vmem>>
      %dma_start3A_133 = arith.constant 0 : i32
      %dma_start3A_134 = arith.constant 0 : i32
      %dma_start3A_135 = tpu.memref_slice %arg7[%arg0, %dma_start3A_133, %dma_start3A_134] : memref<2x50176x32xf32, #tpu.memory_space<hbm>> -> memref<1x50176x32xf32, #tpu.memory_space<hbm>>
      %dma_start3A_136 = tpu.memref_squeeze %dma_start3A_135 : memref<1x50176x32xf32, #tpu.memory_space<hbm>> -> memref<50176x32xf32, #tpu.memory_space<hbm>>
      %dma_start3A_137 = arith.constant 0 : i32
      %dma_start3A_138 = arith.constant 0 : i32
      %dma_start3A_139 = tpu.memref_slice %dma_start3A_136[%dma_start3A_137, %dma_start3A_138] : memref<50176x32xf32, #tpu.memory_space<hbm>> -> memref<50176x32xf32, #tpu.memory_space<hbm>>
      tpu.enqueue_indirect_dma source(%dma_start3A_139 : memref<50176x32xf32, #tpu.memory_space<hbm>>) target(%arg14 : memref<128x32xf32, #tpu.memory_space<vmem>>) offsets(%dma_start3A_132 : memref<128xi32, #tpu.memory_space<vmem>>) semaphore(%arg19 : memref<!tpu.dma_semaphore, #tpu.memory_space<semaphore_mem>>)
      %dma_start3A_140 = arith.constant 1 : i32
      %dma_start3A_141 = arith.constant 0 : i32
      %dma_start3A_142 = tpu.memref_slice %arg11[%dma_start3A_140, %dma_start3A_141] : memref<50x128xi32, #tpu.memory_space<vmem>> -> memref<1x128xi32, #tpu.memory_space<vmem>>
      %dma_start3A_143 = tpu.memref_squeeze %dma_start3A_142 : memref<1x128xi32, #tpu.memory_space<vmem>> -> memref<128xi32, #tpu.memory_space<vmem>>
      %dma_start3A_144 = arith.constant 0 : i32
      %dma_start3A_145 = arith.constant 0 : i32
      %dma_start3A_146 = tpu.memref_slice %arg7[%arg0, %dma_start3A_144, %dma_start3A_145] : memref<2x50176x32xf32, #tpu.memory_space<hbm>> -> memref<1x50176x32xf32, #tpu.memory_space<hbm>>
      %dma_start3A_147 = tpu.memref_squeeze %dma_start3A_146 : memref<1x50176x32xf32, #tpu.memory_space<hbm>> -> memref<50176x32xf32, #tpu.memory_space<hbm>>
      %dma_start3A_148 = arith.constant 0 : i32
      %dma_start3A_149 = arith.constant 0 : i32
      %dma_start3A_150 = tpu.memref_slice %dma_start3A_147[%dma_start3A_148, %dma_start3A_149] : memref<50176x32xf32, #tpu.memory_space<hbm>> -> memref<50176x32xf32, #tpu.memory_space<hbm>>
      tpu.enqueue_indirect_dma source(%dma_start3A_150 : memref<50176x32xf32, #tpu.memory_space<hbm>>) target(%arg15 : memref<128x32xf32, #tpu.memory_space<vmem>>) offsets(%dma_start3A_143 : memref<128xi32, #tpu.memory_space<vmem>>) semaphore(%arg20 : memref<!tpu.dma_semaphore, #tpu.memory_space<semaphore_mem>>)
      %dma_start3A_151 = arith.constant 1 : i32
      %dma_start3A_152 = arith.constant 0 : i32
      %dma_start3A_153 = tpu.memref_slice %arg12[%dma_start3A_151, %dma_start3A_152] : memref<50x128xi32, #tpu.memory_space<vmem>> -> memref<1x128xi32, #tpu.memory_space<vmem>>
      %dma_start3A_154 = tpu.memref_squeeze %dma_start3A_153 : memref<1x128xi32, #tpu.memory_space<vmem>> -> memref<128xi32, #tpu.memory_space<vmem>>
      %dma_start3A_155 = arith.constant 0 : i32
      %dma_start3A_156 = arith.constant 0 : i32
      %dma_start3A_157 = tpu.memref_slice %arg7[%arg0, %dma_start3A_155, %dma_start3A_156] : memref<2x50176x32xf32, #tpu.memory_space<hbm>> -> memref<1x50176x32xf32, #tpu.memory_space<hbm>>
      %dma_start3A_158 = tpu.memref_squeeze %dma_start3A_157 : memref<1x50176x32xf32, #tpu.memory_space<hbm>> -> memref<50176x32xf32, #tpu.memory_space<hbm>>
      %dma_start3A_159 = arith.constant 0 : i32
      %dma_start3A_160 = arith.constant 0 : i32
      %dma_start3A_161 = tpu.memref_slice %dma_start3A_158[%dma_start3A_159, %dma_start3A_160] : memref<50176x32xf32, #tpu.memory_space<hbm>> -> memref<50176x32xf32, #tpu.memory_space<hbm>>
      tpu.enqueue_indirect_dma source(%dma_start3A_161 : memref<50176x32xf32, #tpu.memory_space<hbm>>) target(%arg16 : memref<128x32xf32, #tpu.memory_space<vmem>>) offsets(%dma_start3A_154 : memref<128xi32, #tpu.memory_space<vmem>>) semaphore(%arg21 : memref<!tpu.dma_semaphore, #tpu.memory_space<semaphore_mem>>)
      %scan3A_162 = arith.constant 0 : i32
      %scan3A_163 = arith.constant 0 : i32
      %scan3A_164 = arith.constant 25 : i32
      %scan3A_165 = arith.addi %scan3A_163, %scan3A_164 : i32
      %scan3A_166 = arith.constant 1 : i32
      %scan3A_167 = scf.for %scan3A_170 = %scan3A_163 to %scan3A_165 step %scan3A_166 iter_args(%scan3A_171 = %scan3A_162) -> (i32)  : i32 {
        %dma_wait3A = arith.constant 0 : i32
        %dma_wait3A_172 = arith.constant 0 : i32
        %dma_wait3A_173 = tpu.memref_slice %arg7[%arg0, %dma_wait3A, %dma_wait3A_172] : memref<2x50176x32xf32, #tpu.memory_space<hbm>> -> memref<1x50176x32xf32, #tpu.memory_space<hbm>>
        %dma_wait3A_174 = tpu.memref_squeeze %dma_wait3A_173 : memref<1x50176x32xf32, #tpu.memory_space<hbm>> -> memref<50176x32xf32, #tpu.memory_space<hbm>>
        %dma_wait3A_175 = arith.constant 0 : i32
        %dma_wait3A_176 = arith.constant 0 : i32
        %dma_wait3A_177 = tpu.memref_slice %dma_wait3A_174[%dma_wait3A_175, %dma_wait3A_176] : memref<50176x32xf32, #tpu.memory_space<hbm>> -> memref<128x32xf32, #tpu.memory_space<hbm>>
        %dma_wait3A_178 = arith.constant 0 : i32
        %dma_wait3A_179 = arith.constant 0 : i32
        %dma_wait3A_180 = tpu.memref_slice %arg7[%arg0, %dma_wait3A_178, %dma_wait3A_179] : memref<2x50176x32xf32, #tpu.memory_space<hbm>> -> memref<1x50176x32xf32, #tpu.memory_space<hbm>>
        %dma_wait3A_181 = tpu.memref_squeeze %dma_wait3A_180 : memref<1x50176x32xf32, #tpu.memory_space<hbm>> -> memref<50176x32xf32, #tpu.memory_space<hbm>>
        %dma_wait3A_182 = arith.constant 0 : i32
        %dma_wait3A_183 = arith.constant 0 : i32
        %dma_wait3A_184 = tpu.memref_slice %dma_wait3A_181[%dma_wait3A_182, %dma_wait3A_183] : memref<50176x32xf32, #tpu.memory_space<hbm>> -> memref<128x32xf32, #tpu.memory_space<hbm>>
        tpu.wait_dma2 semaphore(%arg18 : memref<!tpu.dma_semaphore, #tpu.memory_space<semaphore_mem>>) src(%dma_wait3A_184 : memref<128x32xf32, #tpu.memory_space<hbm>>) dst(%arg13 : memref<128x32xf32, #tpu.memory_space<vmem>>)
        %mul3A_185 = arith.constant 2 : i32
        %mul3A_186 = arith.muli %mul3A_185, %scan3A_170 : i32
        %add3A_187 = arith.constant 0 : i32
        %add3A_188 = arith.addi %mul3A_186, %add3A_187 : i32
        "tpu.region"() ({
          %run_scoped3A_261 = tpu.sem_alloc : memref<!tpu.dma_semaphore, #tpu.memory_space<semaphore_mem>>
          %dma_start3A_262 = arith.constant 0 : i32
          %dma_start3A_263 = tpu.memref_slice %arg12[%add3A_188, %dma_start3A_262] : memref<50x128xi32, #tpu.memory_space<vmem>> -> memref<1x128xi32, #tpu.memory_space<vmem>>
          %dma_start3A_264 = tpu.memref_squeeze %dma_start3A_263 : memref<1x128xi32, #tpu.memory_space<vmem>> -> memref<128xi32, #tpu.memory_space<vmem>>
          %dma_start3A_265 = arith.constant 0 : i32
          %dma_start3A_266 = arith.constant 0 : i32
          %dma_start3A_267 = tpu.memref_slice %arg17[%dma_start3A_265, %dma_start3A_266] : memref<50176x32xf32, #tpu.memory_space<vmem_shared>> -> memref<50176x32xf32, #tpu.memory_space<vmem_shared>>
          tpu.enqueue_indirect_dma source(%arg13 : memref<128x32xf32, #tpu.memory_space<vmem>>) target(%dma_start3A_267 : memref<50176x32xf32, #tpu.memory_space<vmem_shared>>) offsets(%dma_start3A_264 : memref<128xi32, #tpu.memory_space<vmem>>) semaphore(%run_scoped3A_261 : memref<!tpu.dma_semaphore, #tpu.memory_space<semaphore_mem>>) {add = true}
          %dma_wait3A_268 = arith.constant 0 : i32
          %dma_wait3A_269 = tpu.memref_slice %arg12[%add3A_188, %dma_wait3A_268] : memref<50x128xi32, #tpu.memory_space<vmem>> -> memref<1x128xi32, #tpu.memory_space<vmem>>
          %dma_wait3A_270 = tpu.memref_squeeze %dma_wait3A_269 : memref<1x128xi32, #tpu.memory_space<vmem>> -> memref<128xi32, #tpu.memory_space<vmem>>
          %dma_wait3A_271 = arith.constant 0 : i32
          %dma_wait3A_272 = arith.constant 0 : i32
          %dma_wait3A_273 = tpu.memref_slice %arg17[%dma_wait3A_271, %dma_wait3A_272] : memref<50176x32xf32, #tpu.memory_space<vmem_shared>> -> memref<50176x32xf32, #tpu.memory_space<vmem_shared>>
          tpu.wait_indirect_dma semaphore(%run_scoped3A_261 : memref<!tpu.dma_semaphore, #tpu.memory_space<semaphore_mem>>) src(%arg13 : memref<128x32xf32, #tpu.memory_space<vmem>>) dst(%dma_wait3A_273 : memref<50176x32xf32, #tpu.memory_space<vmem_shared>>)
          tpu.yield
        }) : () -> ()
        %lt3A = arith.constant 24 : i32
        %lt3A_189 = arith.cmpi slt, %scan3A_170, %lt3A : i32
        %convert_element_type3A = arith.extui %lt3A_189 : i1 to i32
        %cond3A = arith.constant 0 : i32
        %cond3A_190 = arith.cmpi ne, %convert_element_type3A, %cond3A : i32
        scf.if %cond3A_190 {
          %add3A_261 = arith.constant 1 : i32
          %add3A_262 = arith.addi %scan3A_170, %add3A_261 : i32
          %mul3A_263 = arith.constant 2 : i32
          %mul3A_264 = arith.muli %mul3A_263, %add3A_262 : i32
          %add3A_265 = arith.constant 0 : i32
          %add3A_266 = arith.addi %mul3A_264, %add3A_265 : i32
          %dma_start3A_267 = arith.constant 0 : i32
          %dma_start3A_268 = tpu.memref_slice %arg11[%add3A_266, %dma_start3A_267] : memref<50x128xi32, #tpu.memory_space<vmem>> -> memref<1x128xi32, #tpu.memory_space<vmem>>
          %dma_start3A_269 = tpu.memref_squeeze %dma_start3A_268 : memref<1x128xi32, #tpu.memory_space<vmem>> -> memref<128xi32, #tpu.memory_space<vmem>>
          %dma_start3A_270 = arith.constant 0 : i32
          %dma_start3A_271 = arith.constant 0 : i32
          %dma_start3A_272 = tpu.memref_slice %arg7[%arg0, %dma_start3A_270, %dma_start3A_271] : memref<2x50176x32xf32, #tpu.memory_space<hbm>> -> memref<1x50176x32xf32, #tpu.memory_space<hbm>>
          %dma_start3A_273 = tpu.memref_squeeze %dma_start3A_272 : memref<1x50176x32xf32, #tpu.memory_space<hbm>> -> memref<50176x32xf32, #tpu.memory_space<hbm>>
          %dma_start3A_274 = arith.constant 0 : i32
          %dma_start3A_275 = arith.constant 0 : i32
          %dma_start3A_276 = tpu.memref_slice %dma_start3A_273[%dma_start3A_274, %dma_start3A_275] : memref<50176x32xf32, #tpu.memory_space<hbm>> -> memref<50176x32xf32, #tpu.memory_space<hbm>>
          tpu.enqueue_indirect_dma source(%dma_start3A_276 : memref<50176x32xf32, #tpu.memory_space<hbm>>) target(%arg13 : memref<128x32xf32, #tpu.memory_space<vmem>>) offsets(%dma_start3A_269 : memref<128xi32, #tpu.memory_space<vmem>>) semaphore(%arg18 : memref<!tpu.dma_semaphore, #tpu.memory_space<semaphore_mem>>)
        } else {
        }
        %dma_wait3A_191 = arith.constant 0 : i32
        %dma_wait3A_192 = arith.constant 0 : i32
        %dma_wait3A_193 = tpu.memref_slice %arg7[%arg0, %dma_wait3A_191, %dma_wait3A_192] : memref<2x50176x32xf32, #tpu.memory_space<hbm>> -> memref<1x50176x32xf32, #tpu.memory_space<hbm>>
        %dma_wait3A_194 = tpu.memref_squeeze %dma_wait3A_193 : memref<1x50176x32xf32, #tpu.memory_space<hbm>> -> memref<50176x32xf32, #tpu.memory_space<hbm>>
        %dma_wait3A_195 = arith.constant 0 : i32
        %dma_wait3A_196 = arith.constant 0 : i32
        %dma_wait3A_197 = tpu.memref_slice %dma_wait3A_194[%dma_wait3A_195, %dma_wait3A_196] : memref<50176x32xf32, #tpu.memory_space<hbm>> -> memref<128x32xf32, #tpu.memory_space<hbm>>
        %dma_wait3A_198 = arith.constant 0 : i32
        %dma_wait3A_199 = arith.constant 0 : i32
        %dma_wait3A_200 = tpu.memref_slice %arg7[%arg0, %dma_wait3A_198, %dma_wait3A_199] : memref<2x50176x32xf32, #tpu.memory_space<hbm>> -> memref<1x50176x32xf32, #tpu.memory_space<hbm>>
        %dma_wait3A_201 = tpu.memref_squeeze %dma_wait3A_200 : memref<1x50176x32xf32, #tpu.memory_space<hbm>> -> memref<50176x32xf32, #tpu.memory_space<hbm>>
        %dma_wait3A_202 = arith.constant 0 : i32
        %dma_wait3A_203 = arith.constant 0 : i32
        %dma_wait3A_204 = tpu.memref_slice %dma_wait3A_201[%dma_wait3A_202, %dma_wait3A_203] : memref<50176x32xf32, #tpu.memory_space<hbm>> -> memref<128x32xf32, #tpu.memory_space<hbm>>
        tpu.wait_dma2 semaphore(%arg19 : memref<!tpu.dma_semaphore, #tpu.memory_space<semaphore_mem>>) src(%dma_wait3A_204 : memref<128x32xf32, #tpu.memory_space<hbm>>) dst(%arg14 : memref<128x32xf32, #tpu.memory_space<vmem>>)
        %mul3A_205 = arith.constant 2 : i32
        %mul3A_206 = arith.muli %mul3A_205, %scan3A_170 : i32
        %add3A_207 = arith.constant 0 : i32
        %add3A_208 = arith.addi %mul3A_206, %add3A_207 : i32
        "tpu.region"() ({
          %run_scoped3A_261 = tpu.sem_alloc : memref<!tpu.dma_semaphore, #tpu.memory_space<semaphore_mem>>
          %dma_start3A_262 = arith.constant 0 : i32
          %dma_start3A_263 = tpu.memref_slice %arg11[%add3A_208, %dma_start3A_262] : memref<50x128xi32, #tpu.memory_space<vmem>> -> memref<1x128xi32, #tpu.memory_space<vmem>>
          %dma_start3A_264 = tpu.memref_squeeze %dma_start3A_263 : memref<1x128xi32, #tpu.memory_space<vmem>> -> memref<128xi32, #tpu.memory_space<vmem>>
          %dma_start3A_265 = arith.constant 0 : i32
          %dma_start3A_266 = arith.constant 0 : i32
          %dma_start3A_267 = tpu.memref_slice %arg17[%dma_start3A_265, %dma_start3A_266] : memref<50176x32xf32, #tpu.memory_space<vmem_shared>> -> memref<50176x32xf32, #tpu.memory_space<vmem_shared>>
          tpu.enqueue_indirect_dma source(%arg14 : memref<128x32xf32, #tpu.memory_space<vmem>>) target(%dma_start3A_267 : memref<50176x32xf32, #tpu.memory_space<vmem_shared>>) offsets(%dma_start3A_264 : memref<128xi32, #tpu.memory_space<vmem>>) semaphore(%run_scoped3A_261 : memref<!tpu.dma_semaphore, #tpu.memory_space<semaphore_mem>>) {add = true}
          %dma_wait3A_268 = arith.constant 0 : i32
          %dma_wait3A_269 = tpu.memref_slice %arg11[%add3A_208, %dma_wait3A_268] : memref<50x128xi32, #tpu.memory_space<vmem>> -> memref<1x128xi32, #tpu.memory_space<vmem>>
          %dma_wait3A_270 = tpu.memref_squeeze %dma_wait3A_269 : memref<1x128xi32, #tpu.memory_space<vmem>> -> memref<128xi32, #tpu.memory_space<vmem>>
          %dma_wait3A_271 = arith.constant 0 : i32
          %dma_wait3A_272 = arith.constant 0 : i32
          %dma_wait3A_273 = tpu.memref_slice %arg17[%dma_wait3A_271, %dma_wait3A_272] : memref<50176x32xf32, #tpu.memory_space<vmem_shared>> -> memref<50176x32xf32, #tpu.memory_space<vmem_shared>>
          tpu.wait_indirect_dma semaphore(%run_scoped3A_261 : memref<!tpu.dma_semaphore, #tpu.memory_space<semaphore_mem>>) src(%arg14 : memref<128x32xf32, #tpu.memory_space<vmem>>) dst(%dma_wait3A_273 : memref<50176x32xf32, #tpu.memory_space<vmem_shared>>)
          tpu.yield
        }) : () -> ()
        %lt3A_209 = arith.constant 24 : i32
        %lt3A_210 = arith.cmpi slt, %scan3A_170, %lt3A_209 : i32
        %convert_element_type3A_211 = arith.extui %lt3A_210 : i1 to i32
        %cond3A_212 = arith.constant 0 : i32
        %cond3A_213 = arith.cmpi ne, %convert_element_type3A_211, %cond3A_212 : i32
        scf.if %cond3A_213 {
          %add3A_261 = arith.constant 1 : i32
          %add3A_262 = arith.addi %scan3A_170, %add3A_261 : i32
          %mul3A_263 = arith.constant 2 : i32
          %mul3A_264 = arith.muli %mul3A_263, %add3A_262 : i32
          %add3A_265 = arith.constant 0 : i32
          %add3A_266 = arith.addi %mul3A_264, %add3A_265 : i32
          %dma_start3A_267 = arith.constant 0 : i32
          %dma_start3A_268 = tpu.memref_slice %arg12[%add3A_266, %dma_start3A_267] : memref<50x128xi32, #tpu.memory_space<vmem>> -> memref<1x128xi32, #tpu.memory_space<vmem>>
          %dma_start3A_269 = tpu.memref_squeeze %dma_start3A_268 : memref<1x128xi32, #tpu.memory_space<vmem>> -> memref<128xi32, #tpu.memory_space<vmem>>
          %dma_start3A_270 = arith.constant 0 : i32
          %dma_start3A_271 = arith.constant 0 : i32
          %dma_start3A_272 = tpu.memref_slice %arg7[%arg0, %dma_start3A_270, %dma_start3A_271] : memref<2x50176x32xf32, #tpu.memory_space<hbm>> -> memref<1x50176x32xf32, #tpu.memory_space<hbm>>
          %dma_start3A_273 = tpu.memref_squeeze %dma_start3A_272 : memref<1x50176x32xf32, #tpu.memory_space<hbm>> -> memref<50176x32xf32, #tpu.memory_space<hbm>>
          %dma_start3A_274 = arith.constant 0 : i32
          %dma_start3A_275 = arith.constant 0 : i32
          %dma_start3A_276 = tpu.memref_slice %dma_start3A_273[%dma_start3A_274, %dma_start3A_275] : memref<50176x32xf32, #tpu.memory_space<hbm>> -> memref<50176x32xf32, #tpu.memory_space<hbm>>
          tpu.enqueue_indirect_dma source(%dma_start3A_276 : memref<50176x32xf32, #tpu.memory_space<hbm>>) target(%arg14 : memref<128x32xf32, #tpu.memory_space<vmem>>) offsets(%dma_start3A_269 : memref<128xi32, #tpu.memory_space<vmem>>) semaphore(%arg19 : memref<!tpu.dma_semaphore, #tpu.memory_space<semaphore_mem>>)
        } else {
        }
        %dma_wait3A_214 = arith.constant 0 : i32
        %dma_wait3A_215 = arith.constant 0 : i32
        %dma_wait3A_216 = tpu.memref_slice %arg7[%arg0, %dma_wait3A_214, %dma_wait3A_215] : memref<2x50176x32xf32, #tpu.memory_space<hbm>> -> memref<1x50176x32xf32, #tpu.memory_space<hbm>>
        %dma_wait3A_217 = tpu.memref_squeeze %dma_wait3A_216 : memref<1x50176x32xf32, #tpu.memory_space<hbm>> -> memref<50176x32xf32, #tpu.memory_space<hbm>>
        %dma_wait3A_218 = arith.constant 0 : i32
        %dma_wait3A_219 = arith.constant 0 : i32
        %dma_wait3A_220 = tpu.memref_slice %dma_wait3A_217[%dma_wait3A_218, %dma_wait3A_219] : memref<50176x32xf32, #tpu.memory_space<hbm>> -> memref<128x32xf32, #tpu.memory_space<hbm>>
        %dma_wait3A_221 = arith.constant 0 : i32
        %dma_wait3A_222 = arith.constant 0 : i32
        %dma_wait3A_223 = tpu.memref_slice %arg7[%arg0, %dma_wait3A_221, %dma_wait3A_222] : memref<2x50176x32xf32, #tpu.memory_space<hbm>> -> memref<1x50176x32xf32, #tpu.memory_space<hbm>>
        %dma_wait3A_224 = tpu.memref_squeeze %dma_wait3A_223 : memref<1x50176x32xf32, #tpu.memory_space<hbm>> -> memref<50176x32xf32, #tpu.memory_space<hbm>>
        %dma_wait3A_225 = arith.constant 0 : i32
        %dma_wait3A_226 = arith.constant 0 : i32
        %dma_wait3A_227 = tpu.memref_slice %dma_wait3A_224[%dma_wait3A_225, %dma_wait3A_226] : memref<50176x32xf32, #tpu.memory_space<hbm>> -> memref<128x32xf32, #tpu.memory_space<hbm>>
        tpu.wait_dma2 semaphore(%arg20 : memref<!tpu.dma_semaphore, #tpu.memory_space<semaphore_mem>>) src(%dma_wait3A_227 : memref<128x32xf32, #tpu.memory_space<hbm>>) dst(%arg15 : memref<128x32xf32, #tpu.memory_space<vmem>>)
        %mul3A_228 = arith.constant 2 : i32
        %mul3A_229 = arith.muli %mul3A_228, %scan3A_170 : i32
        %add3A_230 = arith.constant 1 : i32
        %add3A_231 = arith.addi %mul3A_229, %add3A_230 : i32
        "tpu.region"() ({
          %run_scoped3A_261 = tpu.sem_alloc : memref<!tpu.dma_semaphore, #tpu.memory_space<semaphore_mem>>
          %dma_start3A_262 = arith.constant 0 : i32
          %dma_start3A_263 = tpu.memref_slice %arg12[%add3A_231, %dma_start3A_262] : memref<50x128xi32, #tpu.memory_space<vmem>> -> memref<1x128xi32, #tpu.memory_space<vmem>>
          %dma_start3A_264 = tpu.memref_squeeze %dma_start3A_263 : memref<1x128xi32, #tpu.memory_space<vmem>> -> memref<128xi32, #tpu.memory_space<vmem>>
          %dma_start3A_265 = arith.constant 0 : i32
          %dma_start3A_266 = arith.constant 0 : i32
          %dma_start3A_267 = tpu.memref_slice %arg17[%dma_start3A_265, %dma_start3A_266] : memref<50176x32xf32, #tpu.memory_space<vmem_shared>> -> memref<50176x32xf32, #tpu.memory_space<vmem_shared>>
          tpu.enqueue_indirect_dma source(%arg15 : memref<128x32xf32, #tpu.memory_space<vmem>>) target(%dma_start3A_267 : memref<50176x32xf32, #tpu.memory_space<vmem_shared>>) offsets(%dma_start3A_264 : memref<128xi32, #tpu.memory_space<vmem>>) semaphore(%run_scoped3A_261 : memref<!tpu.dma_semaphore, #tpu.memory_space<semaphore_mem>>) {add = true}
          %dma_wait3A_268 = arith.constant 0 : i32
          %dma_wait3A_269 = tpu.memref_slice %arg12[%add3A_231, %dma_wait3A_268] : memref<50x128xi32, #tpu.memory_space<vmem>> -> memref<1x128xi32, #tpu.memory_space<vmem>>
          %dma_wait3A_270 = tpu.memref_squeeze %dma_wait3A_269 : memref<1x128xi32, #tpu.memory_space<vmem>> -> memref<128xi32, #tpu.memory_space<vmem>>
          %dma_wait3A_271 = arith.constant 0 : i32
          %dma_wait3A_272 = arith.constant 0 : i32
          %dma_wait3A_273 = tpu.memref_slice %arg17[%dma_wait3A_271, %dma_wait3A_272] : memref<50176x32xf32, #tpu.memory_space<vmem_shared>> -> memref<50176x32xf32, #tpu.memory_space<vmem_shared>>
          tpu.wait_indirect_dma semaphore(%run_scoped3A_261 : memref<!tpu.dma_semaphore, #tpu.memory_space<semaphore_mem>>) src(%arg15 : memref<128x32xf32, #tpu.memory_space<vmem>>) dst(%dma_wait3A_273 : memref<50176x32xf32, #tpu.memory_space<vmem_shared>>)
          tpu.yield
        }) : () -> ()
        %lt3A_232 = arith.constant 24 : i32
        %lt3A_233 = arith.cmpi slt, %scan3A_170, %lt3A_232 : i32
        %convert_element_type3A_234 = arith.extui %lt3A_233 : i1 to i32
        %cond3A_235 = arith.constant 0 : i32
        %cond3A_236 = arith.cmpi ne, %convert_element_type3A_234, %cond3A_235 : i32
        scf.if %cond3A_236 {
          %add3A_261 = arith.constant 1 : i32
          %add3A_262 = arith.addi %scan3A_170, %add3A_261 : i32
          %mul3A_263 = arith.constant 2 : i32
          %mul3A_264 = arith.muli %mul3A_263, %add3A_262 : i32
          %add3A_265 = arith.constant 1 : i32
          %add3A_266 = arith.addi %mul3A_264, %add3A_265 : i32
          %dma_start3A_267 = arith.constant 0 : i32
          %dma_start3A_268 = tpu.memref_slice %arg11[%add3A_266, %dma_start3A_267] : memref<50x128xi32, #tpu.memory_space<vmem>> -> memref<1x128xi32, #tpu.memory_space<vmem>>
          %dma_start3A_269 = tpu.memref_squeeze %dma_start3A_268 : memref<1x128xi32, #tpu.memory_space<vmem>> -> memref<128xi32, #tpu.memory_space<vmem>>
          %dma_start3A_270 = arith.constant 0 : i32
          %dma_start3A_271 = arith.constant 0 : i32
          %dma_start3A_272 = tpu.memref_slice %arg7[%arg0, %dma_start3A_270, %dma_start3A_271] : memref<2x50176x32xf32, #tpu.memory_space<hbm>> -> memref<1x50176x32xf32, #tpu.memory_space<hbm>>
          %dma_start3A_273 = tpu.memref_squeeze %dma_start3A_272 : memref<1x50176x32xf32, #tpu.memory_space<hbm>> -> memref<50176x32xf32, #tpu.memory_space<hbm>>
          %dma_start3A_274 = arith.constant 0 : i32
          %dma_start3A_275 = arith.constant 0 : i32
          %dma_start3A_276 = tpu.memref_slice %dma_start3A_273[%dma_start3A_274, %dma_start3A_275] : memref<50176x32xf32, #tpu.memory_space<hbm>> -> memref<50176x32xf32, #tpu.memory_space<hbm>>
          tpu.enqueue_indirect_dma source(%dma_start3A_276 : memref<50176x32xf32, #tpu.memory_space<hbm>>) target(%arg15 : memref<128x32xf32, #tpu.memory_space<vmem>>) offsets(%dma_start3A_269 : memref<128xi32, #tpu.memory_space<vmem>>) semaphore(%arg20 : memref<!tpu.dma_semaphore, #tpu.memory_space<semaphore_mem>>)
        } else {
        }
        %dma_wait3A_237 = arith.constant 0 : i32
        %dma_wait3A_238 = arith.constant 0 : i32
        %dma_wait3A_239 = tpu.memref_slice %arg7[%arg0, %dma_wait3A_237, %dma_wait3A_238] : memref<2x50176x32xf32, #tpu.memory_space<hbm>> -> memref<1x50176x32xf32, #tpu.memory_space<hbm>>
        %dma_wait3A_240 = tpu.memref_squeeze %dma_wait3A_239 : memref<1x50176x32xf32, #tpu.memory_space<hbm>> -> memref<50176x32xf32, #tpu.memory_space<hbm>>
        %dma_wait3A_241 = arith.constant 0 : i32
        %dma_wait3A_242 = arith.constant 0 : i32
        %dma_wait3A_243 = tpu.memref_slice %dma_wait3A_240[%dma_wait3A_241, %dma_wait3A_242] : memref<50176x32xf32, #tpu.memory_space<hbm>> -> memref<128x32xf32, #tpu.memory_space<hbm>>
        %dma_wait3A_244 = arith.constant 0 : i32
        %dma_wait3A_245 = arith.constant 0 : i32
        %dma_wait3A_246 = tpu.memref_slice %arg7[%arg0, %dma_wait3A_244, %dma_wait3A_245] : memref<2x50176x32xf32, #tpu.memory_space<hbm>> -> memref<1x50176x32xf32, #tpu.memory_space<hbm>>
        %dma_wait3A_247 = tpu.memref_squeeze %dma_wait3A_246 : memref<1x50176x32xf32, #tpu.memory_space<hbm>> -> memref<50176x32xf32, #tpu.memory_space<hbm>>
        %dma_wait3A_248 = arith.constant 0 : i32
        %dma_wait3A_249 = arith.constant 0 : i32
        %dma_wait3A_250 = tpu.memref_slice %dma_wait3A_247[%dma_wait3A_248, %dma_wait3A_249] : memref<50176x32xf32, #tpu.memory_space<hbm>> -> memref<128x32xf32, #tpu.memory_space<hbm>>
        tpu.wait_dma2 semaphore(%arg21 : memref<!tpu.dma_semaphore, #tpu.memory_space<semaphore_mem>>) src(%dma_wait3A_250 : memref<128x32xf32, #tpu.memory_space<hbm>>) dst(%arg16 : memref<128x32xf32, #tpu.memory_space<vmem>>)
        %mul3A_251 = arith.constant 2 : i32
        %mul3A_252 = arith.muli %mul3A_251, %scan3A_170 : i32
        %add3A_253 = arith.constant 1 : i32
        %add3A_254 = arith.addi %mul3A_252, %add3A_253 : i32
        "tpu.region"() ({
          %run_scoped3A_261 = tpu.sem_alloc : memref<!tpu.dma_semaphore, #tpu.memory_space<semaphore_mem>>
          %dma_start3A_262 = arith.constant 0 : i32
          %dma_start3A_263 = tpu.memref_slice %arg11[%add3A_254, %dma_start3A_262] : memref<50x128xi32, #tpu.memory_space<vmem>> -> memref<1x128xi32, #tpu.memory_space<vmem>>
          %dma_start3A_264 = tpu.memref_squeeze %dma_start3A_263 : memref<1x128xi32, #tpu.memory_space<vmem>> -> memref<128xi32, #tpu.memory_space<vmem>>
          %dma_start3A_265 = arith.constant 0 : i32
          %dma_start3A_266 = arith.constant 0 : i32
          %dma_start3A_267 = tpu.memref_slice %arg17[%dma_start3A_265, %dma_start3A_266] : memref<50176x32xf32, #tpu.memory_space<vmem_shared>> -> memref<50176x32xf32, #tpu.memory_space<vmem_shared>>
          tpu.enqueue_indirect_dma source(%arg16 : memref<128x32xf32, #tpu.memory_space<vmem>>) target(%dma_start3A_267 : memref<50176x32xf32, #tpu.memory_space<vmem_shared>>) offsets(%dma_start3A_264 : memref<128xi32, #tpu.memory_space<vmem>>) semaphore(%run_scoped3A_261 : memref<!tpu.dma_semaphore, #tpu.memory_space<semaphore_mem>>) {add = true}
          %dma_wait3A_268 = arith.constant 0 : i32
          %dma_wait3A_269 = tpu.memref_slice %arg11[%add3A_254, %dma_wait3A_268] : memref<50x128xi32, #tpu.memory_space<vmem>> -> memref<1x128xi32, #tpu.memory_space<vmem>>
          %dma_wait3A_270 = tpu.memref_squeeze %dma_wait3A_269 : memref<1x128xi32, #tpu.memory_space<vmem>> -> memref<128xi32, #tpu.memory_space<vmem>>
          %dma_wait3A_271 = arith.constant 0 : i32
          %dma_wait3A_272 = arith.constant 0 : i32
          %dma_wait3A_273 = tpu.memref_slice %arg17[%dma_wait3A_271, %dma_wait3A_272] : memref<50176x32xf32, #tpu.memory_space<vmem_shared>> -> memref<50176x32xf32, #tpu.memory_space<vmem_shared>>
          tpu.wait_indirect_dma semaphore(%run_scoped3A_261 : memref<!tpu.dma_semaphore, #tpu.memory_space<semaphore_mem>>) src(%arg16 : memref<128x32xf32, #tpu.memory_space<vmem>>) dst(%dma_wait3A_273 : memref<50176x32xf32, #tpu.memory_space<vmem_shared>>)
          tpu.yield
        }) : () -> ()
        %lt3A_255 = arith.constant 24 : i32
        %lt3A_256 = arith.cmpi slt, %scan3A_170, %lt3A_255 : i32
        %convert_element_type3A_257 = arith.extui %lt3A_256 : i1 to i32
        %cond3A_258 = arith.constant 0 : i32
        %cond3A_259 = arith.cmpi ne, %convert_element_type3A_257, %cond3A_258 : i32
        scf.if %cond3A_259 {
          %add3A_261 = arith.constant 1 : i32
          %add3A_262 = arith.addi %scan3A_170, %add3A_261 : i32
          %mul3A_263 = arith.constant 2 : i32
          %mul3A_264 = arith.muli %mul3A_263, %add3A_262 : i32
          %add3A_265 = arith.constant 1 : i32
          %add3A_266 = arith.addi %mul3A_264, %add3A_265 : i32
          %dma_start3A_267 = arith.constant 0 : i32
          %dma_start3A_268 = tpu.memref_slice %arg12[%add3A_266, %dma_start3A_267] : memref<50x128xi32, #tpu.memory_space<vmem>> -> memref<1x128xi32, #tpu.memory_space<vmem>>
          %dma_start3A_269 = tpu.memref_squeeze %dma_start3A_268 : memref<1x128xi32, #tpu.memory_space<vmem>> -> memref<128xi32, #tpu.memory_space<vmem>>
          %dma_start3A_270 = arith.constant 0 : i32
          %dma_start3A_271 = arith.constant 0 : i32
          %dma_start3A_272 = tpu.memref_slice %arg7[%arg0, %dma_start3A_270, %dma_start3A_271] : memref<2x50176x32xf32, #tpu.memory_space<hbm>> -> memref<1x50176x32xf32, #tpu.memory_space<hbm>>
          %dma_start3A_273 = tpu.memref_squeeze %dma_start3A_272 : memref<1x50176x32xf32, #tpu.memory_space<hbm>> -> memref<50176x32xf32, #tpu.memory_space<hbm>>
          %dma_start3A_274 = arith.constant 0 : i32
          %dma_start3A_275 = arith.constant 0 : i32
          %dma_start3A_276 = tpu.memref_slice %dma_start3A_273[%dma_start3A_274, %dma_start3A_275] : memref<50176x32xf32, #tpu.memory_space<hbm>> -> memref<50176x32xf32, #tpu.memory_space<hbm>>
          tpu.enqueue_indirect_dma source(%dma_start3A_276 : memref<50176x32xf32, #tpu.memory_space<hbm>>) target(%arg16 : memref<128x32xf32, #tpu.memory_space<vmem>>) offsets(%dma_start3A_269 : memref<128xi32, #tpu.memory_space<vmem>>) semaphore(%arg21 : memref<!tpu.dma_semaphore, #tpu.memory_space<semaphore_mem>>)
        } else {
        }
        %scan3A_260 = arith.constant 0 : i32
        scf.yield %scan3A_260 : i32
      }
      %scan3A_168 = arith.constant 25 : i32
      %scan3A_169 = arith.constant 0 : i32
      scf.yield %scan3A_169 : i32
    }
    %scan3A_104 = arith.constant 8 : i32
    %barrier3A_105 = arith.constant 0 : index
    tpu.barrier barrier_id(%barrier3A_105)
    %scan3A_106 = arith.constant 0 : i32
    %scan3A_107 = arith.constant 0 : i32
    %scan3A_108 = arith.constant 25 : i32
    %scan3A_109 = arith.addi %scan3A_107, %scan3A_108 : i32
    %scan3A_110 = arith.constant 1 : i32
    %scan3A_111 = scf.for %scan3A_113 = %scan3A_107 to %scan3A_109 step %scan3A_110 iter_args(%scan3A_114 = %scan3A_106) -> (i32)  : i32 {
      %mul3A = arith.constant 3125 : i32
      %mul3A_115 = arith.muli %arg1, %mul3A : i32
      %mul3A_116 = arith.constant 125 : i32
      %mul3A_117 = arith.muli %scan3A_113, %mul3A_116 : i32
      %add3A = arith.addi %mul3A_115, %mul3A_117 : i32
      "tpu.region"() ({
        %run_scoped3A = tpu.sem_alloc : memref<!tpu.dma_semaphore, #tpu.memory_space<semaphore_mem>>
        %dma_start3A = arith.constant 0 : i32
        %dma_start3A_130 = arith.constant 0 : i32
        %dma_start3A_131 = tpu.memref_slice %arg13[%dma_start3A, %dma_start3A_130] : memref<128x32xf32, #tpu.memory_space<vmem>> -> memref<125x32xf32, #tpu.memory_space<vmem>>
        %dma_start3A_132 = arith.constant 0 : i32
        %dma_start3A_133 = tpu.memref_slice %arg17[%add3A, %dma_start3A_132] : memref<50176x32xf32, #tpu.memory_space<vmem_shared>> -> memref<125x32xf32, #tpu.memory_space<vmem_shared>>
        %dma_start3A_134 = arith.constant 0 : i32
        %dma_start3A_135 = arith.constant 0 : i32
        %dma_start3A_136 = tpu.memref_slice %arg13[%dma_start3A_134, %dma_start3A_135] : memref<128x32xf32, #tpu.memory_space<vmem>> -> memref<125x32xf32, #tpu.memory_space<vmem>>
        %dma_start3A_137 = arith.constant 0 : i32
        %dma_start3A_138 = tpu.memref_slice %arg17[%add3A, %dma_start3A_137] : memref<50176x32xf32, #tpu.memory_space<vmem_shared>> -> memref<125x32xf32, #tpu.memory_space<vmem_shared>>
        tpu.enqueue_dma source(%dma_start3A_138 : memref<125x32xf32, #tpu.memory_space<vmem_shared>>) target(%dma_start3A_136 : memref<125x32xf32, #tpu.memory_space<vmem>>) target_semaphore(%run_scoped3A : memref<!tpu.dma_semaphore, #tpu.memory_space<semaphore_mem>>)
        %dma_wait3A = arith.constant 0 : i32
        %dma_wait3A_139 = arith.constant 0 : i32
        %dma_wait3A_140 = tpu.memref_slice %arg13[%dma_wait3A, %dma_wait3A_139] : memref<128x32xf32, #tpu.memory_space<vmem>> -> memref<125x32xf32, #tpu.memory_space<vmem>>
        %dma_wait3A_141 = arith.constant 0 : i32
        %dma_wait3A_142 = tpu.memref_slice %arg17[%add3A, %dma_wait3A_141] : memref<50176x32xf32, #tpu.memory_space<vmem_shared>> -> memref<125x32xf32, #tpu.memory_space<vmem_shared>>
        %dma_wait3A_143 = arith.constant 0 : i32
        %dma_wait3A_144 = arith.constant 0 : i32
        %dma_wait3A_145 = tpu.memref_slice %arg13[%dma_wait3A_143, %dma_wait3A_144] : memref<128x32xf32, #tpu.memory_space<vmem>> -> memref<125x32xf32, #tpu.memory_space<vmem>>
        %dma_wait3A_146 = arith.constant 0 : i32
        %dma_wait3A_147 = tpu.memref_slice %arg17[%add3A, %dma_wait3A_146] : memref<50176x32xf32, #tpu.memory_space<vmem_shared>> -> memref<125x32xf32, #tpu.memory_space<vmem_shared>>
        tpu.wait_dma2 semaphore(%run_scoped3A : memref<!tpu.dma_semaphore, #tpu.memory_space<semaphore_mem>>) src(%dma_wait3A_147 : memref<125x32xf32, #tpu.memory_space<vmem_shared>>) dst(%dma_wait3A_145 : memref<125x32xf32, #tpu.memory_space<vmem>>)
        tpu.yield
      }) : () -> ()
      "tpu.region"() ({
        %run_scoped3A = tpu.sem_alloc : memref<!tpu.dma_semaphore, #tpu.memory_space<semaphore_mem>>
        %dma_start3A = arith.constant 0 : i32
        %dma_start3A_130 = arith.constant 0 : i32
        %dma_start3A_131 = tpu.memref_slice %arg14[%dma_start3A, %dma_start3A_130] : memref<128x32xf32, #tpu.memory_space<vmem>> -> memref<125x32xf32, #tpu.memory_space<vmem>>
        %dma_start3A_132 = arith.constant 0 : i32
        %dma_start3A_133 = tpu.memref_slice %arg10[%arg0, %add3A, %dma_start3A_132] : memref<2x50000x32xf32, #tpu.memory_space<hbm>> -> memref<1x125x32xf32, #tpu.memory_space<hbm>>
        %dma_start3A_134 = tpu.memref_squeeze %dma_start3A_133 : memref<1x125x32xf32, #tpu.memory_space<hbm>> -> memref<125x32xf32, #tpu.memory_space<hbm>>
        %dma_start3A_135 = arith.constant 0 : i32
        %dma_start3A_136 = arith.constant 0 : i32
        %dma_start3A_137 = tpu.memref_slice %arg14[%dma_start3A_135, %dma_start3A_136] : memref<128x32xf32, #tpu.memory_space<vmem>> -> memref<125x32xf32, #tpu.memory_space<vmem>>
        %dma_start3A_138 = arith.constant 0 : i32
        %dma_start3A_139 = tpu.memref_slice %arg10[%arg0, %add3A, %dma_start3A_138] : memref<2x50000x32xf32, #tpu.memory_space<hbm>> -> memref<1x125x32xf32, #tpu.memory_space<hbm>>
        %dma_start3A_140 = tpu.memref_squeeze %dma_start3A_139 : memref<1x125x32xf32, #tpu.memory_space<hbm>> -> memref<125x32xf32, #tpu.memory_space<hbm>>
        tpu.enqueue_dma source(%dma_start3A_140 : memref<125x32xf32, #tpu.memory_space<hbm>>) target(%dma_start3A_137 : memref<125x32xf32, #tpu.memory_space<vmem>>) target_semaphore(%run_scoped3A : memref<!tpu.dma_semaphore, #tpu.memory_space<semaphore_mem>>)
        %dma_wait3A = arith.constant 0 : i32
        %dma_wait3A_141 = arith.constant 0 : i32
        %dma_wait3A_142 = tpu.memref_slice %arg14[%dma_wait3A, %dma_wait3A_141] : memref<128x32xf32, #tpu.memory_space<vmem>> -> memref<125x32xf32, #tpu.memory_space<vmem>>
        %dma_wait3A_143 = arith.constant 0 : i32
        %dma_wait3A_144 = tpu.memref_slice %arg10[%arg0, %add3A, %dma_wait3A_143] : memref<2x50000x32xf32, #tpu.memory_space<hbm>> -> memref<1x125x32xf32, #tpu.memory_space<hbm>>
        %dma_wait3A_145 = tpu.memref_squeeze %dma_wait3A_144 : memref<1x125x32xf32, #tpu.memory_space<hbm>> -> memref<125x32xf32, #tpu.memory_space<hbm>>
        %dma_wait3A_146 = arith.constant 0 : i32
        %dma_wait3A_147 = arith.constant 0 : i32
        %dma_wait3A_148 = tpu.memref_slice %arg14[%dma_wait3A_146, %dma_wait3A_147] : memref<128x32xf32, #tpu.memory_space<vmem>> -> memref<125x32xf32, #tpu.memory_space<vmem>>
        %dma_wait3A_149 = arith.constant 0 : i32
        %dma_wait3A_150 = tpu.memref_slice %arg10[%arg0, %add3A, %dma_wait3A_149] : memref<2x50000x32xf32, #tpu.memory_space<hbm>> -> memref<1x125x32xf32, #tpu.memory_space<hbm>>
        %dma_wait3A_151 = tpu.memref_squeeze %dma_wait3A_150 : memref<1x125x32xf32, #tpu.memory_space<hbm>> -> memref<125x32xf32, #tpu.memory_space<hbm>>
        tpu.wait_dma2 semaphore(%run_scoped3A : memref<!tpu.dma_semaphore, #tpu.memory_space<semaphore_mem>>) src(%dma_wait3A_151 : memref<125x32xf32, #tpu.memory_space<hbm>>) dst(%dma_wait3A_148 : memref<125x32xf32, #tpu.memory_space<vmem>>)
        tpu.yield
      }) : () -> ()
      "tpu.region"() ({
        %run_scoped3A = tpu.sem_alloc : memref<!tpu.dma_semaphore, #tpu.memory_space<semaphore_mem>>
        %dma_start3A = arith.constant 0 : i32
        %dma_start3A_130 = arith.constant 0 : i32
        %dma_start3A_131 = tpu.memref_slice %arg15[%dma_start3A, %dma_start3A_130] : memref<128x32xf32, #tpu.memory_space<vmem>> -> memref<125x32xf32, #tpu.memory_space<vmem>>
        %dma_start3A_132 = arith.constant 0 : i32
        %dma_start3A_133 = tpu.memref_slice %arg8[%arg0, %add3A, %dma_start3A_132] : memref<2x50000x32xf32, #tpu.memory_space<hbm>> -> memref<1x125x32xf32, #tpu.memory_space<hbm>>
        %dma_start3A_134 = tpu.memref_squeeze %dma_start3A_133 : memref<1x125x32xf32, #tpu.memory_space<hbm>> -> memref<125x32xf32, #tpu.memory_space<hbm>>
        %dma_start3A_135 = arith.constant 0 : i32
        %dma_start3A_136 = arith.constant 0 : i32
        %dma_start3A_137 = tpu.memref_slice %arg15[%dma_start3A_135, %dma_start3A_136] : memref<128x32xf32, #tpu.memory_space<vmem>> -> memref<125x32xf32, #tpu.memory_space<vmem>>
        %dma_start3A_138 = arith.constant 0 : i32
        %dma_start3A_139 = tpu.memref_slice %arg8[%arg0, %add3A, %dma_start3A_138] : memref<2x50000x32xf32, #tpu.memory_space<hbm>> -> memref<1x125x32xf32, #tpu.memory_space<hbm>>
        %dma_start3A_140 = tpu.memref_squeeze %dma_start3A_139 : memref<1x125x32xf32, #tpu.memory_space<hbm>> -> memref<125x32xf32, #tpu.memory_space<hbm>>
        tpu.enqueue_dma source(%dma_start3A_140 : memref<125x32xf32, #tpu.memory_space<hbm>>) target(%dma_start3A_137 : memref<125x32xf32, #tpu.memory_space<vmem>>) target_semaphore(%run_scoped3A : memref<!tpu.dma_semaphore, #tpu.memory_space<semaphore_mem>>)
        %dma_wait3A = arith.constant 0 : i32
        %dma_wait3A_141 = arith.constant 0 : i32
        %dma_wait3A_142 = tpu.memref_slice %arg15[%dma_wait3A, %dma_wait3A_141] : memref<128x32xf32, #tpu.memory_space<vmem>> -> memref<125x32xf32, #tpu.memory_space<vmem>>
        %dma_wait3A_143 = arith.constant 0 : i32
        %dma_wait3A_144 = tpu.memref_slice %arg8[%arg0, %add3A, %dma_wait3A_143] : memref<2x50000x32xf32, #tpu.memory_space<hbm>> -> memref<1x125x32xf32, #tpu.memory_space<hbm>>
        %dma_wait3A_145 = tpu.memref_squeeze %dma_wait3A_144 : memref<1x125x32xf32, #tpu.memory_space<hbm>> -> memref<125x32xf32, #tpu.memory_space<hbm>>
        %dma_wait3A_146 = arith.constant 0 : i32
        %dma_wait3A_147 = arith.constant 0 : i32
        %dma_wait3A_148 = tpu.memref_slice %arg15[%dma_wait3A_146, %dma_wait3A_147] : memref<128x32xf32, #tpu.memory_space<vmem>> -> memref<125x32xf32, #tpu.memory_space<vmem>>
        %dma_wait3A_149 = arith.constant 0 : i32
        %dma_wait3A_150 = tpu.memref_slice %arg8[%arg0, %add3A, %dma_wait3A_149] : memref<2x50000x32xf32, #tpu.memory_space<hbm>> -> memref<1x125x32xf32, #tpu.memory_space<hbm>>
        %dma_wait3A_151 = tpu.memref_squeeze %dma_wait3A_150 : memref<1x125x32xf32, #tpu.memory_space<hbm>> -> memref<125x32xf32, #tpu.memory_space<hbm>>
        tpu.wait_dma2 semaphore(%run_scoped3A : memref<!tpu.dma_semaphore, #tpu.memory_space<semaphore_mem>>) src(%dma_wait3A_151 : memref<125x32xf32, #tpu.memory_space<hbm>>) dst(%dma_wait3A_148 : memref<125x32xf32, #tpu.memory_space<vmem>>)
        tpu.yield
      }) : () -> ()
      %mul3A_118 = arith.constant 32 : i32
      %mul3A_119 = arith.muli %arg0, %mul3A_118 : i32
      "tpu.region"() ({
        %run_scoped3A = tpu.sem_alloc : memref<!tpu.dma_semaphore, #tpu.memory_space<semaphore_mem>>
        %dma_start3A = arith.constant 0 : i32
        %dma_start3A_130 = arith.constant 0 : i32
        %dma_start3A_131 = tpu.memref_slice %arg16[%dma_start3A, %dma_start3A_130] : memref<128x32xf32, #tpu.memory_space<vmem>> -> memref<125x32xf32, #tpu.memory_space<vmem>>
        %dma_start3A_132 = tpu.memref_slice %arg3[%add3A, %mul3A_119] : memref<50000x64xf32, #tpu.memory_space<hbm>> -> memref<125x32xf32, #tpu.memory_space<hbm>>
        %dma_start3A_133 = arith.constant 0 : i32
        %dma_start3A_134 = arith.constant 0 : i32
        %dma_start3A_135 = tpu.memref_slice %arg16[%dma_start3A_133, %dma_start3A_134] : memref<128x32xf32, #tpu.memory_space<vmem>> -> memref<125x32xf32, #tpu.memory_space<vmem>>
        %dma_start3A_136 = tpu.memref_slice %arg3[%add3A, %mul3A_119] : memref<50000x64xf32, #tpu.memory_space<hbm>> -> memref<125x32xf32, #tpu.memory_space<hbm>>
        tpu.enqueue_dma source(%dma_start3A_136 : memref<125x32xf32, #tpu.memory_space<hbm>>) target(%dma_start3A_135 : memref<125x32xf32, #tpu.memory_space<vmem>>) target_semaphore(%run_scoped3A : memref<!tpu.dma_semaphore, #tpu.memory_space<semaphore_mem>>)
        %dma_wait3A = arith.constant 0 : i32
        %dma_wait3A_137 = arith.constant 0 : i32
        %dma_wait3A_138 = tpu.memref_slice %arg16[%dma_wait3A, %dma_wait3A_137] : memref<128x32xf32, #tpu.memory_space<vmem>> -> memref<125x32xf32, #tpu.memory_space<vmem>>
        %dma_wait3A_139 = tpu.memref_slice %arg3[%add3A, %mul3A_119] : memref<50000x64xf32, #tpu.memory_space<hbm>> -> memref<125x32xf32, #tpu.memory_space<hbm>>
        %dma_wait3A_140 = arith.constant 0 : i32
        %dma_wait3A_141 = arith.constant 0 : i32
        %dma_wait3A_142 = tpu.memref_slice %arg16[%dma_wait3A_140, %dma_wait3A_141] : memref<128x32xf32, #tpu.memory_space<vmem>> -> memref<125x32xf32, #tpu.memory_space<vmem>>
        %dma_wait3A_143 = tpu.memref_slice %arg3[%add3A, %mul3A_119] : memref<50000x64xf32, #tpu.memory_space<hbm>> -> memref<125x32xf32, #tpu.memory_space<hbm>>
        tpu.wait_dma2 semaphore(%run_scoped3A : memref<!tpu.dma_semaphore, #tpu.memory_space<semaphore_mem>>) src(%dma_wait3A_143 : memref<125x32xf32, #tpu.memory_space<hbm>>) dst(%dma_wait3A_142 : memref<125x32xf32, #tpu.memory_space<vmem>>)
        tpu.yield
      }) : () -> ()
      %scan3A_120 = arith.constant 0 : i32
      %scan3A_121 = arith.constant 0 : i32
      %scan3A_122 = arith.constant 125 : i32
      %scan3A_123 = arith.addi %scan3A_121, %scan3A_122 : i32
      %scan3A_124 = arith.constant 1 : i32
      %scan3A_125 = scf.for %scan3A_130 = %scan3A_121 to %scan3A_123 step %scan3A_124 iter_args(%scan3A_131 = %scan3A_120) -> (i32)  : i32 {
        %get3A = arith.index_cast %scan3A_130 : i32 to index
        %get3A_132 = arith.constant 0 : index
        %get3A_133 = tpu.vector_load %arg16[%get3A, %get3A_132] {strides = array<i32>} : memref<128x32xf32, #tpu.memory_space<vmem>>, vector<16xf32>,
        %get3A_134 = arith.index_cast %scan3A_130 : i32 to index
        %get3A_135 = arith.constant 0 : index
        %get3A_136 = tpu.vector_load %arg14[%get3A_134, %get3A_135] {strides = array<i32>} : memref<128x32xf32, #tpu.memory_space<vmem>>, vector<16xf32>,
        %get3A_137 = arith.index_cast %scan3A_130 : i32 to index
        %get3A_138 = arith.constant 0 : index
        %get3A_139 = tpu.vector_load %arg13[%get3A_137, %get3A_138] {strides = array<i32>} : memref<128x32xf32, #tpu.memory_space<vmem>>, vector<16xf32>,
        %add3A_140 = arith.addf %get3A_136, %get3A_139 : vector<16xf32>
        %get3A_141 = arith.index_cast %scan3A_130 : i32 to index
        %get3A_142 = arith.constant 0 : index
        %get3A_143 = tpu.vector_load %arg15[%get3A_141, %get3A_142] {strides = array<i32>} : memref<128x32xf32, #tpu.memory_space<vmem>>, vector<16xf32>,
        %mul3A_144 = arith.mulf %add3A_140, %get3A_143 : vector<16xf32>
        %add3A_145 = arith.addf %get3A_133, %mul3A_144 : vector<16xf32>
        %mul3A_146 = arith.constant 2.500000e-01 : f32
        %mul3A_147 = vector.broadcast %mul3A_146 : f32 to vector<16xf32>
        %mul3A_148 = arith.mulf %add3A_145, %mul3A_147 : vector<16xf32>
        %swap3A = arith.index_cast %scan3A_130 : i32 to index
        %swap3A_149 = arith.constant 0 : index
        %swap3A_150 = tpu.vector_load %arg14[%swap3A, %swap3A_149] {strides = array<i32>} : memref<128x32xf32, #tpu.memory_space<vmem>>, vector<16xf32>,
        tpu.vector_store %arg14[%swap3A, %swap3A_149], %mul3A_148 {strides = array<i32>} : memref<128x32xf32, #tpu.memory_space<vmem>>, vector<16xf32>,
        %get3A_151 = arith.index_cast %scan3A_130 : i32 to index
        %get3A_152 = arith.constant 16 : index
        %get3A_153 = tpu.vector_load %arg16[%get3A_151, %get3A_152] {strides = array<i32>} : memref<128x32xf32, #tpu.memory_space<vmem>>, vector<16xf32>,
        %get3A_154 = arith.index_cast %scan3A_130 : i32 to index
        %get3A_155 = arith.constant 16 : index
        %get3A_156 = tpu.vector_load %arg14[%get3A_154, %get3A_155] {strides = array<i32>} : memref<128x32xf32, #tpu.memory_space<vmem>>, vector<16xf32>,
        %get3A_157 = arith.index_cast %scan3A_130 : i32 to index
        %get3A_158 = arith.constant 16 : index
        %get3A_159 = tpu.vector_load %arg13[%get3A_157, %get3A_158] {strides = array<i32>} : memref<128x32xf32, #tpu.memory_space<vmem>>, vector<16xf32>,
        %add3A_160 = arith.addf %get3A_156, %get3A_159 : vector<16xf32>
        %get3A_161 = arith.index_cast %scan3A_130 : i32 to index
        %get3A_162 = arith.constant 16 : index
        %get3A_163 = tpu.vector_load %arg15[%get3A_161, %get3A_162] {strides = array<i32>} : memref<128x32xf32, #tpu.memory_space<vmem>>, vector<16xf32>,
        %mul3A_164 = arith.mulf %add3A_160, %get3A_163 : vector<16xf32>
        %add3A_165 = arith.addf %get3A_153, %mul3A_164 : vector<16xf32>
        %mul3A_166 = arith.constant 2.500000e-01 : f32
        %mul3A_167 = vector.broadcast %mul3A_166 : f32 to vector<16xf32>
        %mul3A_168 = arith.mulf %add3A_165, %mul3A_167 : vector<16xf32>
        %swap3A_169 = arith.index_cast %scan3A_130 : i32 to index
        %swap3A_170 = arith.constant 16 : index
        %swap3A_171 = tpu.vector_load %arg14[%swap3A_169, %swap3A_170] {strides = array<i32>} : memref<128x32xf32, #tpu.memory_space<vmem>>, vector<16xf32>,
        tpu.vector_store %arg14[%swap3A_169, %swap3A_170], %mul3A_168 {strides = array<i32>} : memref<128x32xf32, #tpu.memory_space<vmem>>, vector<16xf32>,
        %scan3A_172 = arith.constant 0 : i32
        scf.yield %scan3A_172 : i32
      }
      %scan3A_126 = arith.constant 125 : i32
      %mul3A_127 = arith.constant 32 : i32
      %mul3A_128 = arith.muli %arg0, %mul3A_127 : i32
      "tpu.region"() ({
        %run_scoped3A = tpu.sem_alloc : memref<!tpu.dma_semaphore, #tpu.memory_space<semaphore_mem>>
        %dma_start3A = arith.constant 0 : i32
        %dma_start3A_130 = arith.constant 0 : i32
        %dma_start3A_131 = tpu.memref_slice %arg14[%dma_start3A, %dma_start3A_130] : memref<128x32xf32, #tpu.memory_space<vmem>> -> memref<125x32xf32, #tpu.memory_space<vmem>>
        %dma_start3A_132 = tpu.memref_slice %arg4[%add3A, %mul3A_128] : memref<50000x64xf32, #tpu.memory_space<hbm>> -> memref<125x32xf32, #tpu.memory_space<hbm>>
        %dma_start3A_133 = tpu.memref_slice %arg4[%add3A, %mul3A_128] : memref<50000x64xf32, #tpu.memory_space<hbm>> -> memref<125x32xf32, #tpu.memory_space<hbm>>
        %dma_start3A_134 = arith.constant 0 : i32
        %dma_start3A_135 = arith.constant 0 : i32
        %dma_start3A_136 = tpu.memref_slice %arg14[%dma_start3A_134, %dma_start3A_135] : memref<128x32xf32, #tpu.memory_space<vmem>> -> memref<125x32xf32, #tpu.memory_space<vmem>>
        tpu.enqueue_dma source(%dma_start3A_136 : memref<125x32xf32, #tpu.memory_space<vmem>>) target(%dma_start3A_133 : memref<125x32xf32, #tpu.memory_space<hbm>>) target_semaphore(%run_scoped3A : memref<!tpu.dma_semaphore, #tpu.memory_space<semaphore_mem>>)
        %dma_wait3A = arith.constant 0 : i32
        %dma_wait3A_137 = arith.constant 0 : i32
        %dma_wait3A_138 = tpu.memref_slice %arg14[%dma_wait3A, %dma_wait3A_137] : memref<128x32xf32, #tpu.memory_space<vmem>> -> memref<125x32xf32, #tpu.memory_space<vmem>>
        %dma_wait3A_139 = tpu.memref_slice %arg4[%add3A, %mul3A_128] : memref<50000x64xf32, #tpu.memory_space<hbm>> -> memref<125x32xf32, #tpu.memory_space<hbm>>
        %dma_wait3A_140 = tpu.memref_slice %arg4[%add3A, %mul3A_128] : memref<50000x64xf32, #tpu.memory_space<hbm>> -> memref<125x32xf32, #tpu.memory_space<hbm>>
        %dma_wait3A_141 = arith.constant 0 : i32
        %dma_wait3A_142 = arith.constant 0 : i32
        %dma_wait3A_143 = tpu.memref_slice %arg14[%dma_wait3A_141, %dma_wait3A_142] : memref<128x32xf32, #tpu.memory_space<vmem>> -> memref<125x32xf32, #tpu.memory_space<vmem>>
        tpu.wait_dma2 semaphore(%run_scoped3A : memref<!tpu.dma_semaphore, #tpu.memory_space<semaphore_mem>>) src(%dma_wait3A_143 : memref<125x32xf32, #tpu.memory_space<vmem>>) dst(%dma_wait3A_140 : memref<125x32xf32, #tpu.memory_space<hbm>>)
        tpu.yield
      }) : () -> ()
      %scan3A_129 = arith.constant 0 : i32
      scf.yield %scan3A_129 : i32
    }
    %scan3A_112 = arith.constant 25 : i32
    return
  }
}

</mosaic_0001>

<sc_bundles>
// kernel: kernel.3.cloned.1.call-start
scs
__scs_entry_jumppad:
0x0: {  	(pc) =	sbr.rel $0x88, $3  }
0x1: {  	(tag) =	ssettag $0x0;
	lr =	simm.s32 $0x1  }
0x2: {  	[smem:$0x3F9E] =	sst lr;
	_ =	strace $0xD0000000  }
0x3: {  	_ = 	snop  }
0x4: {  	_ = 	snop  }
0x5: {  	_ = 	snop  }
0x6: {  	_ = 	snop  }
0x7: {  	_ = 	snop  }
__scs_overlays_trampoline_lowered:
0x8: {  	[smem:$0x3FAD] =	sst s0  }
0x9: {  	[smem:$0x3FAE] =	sst s1  }
0xa: {  	[smem:$0x3FAF] =	sst s2  }
0xb: {  	[smem:$0x3FB0] =	sst s3  }
0xc: {  	[smem:$0x3FB1] =	sst s4  }
0xd: {  	[smem:$0x3FB2] =	sst s5  }
0xe: {  	[smem:$0x3FB3] =	sst s6  }
0xf: {  	[smem:$0x3FB4] =	sst s7  }
0x10: {  	[smem:$0x3FB5] =	sst s8  }
0x11: {  	[smem:$0x3FB6] =	sst s9;
	s0 =	simm.s32 @!p0 $0x0  }
0x12: {  	s1 =	sld [smem:$0x3F9C];
	s0 =	simm.s32 @p0 $0x1  }
0x13: {  	[smem:$0x3FB7] =	sst s0;
	s0 =	simm.s32 @!p1 $0x0  }
0x14: {  	s2 =	sld [smem:$0x3F9B];
	s0 =	simm.s32 @p1 $0x1  }
0x15: {  	[smem:$0x3FB8] =	sst s0;
	s0 =	simm.s32 @!p2 $0x0  }
0x16: {  	s3 =	sld [smem:$0x3FDB];
	s0 =	simm.s32 @p2 $0x1  }
0x17: {  	s4 =	simm.s32 $0x1BF5;
	[smem:$0x3FBA] =	sst s0  }
0x18: {  	s0 =	sld [smem:$0x3F9D];
	_ =	swait.ge [sflag:s4], $0x0  }
0x19: {  	s7 =	sld [smem:$0x3F9E]  }
0x1a: {  	s8 =	sadd.s32 $0xFFFFE003, lr  }
0x1b: {  	s9 =	sadd.s32 $0xFFFFFEF7, lr;
	s5 =	simm.s32 $0xFFFFFFFF;
	p2 =	slt.u32 s8, $0xFFFFF086  }
0x1c: {  	p1 =	slt.u32 s9, $0xF7A;
	s5 =	simm.s32 @!p2 $0x0  }
0x1d: {  	s5 =	simm.s32 @p1 $0x1;
	p0 =	seq.s32 s7, s2  }
0x1e: {  	s7 =	smul.u32 @!p0 $0xF7A, s2;
	p2 =	seq.s32 @!p0 s5, $0x0  }
0x1f: {  	s9 =	smul.u32 $0xF7A, s1;
	s8 =	simm.s32 @!p0 $0x1BF5;
	p2 =	por !p2, p0  }
0x20: {  	[sflag:s8] =	ssyncset.s32 @!p0 $0xFFFFF086;
	s6 =	sadd.s32 @!p0 s3, s7;
	s7 =	simm.s32 @!p0 $0x108  }
0x21: {  	s3 =	sadd.s32 s3, s9;
	s6 =	sadd.s32 @!p0 $0x88, s6;
	s7 =	simm.s32 @p2 $0x1082  }
0x22: {  	[simem:s7], [sflag:s8] =	dma.local @!p0 [hbm:s6], $0xF7A  }
0x23: {  	s9 =	sor.u32 $0xD0000000, s2;
	s6 =	simm.s32 $0x108;
	_ =	swait.ge @!p0 [sflag:s8], $0x0  }
0x24: {  	s3 =	sadd.s32 $0x88, s3;
	s6 =	simm.s32 @!p1 $0x1082;
	[sflag:s4] =	ssyncset.s32 $0xFFFFF086  }
0x25: {  	[simem:s6], [sflag:s4] =	dma.local [hbm:s3], $0xF7A  }
0x26: {  	[smem:$0x3F9E] =	sst s1;
	(tag) =	ssettag s2;
	_ =	strace s9  }
0x27: {  	s1 =	sld [smem:$0x3FAE]  }
0x28: {  	s2 =	sld [smem:$0x3FAF]  }
0x29: {  	s4 =	sld [smem:$0x3FB1]  }
0x2a: {  	p0 =	seq.s32 s5, $0x0;
	s5 =	sld [smem:$0x3FB2]  }
0x2b: {  	s6 =	sld [smem:$0x3FB3]  }
0x2c: {  	s7 =	sld [smem:$0x3FB4]  }
0x2d: {  	s3 =	simm.s32 $0x108;
	s8 =	sld [smem:$0x3FB5]  }
0x2e: {  	s3 =	simm.s32 @!p0 $0x1082;
	s9 =	sld [smem:$0x3FB6]  }
0x2f: {  	lr =	sadd.s32 s0, s3;
	s0 =	sld [smem:$0x3FAD]  }
0x30: {  	s3 =	sld [smem:$0x3FB0]  }
0x31: {  	[smem:$0x3FB9] =	sst s10  }
0x32: {  	s10 =	sld [smem:$0x3FB7];
	_ =	sdelay $0x3  }
0x33: {  	p0 =	seq.s32 s10, $0x1;
	s10 =	sld [smem:$0x3FB9];
	_ =	sdelay $0x3  }
0x34: {  	[smem:$0x3FB9] =	sst s10  }
0x35: {  	s10 =	sld [smem:$0x3FB8];
	_ =	sdelay $0x3  }
0x36: {  	p1 =	seq.s32 s10, $0x1;
	s10 =	sld [smem:$0x3FB9];
	_ =	sdelay $0x3  }
0x37: {  	[smem:$0x3FB9] =	sst s10  }
0x38: {  	s10 =	sld [smem:$0x3FBA]  }
0x39: {  	_ = 	snop;
	(pc) =	sbr.ind lr, $3  }
0x3a: {  	_ = 	snop  }
0x3b: {  	_ = 	snop  }
0x3c: {  	p2 =	seq.s32 s10, $0x1;
	s10 =	sld [smem:$0x3FB9]  }
0x3d: {  	_ =	shalt  }
0x3e: {  	_ =	shalt  }
0x3f: {  	_ =	shalt  }
0x40: {  	_ =	shalt  }
0x41: {  	_ =	shalt  }
0x42: {  	_ =	shalt  }
0x43: {  	_ =	shalt  }
0x44: {  	_ =	shalt  }
0x45: {  	_ =	shalt  }
0x46: {  	_ =	shalt  }
0x47: {  	_ =	shalt  }
0x48: {  	_ =	shalt  }
0x49: {  	_ =	shalt  }
0x4a: {  	_ =	shalt  }
0x4b: {  	_ =	shalt  }
0x4c: {  	_ =	shalt  }
0x4d: {  	_ =	shalt  }
0x4e: {  	_ =	shalt  }
0x4f: {  	_ =	shalt  }
0x50: {  	_ =	shalt  }
0x51: {  	_ =	shalt  }
0x52: {  	_ =	shalt  }
0x53: {  	_ =	shalt  }
0x54: {  	_ =	shalt  }
0x55: {  	_ =	shalt  }
0x56: {  	_ =	shalt  }
0x57: {  	_ =	shalt  }
0x58: {  	_ =	shalt  }
0x59: {  	_ =	shalt  }
0x5a: {  	_ =	shalt  }
0x5b: {  	_ =	shalt  }
0x5c: {  	_ =	shalt  }
0x5d: {  	_ =	shalt  }
0x5e: {  	_ =	shalt  }
0x5f: {  	_ =	shalt  }
0x60: {  	_ =	shalt  }
0x61: {  	_ =	shalt  }
0x62: {  	_ =	shalt  }
0x63: {  	_ =	shalt  }
0x64: {  	_ =	shalt  }
0x65: {  	_ =	shalt  }
0x66: {  	_ =	shalt  }
0x67: {  	_ =	shalt  }
0x68: {  	_ =	shalt  }
0x69: {  	_ =	shalt  }
0x6a: {  	_ =	shalt  }
0x6b: {  	_ =	shalt  }
0x6c: {  	_ =	shalt  }
0x6d: {  	_ =	shalt  }
0x6e: {  	_ =	shalt  }
0x6f: {  	_ =	shalt  }
0x70: {  	_ =	shalt  }
0x71: {  	_ =	shalt  }
0x72: {  	_ =	shalt  }
0x73: {  	_ =	shalt  }
0x74: {  	_ =	shalt  }
0x75: {  	_ =	shalt  }
0x76: {  	_ =	shalt  }
0x77: {  	_ =	shalt  }
0x78: {  	_ =	shalt  }
0x79: {  	_ =	shalt  }
0x7a: {  	_ =	shalt  }
0x7b: {  	_ =	shalt  }
0x7c: {  	_ =	shalt  }
0x7d: {  	_ =	shalt  }
0x7e: {  	_ =	shalt  }
0x7f: {  	_ =	shalt  }
0x80: {  	_ =	shalt  }
0x81: {  	_ =	shalt  }
0x82: {  	_ =	shalt  }
0x83: {  	_ =	shalt  }
0x84: {  	_ =	shalt  }
0x85: {  	_ =	shalt  }
0x86: {  	_ =	shalt  }
0x87: {  	_ =	shalt  }
.Lfunc_end0:
.L_simem_size_0:
called_computation_lowered:
.L_overlay_start_0:
0x88: {  	s2 =	sld [smem:$0x3FD9]  }
0x89: {  	s3 =	sld [smem:$0x3FFE];
	_ =	sdelay $0x1  }
0x8a: {  	s1 =	srdreg.scid  }
0x8b: {  	s0 =	sand.u32 $0x1, s1  }
0x8c: {  	s14 =	sshll.u32 s0, $0xA;
	s2 =	sadd.s32 s3, s2  }
0x8d: {  	s2 =	sadd.s32 s2, s14  }
0x8e: {  	[smem:$0x3FC5] =	sst s2  }
0x8f: {  	_ = 	snop  }
0x90: {  	s2 =	sld [smem:$0x3FD0];
	_ =	sdelay $0x2  }
0x91: {  	s15 =	simm.s32 $0xA;
	s4 =	simm.s32 $0x10  }
0x92: {  	[smem:s4], [sflag:s15] =	dma.local [hbm:s2], $0x1  }
0x93: {  	_ =	swait.eq [sflag:s15], $0x1  }
0x94: {  	[sflag:s15] =	ssyncset.done $0x0  }
0x95: {  	[sflag:s15] =	ssyncadd.s32 $0xFFFFFFFF  }
0x96: {  	s16 =	sld [smem:$0x11];
	(tm) =	ssettm $0x1  }
0x97: {  	s17 =	sld [smem:$0x3FFB];
	_ =	sdelay $0x3  }
0x98: {  	_ =	strace s17  }
0x99: {  	s3 =	sld [smem:$0x3FFC];
	_ =	sdelay $0x3  }
0x9a: {  	_ =	strace s3  }
0x9b: {  	s3 =	sld [smem:$0x3FFD];
	_ =	sdelay $0x3  }
0x9c: {  	_ =	strace s3  }
0x9d: {  	_ =	strace $0x8FFFFFFF  }
0x9e: {  	s18 =	sld [smem:$0x3FDB];
	_ =	sdelay $0x1  }
0x9f: {  	s19 =	simm.s32 $_scs_section_size  }
0xa0: {  	s5 =	simm.s32 $_size__tile_overlayer_lowered;
	s6 =	simm.s32 $_tile_overlayer_lowered  }
0xa1: {  	s22 =	simm.s32 $0x1BFF;
	s21 =	sshll.u32 s6, $0x1;
	s3 =	sadd.s32 s19, s18  }
0xa2: {  	s7 =	simm.s32 $0x0;
	s20 =	sshll.u32 s5, $0x1;
	s5 =	sadd.s32 s21, s3  }
0xa3: {  	[timem:s7], [sflag:s22] =	dma.local [hbm:s5], s20  }
0xa4: {  	_ =	swait.ge [sflag:s22], s20  }
0xa5: {  	s4 =	ssub.s32 $0x0, s20;
	[sflag:s22] =	ssyncset.done $0x0  }
0xa6: {  	[sflag:s22] =	ssyncadd.s32 s4;
	_ =	sdelay $0x1  }
0xa7: {  	s23 =	simm.s32 $0x1B8B  }
0xa8: {  	_ =	swait.ge [sflag:s23], $0x1  }
0xa9: {  	[sflag:s23] =	ssyncset.done $0x0  }
0xaa: {  	s25 =	simm.s32 $0x1B8E;
	s24 =	sld [smem:$0x3FFE];
	[sflag:s23] =	ssyncadd.s32 $0xFFFFFFFF  }
0xab: {  	s26 =	simm.s32 $execute0_lowered;
	[smem:$0x3FD2] =	sst s25  }
0xac: {  	s5 =	sshll.u32 s26, $0x1;
	_ =	strace $0x80000046;
	[dreg:$0x1] =	wrdreg $0xFFFFFFFF  }
0xad: {  	s28 =	simm.s32 $_size_execute0_lowered;
	s3 =	sadd.s32 s3, s5;
	[dreg:$0x0] =	wrdreg $0x0  }
0xae: {  	s5 =	sshll.u32 s28, $0x1;
	[dreg:$0x2] =	wrdreg s3  }
0xaf: {  	[dreg:$0x3] =	wrdreg s5  }
0xb0: {  	[dreg:$0x4] =	wrdreg $0xC0  }
0xb1: {  	_ =	task [dreg:s7], $0x5FFFF  }
0xb2: {  	[dreg:$0x1] =	wrdreg $0xFFFFFFFF  }
0xb3: {  	[dreg:$0x0] =	wrdreg $0x60  }
0xb4: {  	[dreg:$0x2] =	wrdreg s16  }
0xb5: {  	[dreg:$0x3] =	wrdreg s24  }
0xb6: {  	[dreg:$0x4] =	wrdreg $0x72000  }
0xb7: {  	[dreg:$0x5] =	wrdreg $0x9  }
0xb8: {  	_ =	task.clear_ibuf [dreg:s7], $0x6FFFF;
	_ =	strace $0x90000046  }
0xb9: {  	s29 =	simm.s32 $0x9;
	_ =	strace $0x80000048  }
0xba: {  	_ =	swait.ge [sflag:s29], $0x1  }
0xbb: {  	[sflag:s29] =	ssyncadd.s32 $0xFFFFFFFF  }
0xbc: {  	_ =	strace $0x90000048  }
0xbd: {  	_ =	sfence  }
0xbe: {  	s30 =	sld [smem:$0x0];
	_ =	sdelay $0x2  }
0xbf: {  	s31 =	sshll.u32 s1, $0xD;
	s1 =	sshrl.u32 s1, $0x2  }
0xc0: {  	s3 =	sand.u32 $0x4000, s31;
	s1 =	sadd.s32 s1, s30  }
0xc1: {  	s0 =	sor.u32 s3, s0;
	s1 =	sshll.u32 s1, $0x11  }
0xc2: {  	s0 =	sor.u32 s1, s0  }
0xc3: {  	s0 =	sadd.s32 $0x8F2B, s0  }
0xc4: {  	[sflag:s0] =	ssyncadd.remote.s32 $0x1  }
0xc5: {  	_ =	sfence.sel $0xFFFF  }
0xc6: {  	[dreg:$0x0] =	wrdreg $0xFFFFFFFF;
	(pc) =	sbr.abs _section_cstart, $3  }
0xc7: {  	[dreg:$0x1] =	wrdreg $0xFFFFFFFF  }
0xc8: {  	_ =	task.clear_ibuf [dreg:s7], $0x2FFFF;
	_ =	strace $0x9FFFFFFF  }
0xc9: {  	(tm) =	ssettm $0x7FFFFFFF  }
tec
execute0_lowered:
.L_overlay_start_1:
0x0: {  	(tag) =	ssettag $0x1  }
0x1: {  	s30 =	rddreg [dreg:$0x0]  }
0x2: {  	s0 =	rddreg [dreg:$0x1]  }
0x3: {  	s2 =	rddreg [dreg:$0x2]  }
0x4: {  	s3 =	simm.s32 $0x0;
	s21 =	srdreg.scid;
	s7 =	stileid.u32  }
0x5: {  	s28 =	simm.s32 $0x1900;
	s29 =	simm.s32 $0x80;
	s31 =	simm.s32 $0x1  }
0x6: {  	[smem:$0x7FF] =	sst s3;
	s6 =	sadd.s32 $0x1800, s0;
	s1 =	sadd.s32 $0x2AE800, s0  }
0x7: {  	s8 =	sadd.s32 $0x63400, s0;
	s9 =	sadd.s32 $0xC5400, s0;
	s10 =	smul.u32 $0x190, s7  }
0x8: {  	s4 =	sadd.s32 $0x189400, s0;
	_ =	strace $0x80000047;
	[dreg:$0x5] =	wrdreg s1  }
0x9: {  	s11 =	sadd.s32 $0x127400, s0;
	s12 =	smul.u32 $0xC35, s7;
	[dreg:$0x9] =	wrdreg s4  }
0xa: {  	s13 =	sadd.s32 $0x1EB000, s0;
	s15 =	sadd.s32 $0x24CC00, s0;
	[dreg:$0x4] =	wrdreg s6  }
0xb: {  	s16 =	sadd.s32 $0x19000, s30;
	s25 =	smul.u32 $0x62000, s7;
	[dreg:$0x6] =	wrdreg s8  }
0xc: {  	s7 =	simm.s32 $0x0;
	s1 =	sand.u32 $0x1, s21;
	[dreg:$0x7] =	wrdreg s9  }
0xd: {  	[dreg:$0x8] =	wrdreg s11;
	s4 =	simm.s32 $0x3200;
	s14 =	smul.u32 $0x186A00, s1  }
0xe: {  	[dreg:$0xd] =	wrdreg s13;
	s22 =	ssub.s32 $0x2, s1;
	s24 =	smul.u32 $0x31000, s1  }
0xf: {  	s17 =	sshll.u32 s1, $0x2;
	s19 =	smul.u32 $0x188000, s1;
	s26 =	sshrl.u32 s25, $0x2  }
0x10: {  	s5 =	sshrl.u32 s22, $0x1;
	[dreg:$0xa] =	wrdreg s17;
	s6 =	sadd.s32 s6, s17  }
0x11: {  	s25 =	simm.s32 $0x6200;
	s23 =	ssub.s32 s22, s5;
	[dreg:$0xb] =	wrdreg s6  }
0x12: {  	s20 =	sadd.s32 s8, s24;
	s21 =	sadd.s32 s9, s24;
	s22 =	sadd.s32 s11, s24  }
0x13: {  	s24 =	sadd.s32 s26, s2;
	s26 =	simm.s32 $0x5;
	s5 =	simm.s32 $0x3  }
0x14: {  	s6 =	simm.s32 $0x4200;
	s9 =	simm.s32 $0x5200;
	s0 =	smax.u32 s23, $0x1  }
0x15: {  	v0 =	vimm.f32 $0.0e+00;
	v1 =	vimm.f32 $1.000000000e+00;
	s23 =	simm.s32 $0x4;
	[dreg:$0xc] =	wrdreg s0;
	s0 =	simm.s32 $0x2  }
.LBB2_1:
0x16: {  	[dreg:$0xe] =	wrdreg s7;
	s1 =	simm.s32 $0x0  }
.LBB2_2:
0x17: {  	p0 =	sne.s32 s1, $0x3F80  }
.Ltmp0:
0x18: {  	_ = 	snop;
	(pc) =	sbr.rel @p0 .LBB2_2-.Ltmp0, $4  }
0x19: {  	_ = 	snop  }
0x1a: {  	s7 =	sshra.s32 s1, $0x2  }
0x1b: {  	[tilespmem:s7+$0x6200] =	vst v0  }
0x1c: {  	s1 =	sadd.s32 $0x80, s1;
	[tilespmem:s7+$0x6210] =	vst v0  }
0x1d: {  	s1 =	sadd.s32 $0x0, s24  }
0x1e: {  	[spmem:s1] =	stream.linear.scatter [tilespmem:s25], [sflag:$0x5], $0xE00, $0x38;
	[tilespmem:$0x1FA00] =	vst v63  }
0x1f: {  	s17 =	simm.s32 $0x1980;
	s1 =	simm.s32 $0x3800;
	_ =	swait.ge [sflag:s26], $0xE00  }
.LBB2_4:
0x20: {  	s7 =	sshra.s32 s1, $0x2;
	[sflag:s26] =	ssyncset.done $0x0;
	p0 =	sne.s32 s1, $0x5E800  }
.Ltmp1:
0x21: {  	s7 =	sadd.s32 s7, s24;
	[sflag:s26] =	ssyncadd.s32 $0xFFFFF200;
	(pc) =	sbr.rel @p0 .LBB2_4-.Ltmp1, $3  }
0x22: {  	[spmem:s7] =	stream.linear.scatter [tilespmem:s25], [sflag:$0x5], $0xE00, $0x38;
	[tilespmem:$0x1FA00] =	vst v63  }
0x23: {  	s1 =	sadd.s32 $0x3800, s1;
	_ =	sdelay $0x1  }
0x24: {  	_ =	swait.ge [sflag:s26], $0xE00  }
0x25: {  	[sflag:s26] =	ssyncset.done $0x0  }
0x26: {  	s7 =	simm.s32 $0x0;
	[sflag:s26] =	ssyncadd.s32 $0xFFFFF200  }
0x27: {  	s1 =	simm.s32 $0x80;
	s8 =	simm.s32 $0x0;
	[bflag:$0x0] =	sbarrier.arrive $0xFFFF  }
.LBB2_6:
0x28: {  	p0 =	sne.s32 s1, $0x3F80;
	[tilespmem:s8+$0x6200] =	vst v1;
	s11 =	smov.u32 s1;
	s1 =	sadd.s32 $0x80, s1  }
.Ltmp2:
0x29: {  	[tilespmem:s8+$0x6210] =	vst v1;
	(pc) =	sbr.rel @p0 .LBB2_6-.Ltmp2, $2  }
0x2a: {  	_ =	sdelay $0x2  }
0x2b: {  	s8 =	sshra.s32 s11, $0x2  }
0x2c: {  	[tilespmem:s8+$0x6200] =	vst v1  }
0x2d: {  	[tilespmem:s8+$0x6210] =	vst v1  }
.LBB2_8:
0x2e: {  	s1 =	smul.u32 $0x32, s7;
	_ =	sdelay $0x1  }
0x2f: {  	s1 =	sadd.s32 s10, s1  }
0x30: {  	s1 =	sshll.u32 s1, $0x4  }
0x31: {  	s8 =	sadd.s32 s30, s1  }
0x32: {  	[tilespmem:s3], [sflag:$0x5] =	stream.linear.gather [hbm4b:s8+s3], $0x1900, $0x38;
	[tilespmem:$0x1FA00] =	vst v63  }
0x33: {  	_ =	swait.ge [sflag:s26], $0x1900  }
0x34: {  	[sflag:s26] =	ssyncset.done $0x0  }
0x35: {  	s1 =	sadd.s32 s1, s16;
	[sflag:s26] =	ssyncadd.s32 $0xFFFFE700  }
0x36: {  	[tilespmem:s28], [sflag:$0x5] =	stream.linear.gather [hbm4b:s1+s3], $0x1900, $0x38;
	[tilespmem:$0x1FA00] =	vst v63  }
0x37: {  	_ =	swait.ge [sflag:s26], $0x1900  }
0x38: {  	[sflag:s26] =	ssyncset.done $0x0  }
0x39: {  	[sflag:s26] =	ssyncadd.s32 $0xFFFFE700  }
0x3a: {  	[spmem:s2] =	stream.indirect.scatter.add.f32 [tilespmem:s25], [sflag:$0x1], $0x20, s28, s29, $0xb8;
	[tilespmem:$0x1FA00] =	vst v63  }
0x3b: {  	_ = 	snop  }
0x3c: {  	[spmem:s2] =	stream.indirect.scatter.add.f32 [tilespmem:s25], [sflag:$0x2], $0x20, s3, s29, $0xb8;
	[tilespmem:$0x1FA00] =	vst v63  }
0x3d: {  	_ = 	snop  }
0x3e: {  	[spmem:s2] =	stream.indirect.scatter.add.f32 [tilespmem:s25], [sflag:$0x3], $0x20, s17, s29, $0xb8;
	[tilespmem:$0x1FA00] =	vst v63  }
0x3f: {  	_ = 	snop  }
0x40: {  	[spmem:s2] =	stream.indirect.scatter.add.f32 [tilespmem:s25], [sflag:$0x4], $0x20, s29, s29, $0xb8;
	[tilespmem:$0x1FA00] =	vst v63  }
0x41: {  	_ =	swait.ge [sflag:s31], $0x1000  }
0x42: {  	[sflag:s31] =	ssyncset.done $0x0  }
0x43: {  	s8 =	simm.s32 $0x1A00;
	[sflag:s31] =	ssyncadd.s32 $0xFFFFF000  }
0x44: {  	[spmem:s2] =	stream.indirect.scatter.add.f32 [tilespmem:s25], [sflag:$0x1], $0x20, s8, s29, $0xb8;
	[tilespmem:$0x1FA00] =	vst v63  }
0x45: {  	_ =	swait.ge [sflag:s0], $0x1000  }
0x46: {  	[sflag:s0] =	ssyncset.done $0x0  }
0x47: {  	s11 =	simm.s32 $0x100;
	[sflag:s0] =	ssyncadd.s32 $0xFFFFF000  }
0x48: {  	[spmem:s2] =	stream.indirect.scatter.add.f32 [tilespmem:s25], [sflag:$0x2], $0x20, s11, s29, $0xb8;
	[tilespmem:$0x1FA00] =	vst v63  }
0x49: {  	_ =	swait.ge [sflag:s5], $0x1000  }
0x4a: {  	[sflag:s5] =	ssyncset.done $0x0  }
0x4b: {  	s18 =	simm.s32 $0x1A80;
	[sflag:s5] =	ssyncadd.s32 $0xFFFFF000  }
0x4c: {  	[spmem:s2] =	stream.indirect.scatter.add.f32 [tilespmem:s25], [sflag:$0x3], $0x20, s18, s29, $0xb8;
	[tilespmem:$0x1FA00] =	vst v63  }
0x4d: {  	_ =	swait.ge [sflag:s23], $0x1000  }
0x4e: {  	[sflag:s23] =	ssyncset.done $0x0  }
0x4f: {  	s1 =	simm.s32 $0xFFFFA400;
	s8 =	simm.s32 $0x180;
	[sflag:s23] =	ssyncadd.s32 $0xFFFFF000  }
.LBB2_9:
0x50: {  	[spmem:s2] =	stream.indirect.scatter.add.f32 [tilespmem:s25], [sflag:$0x4], $0x20, s8, s29, $0xb8;
	[tilespmem:$0x1FA00] =	vst v63  }
0x51: {  	s8 =	smov.u32 s1  }
0x52: {  	p0 =	sne.s32 s1, $0xFFFFFC00;
	s1 =	sadd.s32 $0x400, s1;
	_ =	swait.ge [sflag:s31], $0x1000  }
0x53: {  	s8 =	sshra.s32 s8, $0x2;
	[sflag:s31] =	ssyncset.done $0x0  }
0x54: {  	s11 =	sadd.s32 $0x3200, s8;
	[sflag:s31] =	ssyncadd.s32 $0xFFFFF000  }
0x55: {  	[spmem:s2] =	stream.indirect.scatter.add.f32 [tilespmem:s25], [sflag:$0x1], $0x20, s11, s29, $0xb8;
	[tilespmem:$0x1FA00] =	vst v63  }
0x56: {  	_ =	swait.ge [sflag:s0], $0x1000  }
0x57: {  	[sflag:s0] =	ssyncset.done $0x0  }
0x58: {  	s11 =	sadd.s32 $0x1900, s8;
	[sflag:s0] =	ssyncadd.s32 $0xFFFFF000  }
0x59: {  	[spmem:s2] =	stream.indirect.scatter.add.f32 [tilespmem:s25], [sflag:$0x2], $0x20, s11, s29, $0xb8;
	[tilespmem:$0x1FA00] =	vst v63  }
0x5a: {  	_ =	swait.ge [sflag:s5], $0x1000  }
0x5b: {  	[sflag:s5] =	ssyncset.done $0x0  }
.Ltmp3:
0x5c: {  	s11 =	sadd.s32 $0x3280, s8;
	[sflag:s5] =	ssyncadd.s32 $0xFFFFF000;
	(pc) =	sbr.rel @p0 .LBB2_9-.Ltmp3, $4  }
0x5d: {  	[spmem:s2] =	stream.indirect.scatter.add.f32 [tilespmem:s25], [sflag:$0x3], $0x20, s11, s29, $0xb8;
	[tilespmem:$0x1FA00] =	vst v63  }
0x5e: {  	_ =	swait.ge [sflag:s23], $0x1000  }
0x5f: {  	[sflag:s23] =	ssyncset.done $0x0  }
0x60: {  	s8 =	sadd.s32 $0x1980, s8;
	[sflag:s23] =	ssyncadd.s32 $0xFFFFF000  }
0x61: {  	[spmem:s2] =	stream.indirect.scatter.add.f32 [tilespmem:s25], [sflag:$0x4], $0x20, s8, s29, $0xb8;
	[tilespmem:$0x1FA00] =	vst v63  }
0x62: {  	_ =	swait.ge [sflag:s31], $0x1000  }
0x63: {  	[sflag:s31] =	ssyncset.done $0x0  }
0x64: {  	[sflag:s31] =	ssyncadd.s32 $0xFFFFF000  }
0x65: {  	_ =	swait.ge [sflag:s0], $0x1000  }
0x66: {  	[sflag:s0] =	ssyncset.done $0x0  }
0x67: {  	s7 =	sadd.s32 $0x1, s7;
	[sflag:s0] =	ssyncadd.s32 $0xFFFFF000  }
0x68: {  	p0 =	sne.s32 s7, $0x8;
	_ =	swait.ge [sflag:s5], $0x1000  }
.Ltmp4:
0x69: {  	[sflag:s5] =	ssyncset.done $0x0;
	(pc) =	sbr.rel @p0 .LBB2_8-.Ltmp4, $4  }
0x6a: {  	[sflag:s5] =	ssyncadd.s32 $0xFFFFF000  }
0x6b: {  	_ =	swait.ge [sflag:s23], $0x1000  }
0x6c: {  	[sflag:s23] =	ssyncset.done $0x0  }
0x6d: {  	[sflag:s23] =	ssyncadd.s32 $0xFFFFF000  }
0x6e: {  	[bflag:$0x0] =	sbarrier.arrive $0xFFFF  }
0x6f: {  	s17 =	simm.s32 $0x0;
	s1 =	simm.s32 $0x80;
	s7 =	simm.s32 $0x0  }
.LBB2_12:
0x70: {  	p0 =	sne.s32 s1, $0x3F80;
	[tilespmem:s7+$0x6200] =	vst v0;
	s8 =	smov.u32 s1;
	s1 =	sadd.s32 $0x80, s1  }
.Ltmp5:
0x71: {  	[tilespmem:s7+$0x6210] =	vst v0;
	(pc) =	sbr.rel @p0 .LBB2_12-.Ltmp5, $2  }
0x72: {  	_ =	sdelay $0x2  }
0x73: {  	s7 =	sshra.s32 s8, $0x2  }
0x74: {  	[tilespmem:s7+$0x6200] =	vst v0  }
0x75: {  	[tilespmem:s7+$0x6210] =	vst v0  }
.LBB2_14:
0x76: {  	s1 =	smul.u32 $0x7D, s17;
	_ =	sdelay $0x1  }
0x77: {  	s8 =	sadd.s32 s12, s1  }
0x78: {  	s7 =	sshll.u32 s8, $0x5  }
0x79: {  	s18 =	sadd.s32 s7, s2  }
0x7a: {  	[tilespmem:s6], [sflag:$0x5] =	stream.linear.gather [spmem:s18], $0xFA0, $0x38;
	[tilespmem:$0x1FA00] =	vst v63  }
0x7b: {  	_ =	swait.ge [sflag:s26], $0xFA0  }
0x7c: {  	[sflag:s26] =	ssyncset.done $0x0  }
0x7d: {  	s1 =	simm.s32 $0x0;
	[sflag:s26] =	ssyncadd.s32 $0xFFFFF060  }
0x7e: {  	v2 =	vld [tilespmem:s1+$0x4200];
	_ =	sdelay $0x4  }
0x7f: {  	v2 =	vmax.f32 v2, $1.000000000e+00  }
0x80: {  	v3 =	vshrl.u32 v2, $0x1;
	v2 =	vmul.f32 $5.000000000e-01, v2  }
0x81: {  	v3 =	vsub.s32 $0x5F3759DF, v3  }
0x82: {  	v4 =	vmul.f32 v3, v2;
	_ =	sdelay $0x1  }
0x83: {  	v4 =	vmul.f32 v3, v4;
	_ =	sdelay $0x1  }
0x84: {  	v4 =	vsub.f32 $1.500000000e+00, v4;
	_ =	sdelay $0x1  }
0x85: {  	v3 =	vmul.f32 v3, v4;
	_ =	sdelay $0x1  }
0x86: {  	v4 =	vmul.f32 v3, v2;
	_ =	sdelay $0x1  }
0x87: {  	v4 =	vmul.f32 v4, v3;
	_ =	sdelay $0x1  }
0x88: {  	v4 =	vsub.f32 $1.500000000e+00, v4;
	_ =	sdelay $0x1  }
0x89: {  	v3 =	vmul.f32 v4, v3;
	_ =	sdelay $0x1  }
0x8a: {  	v2 =	vmul.f32 v3, v2;
	_ =	sdelay $0x1  }
0x8b: {  	v2 =	vmul.f32 v2, v3;
	_ =	sdelay $0x1  }
0x8c: {  	v2 =	vsub.f32 $1.500000000e+00, v2;
	_ =	sdelay $0x1  }
0x8d: {  	v3 =	vmul.f32 v2, v3;
	_ =	sdelay $0x1  }
0x8e: {  	v2 =	vmul.f32 v3, v3;
	[tilespmem:s1+$0x3200] =	vst v3  }
0x8f: {  	[tilespmem:s1+$0x3210] =	vst v3  }
0x90: {  	s30 =	simm.s32 $0x20;
	s11 =	simm.s32 $0x100;
	[tilespmem:s1+$0x4200] =	vst v2  }
.LBB2_15:
0x91: {  	p0 =	sne.s32 s11, $0x3E00;
	v3 =	vld [tilespmem:s30+$0x4200];
	[tilespmem:s1+$0x4210] =	vst v2;
	s1 =	smov.u32 s30;
	_ =	sdelay $0x4  }
0x92: {  	v2 =	vmax.f32 v3, $1.000000000e+00  }
0x93: {  	v3 =	vshrl.u32 v2, $0x1;
	v2 =	vmul.f32 $5.000000000e-01, v2  }
0x94: {  	v3 =	vsub.s32 $0x5F3759DF, v3  }
0x95: {  	v4 =	vmul.f32 v3, v2;
	_ =	sdelay $0x1  }
0x96: {  	v4 =	vmul.f32 v3, v4;
	_ =	sdelay $0x1  }
0x97: {  	v4 =	vsub.f32 $1.500000000e+00, v4;
	_ =	sdelay $0x1  }
0x98: {  	v3 =	vmul.f32 v3, v4;
	_ =	sdelay $0x1  }
0x99: {  	v4 =	vmul.f32 v3, v2;
	_ =	sdelay $0x1  }
0x9a: {  	v4 =	vmul.f32 v4, v3;
	_ =	sdelay $0x1  }
0x9b: {  	v4 =	vsub.f32 $1.500000000e+00, v4;
	_ =	sdelay $0x1  }
0x9c: {  	v3 =	vmul.f32 v4, v3;
	_ =	sdelay $0x1  }
0x9d: {  	v2 =	vmul.f32 v3, v2;
	_ =	sdelay $0x1  }
0x9e: {  	v2 =	vmul.f32 v2, v3;
	_ =	sdelay $0x1  }
0x9f: {  	v2 =	vsub.f32 $1.500000000e+00, v2;
	_ =	sdelay $0x1  }
.Ltmp6:
0xa0: {  	v3 =	vmul.f32 v2, v3;
	(pc) =	sbr.rel @p0 .LBB2_15-.Ltmp6, $4  }
0xa1: {  	_ = 	snop  }
0xa2: {  	v2 =	vmul.f32 v3, v3;
	[tilespmem:s1+$0x3200] =	vst v3  }
0xa3: {  	[tilespmem:s1+$0x3210] =	vst v3  }
0xa4: {  	s30 =	sshra.s32 s11, $0x2;
	s11 =	sadd.s32 $0x80, s11;
	[tilespmem:s1+$0x4200] =	vst v2  }
0xa5: {  	v3 =	vld [tilespmem:s30+$0x4200];
	_ =	sdelay $0x4  }
0xa6: {  	v3 =	vmax.f32 v3, $1.000000000e+00  }
0xa7: {  	v4 =	vshrl.u32 v3, $0x1;
	v3 =	vmul.f32 $5.000000000e-01, v3  }
0xa8: {  	v4 =	vsub.s32 $0x5F3759DF, v4  }
0xa9: {  	v5 =	vmul.f32 v4, v3;
	_ =	sdelay $0x1  }
0xaa: {  	v5 =	vmul.f32 v4, v5;
	_ =	sdelay $0x1  }
0xab: {  	v5 =	vsub.f32 $1.500000000e+00, v5;
	_ =	sdelay $0x1  }
0xac: {  	v4 =	vmul.f32 v4, v5;
	_ =	sdelay $0x1  }
0xad: {  	v5 =	vmul.f32 v4, v3;
	_ =	sdelay $0x1  }
0xae: {  	v5 =	vmul.f32 v5, v4;
	_ =	sdelay $0x1  }
0xaf: {  	v5 =	vsub.f32 $1.500000000e+00, v5;
	_ =	sdelay $0x1  }
0xb0: {  	v4 =	vmul.f32 v5, v4;
	_ =	sdelay $0x1  }
0xb1: {  	v3 =	vmul.f32 v4, v3;
	_ =	sdelay $0x1  }
0xb2: {  	v3 =	vmul.f32 v3, v4;
	_ =	sdelay $0x1  }
0xb3: {  	v3 =	vsub.f32 $1.500000000e+00, v3;
	_ =	sdelay $0x1  }
0xb4: {  	v3 =	vmul.f32 v3, v4  }
0xb5: {  	[tilespmem:s1+$0x4210] =	vst v2  }
0xb6: {  	v2 =	vmul.f32 v3, v3;
	[tilespmem:s30+$0x3200] =	vst v3  }
0xb7: {  	s11 =	sadd.s32 s14, s7;
	[tilespmem:s30+$0x3210] =	vst v3  }
0xb8: {  	s1 =	sshrl.u32 s11, $0x3;
	s11 =	rddreg [dreg:$0x9];
	[tilespmem:s30+$0x4200] =	vst v2  }
0xb9: {  	s11 =	sadd.s32 s11, s1;
	[tilespmem:s30+$0x4210] =	vst v2;
	s30 =	simm.s32 $0x0  }
0xba: {  	[hbm4b:s11+s30] =	stream.linear.scatter [tilespmem:s4], [sflag:$0x5], $0xFA0, $0x38;
	[tilespmem:$0x1FA00] =	vst v63  }
0xbb: {  	_ =	swait.ge [sflag:s26], $0xFA0  }
0xbc: {  	[sflag:s26] =	ssyncset.done $0x0  }
0xbd: {  	s1 =	sadd.s32 s13, s1;
	[sflag:s26] =	ssyncadd.s32 $0xFFFFF060  }
0xbe: {  	[hbm4b:s1+s30] =	stream.linear.scatter [tilespmem:s6], [sflag:$0x5], $0xFA0, $0x38;
	[tilespmem:$0x1FA00] =	vst v63  }
0xbf: {  	_ =	swait.ge [sflag:s26], $0xFA0  }
0xc0: {  	[sflag:s26] =	ssyncset.done $0x0  }
0xc1: {  	s11 =	sshll.u32 s8, $0x3;
	s30 =	rddreg [dreg:$0xb];
	[sflag:s26] =	ssyncadd.s32 $0xFFFFF060  }
0xc2: {  	s1 =	sadd.s32 s11, s30;
	s11 =	simm.s32 $0x20;
	s30 =	simm.s32 $0x40  }
0xc3: {  	[tilespmem:s9], [sflag:$0x5] =	stream.strided.gather [hbm4b:s1+s11], $0xFA0, s30, s11, $0x38;
	[tilespmem:$0x1FA00] =	vst v63  }
0xc4: {  	_ =	swait.ge [sflag:s26], $0xFA0  }
0xc5: {  	[sflag:s26] =	ssyncset.done $0x0  }
0xc6: {  	s1 =	simm.s32 $0x0;
	[sflag:s26] =	ssyncadd.s32 $0xFFFFF060  }
0xc7: {  	v2 =	vld [tilespmem:s1+$0x3200]  }
0xc8: {  	v3 =	vld [tilespmem:s1+$0x3210]  }
0xc9: {  	s8 =	simm.s32 $0x80;
	v4 =	vld [tilespmem:s1+$0x5200]  }
.LBB2_17:
0xca: {  	p0 =	sne.s32 s8, $0x3E00;
	v5 =	vld [tilespmem:s1+$0x5210];
	_ =	sdelay $0x2  }
.Ltmp7:
0xcb: {  	(pc) =	sbr.rel @p0 .LBB2_17-.Ltmp7, $4  }
0xcc: {  	s11 =	sshra.s32 s8, $0x2;
	v4 =	vmul.f32 v2, v4  }
0xcd: {  	v2 =	vld [tilespmem:s11+$0x3200];
	v5 =	vmul.f32 v3, v5  }
0xce: {  	v3 =	vld [tilespmem:s11+$0x3210];
	[tilespmem:s1+$0x5200] =	vst v4  }
0xcf: {  	s8 =	sadd.s32 $0x80, s8;
	v4 =	vld [tilespmem:s11+$0x5200];
	[tilespmem:s1+$0x5210] =	vst v5;
	s1 =	smov.u32 s11  }
0xd0: {  	v5 =	vld [tilespmem:s1+$0x5210];
	_ =	sdelay $0x3  }
0xd1: {  	v2 =	vmul.f32 v2, v4  }
0xd2: {  	s7 =	sadd.s32 s19, s7;
	v3 =	vmul.f32 v3, v5  }
0xd3: {  	s30 =	rddreg [dreg:$0x6];
	s7 =	sshrl.u32 s7, $0x3;
	[tilespmem:s1+$0x5200] =	vst v2  }
0xd4: {  	[tilespmem:s1+$0x5210] =	vst v3;
	s1 =	sadd.s32 s30, s7  }
0xd5: {  	[hbm4b:s1+s3] =	stream.linear.scatter [tilespmem:s9], [sflag:$0x5], $0xFA0, $0x38;
	[tilespmem:$0x1FA00] =	vst v63  }
0xd6: {  	s17 =	sadd.s32 $0x1, s17;
	_ =	swait.ge [sflag:s26], $0xFA0  }
0xd7: {  	p0 =	sne.s32 s17, $0x19;
	[sflag:s26] =	ssyncset.done $0x0  }
.Ltmp8:
0xd8: {  	[sflag:s26] =	ssyncadd.s32 $0xFFFFF060;
	(pc) =	sbr.rel @p0 .LBB2_14-.Ltmp8, $4  }
0xd9: {  	[spmem:s18] =	stream.linear.scatter [tilespmem:s25], [sflag:$0x5], $0xFA0, $0x38;
	[tilespmem:$0x1FA00] =	vst v63  }
0xda: {  	_ =	swait.ge [sflag:s26], $0xFA0  }
0xdb: {  	[sflag:s26] =	ssyncset.done $0x0  }
0xdc: {  	[sflag:s26] =	ssyncadd.s32 $0xFFFFF060  }
0xdd: {  	[bflag:$0x0] =	sbarrier.arrive $0xFFFF;
	s17 =	simm.s32 $0x0  }
0xde: {  	s18 =	simm.s32 $0x0;
	s11 =	simm.s32 $0x1980;
	s30 =	rddreg [dreg:$0x0]  }
.LBB2_20:
0xdf: {  	s1 =	smul.u32 $0x32, s18;
	_ =	sdelay $0x1  }
0xe0: {  	s1 =	sadd.s32 s10, s1  }
0xe1: {  	s1 =	sshll.u32 s1, $0x4  }
0xe2: {  	s7 =	sadd.s32 s30, s1  }
0xe3: {  	[tilespmem:s17], [sflag:$0x5] =	stream.linear.gather [hbm4b:s7+s17], $0x1900, $0x38;
	[tilespmem:$0x1FA00] =	vst v63  }
0xe4: {  	_ =	swait.ge [sflag:s26], $0x1900  }
0xe5: {  	[sflag:s26] =	ssyncset.done $0x0  }
0xe6: {  	s1 =	sadd.s32 s1, s16;
	[sflag:s26] =	ssyncadd.s32 $0xFFFFE700  }
0xe7: {  	[tilespmem:s28], [sflag:$0x5] =	stream.linear.gather [hbm4b:s1+s17], $0x1900, $0x38;
	[tilespmem:$0x1FA00] =	vst v63  }
0xe8: {  	_ =	swait.ge [sflag:s26], $0x1900  }
0xe9: {  	[sflag:s26] =	ssyncset.done $0x0  }
0xea: {  	[sflag:s26] =	ssyncadd.s32 $0xFFFFE700  }
0xeb: {  	[tilespmem:s4], [sflag:$0x1] =	stream.indirect.gather [hbm4b:s20+s29], $0x20, s17, s29, $0xb8;
	[tilespmem:$0x1FA00] =	vst v63  }
0xec: {  	_ = 	snop  }
0xed: {  	[tilespmem:s6], [sflag:$0x2] =	stream.indirect.gather [hbm4b:s20+s29], $0x20, s28, s29, $0xb8;
	[tilespmem:$0x1FA00] =	vst v63  }
0xee: {  	_ = 	snop  }
0xef: {  	[tilespmem:s9], [sflag:$0x3] =	stream.indirect.gather [hbm4b:s20+s29], $0x20, s29, s29, $0xb8;
	[tilespmem:$0x1FA00] =	vst v63  }
0xf0: {  	_ = 	snop  }
0xf1: {  	[tilespmem:s25], [sflag:$0x4] =	stream.indirect.gather [hbm4b:s20+s29], $0x20, s11, s29, $0xb8;
	[tilespmem:$0x1FA00] =	vst v63  }
0xf2: {  	_ =	swait.ge [sflag:s31], $0x1000  }
0xf3: {  	[sflag:s31] =	ssyncset.done $0x0  }
0xf4: {  	s8 =	simm.s32 $0x1900;
	[sflag:s31] =	ssyncadd.s32 $0xFFFFF000  }
0xf5: {  	[spmem:s2] =	stream.indirect.scatter.add.f32 [tilespmem:s4], [sflag:$0x5], $0x20, s8, s29, $0xb8;
	[tilespmem:$0x1FA00] =	vst v63  }
0xf6: {  	_ =	swait.ge [sflag:s26], $0x1000  }
0xf7: {  	[sflag:s26] =	ssyncset.done $0x0  }
0xf8: {  	s7 =	simm.s32 $0x100;
	[sflag:s26] =	ssyncadd.s32 $0xFFFFF000  }
0xf9: {  	[tilespmem:s4], [sflag:$0x1] =	stream.indirect.gather [hbm4b:s20+s29], $0x20, s7, s29, $0xb8;
	[tilespmem:$0x1FA00] =	vst v63  }
0xfa: {  	_ =	swait.ge [sflag:s0], $0x1000  }
0xfb: {  	[sflag:s0] =	ssyncset.done $0x0  }
0xfc: {  	s8 =	simm.s32 $0x0;
	[sflag:s0] =	ssyncadd.s32 $0xFFFFF000  }
0xfd: {  	[spmem:s2] =	stream.indirect.scatter.add.f32 [tilespmem:s6], [sflag:$0x5], $0x20, s8, s29, $0xb8;
	[tilespmem:$0x1FA00] =	vst v63  }
0xfe: {  	_ =	swait.ge [sflag:s26], $0x1000  }
0xff: {  	[sflag:s26] =	ssyncset.done $0x0  }
0x100: {  	s7 =	simm.s32 $0x1A00;
	[sflag:s26] =	ssyncadd.s32 $0xFFFFF000  }
0x101: {  	[tilespmem:s6], [sflag:$0x2] =	stream.indirect.gather [hbm4b:s20+s29], $0x20, s7, s29, $0xb8;
	[tilespmem:$0x1FA00] =	vst v63  }
0x102: {  	_ =	swait.ge [sflag:s5], $0x1000  }
0x103: {  	[sflag:s5] =	ssyncset.done $0x0  }
0x104: {  	s8 =	simm.s32 $0x1980;
	[sflag:s5] =	ssyncadd.s32 $0xFFFFF000  }
0x105: {  	[spmem:s2] =	stream.indirect.scatter.add.f32 [tilespmem:s9], [sflag:$0x5], $0x20, s8, s29, $0xb8;
	[tilespmem:$0x1FA00] =	vst v63  }
0x106: {  	_ =	swait.ge [sflag:s26], $0x1000  }
0x107: {  	[sflag:s26] =	ssyncset.done $0x0  }
0x108: {  	s7 =	simm.s32 $0x180;
	[sflag:s26] =	ssyncadd.s32 $0xFFFFF000  }
0x109: {  	[tilespmem:s9], [sflag:$0x3] =	stream.indirect.gather [hbm4b:s20+s29], $0x20, s7, s29, $0xb8;
	[tilespmem:$0x1FA00] =	vst v63  }
0x10a: {  	_ =	swait.ge [sflag:s23], $0x1000  }
0x10b: {  	[sflag:s23] =	ssyncset.done $0x0  }
0x10c: {  	s8 =	simm.s32 $0x80;
	[sflag:s23] =	ssyncadd.s32 $0xFFFFF000  }
0x10d: {  	[spmem:s2] =	stream.indirect.scatter.add.f32 [tilespmem:s25], [sflag:$0x5], $0x20, s8, s29, $0xb8;
	[tilespmem:$0x1FA00] =	vst v63  }
0x10e: {  	_ =	swait.ge [sflag:s26], $0x1000  }
0x10f: {  	[sflag:s26] =	ssyncset.done $0x0  }
0x110: {  	s1 =	simm.s32 $0x400;
	s7 =	simm.s32 $0x1A80;
	[sflag:s26] =	ssyncadd.s32 $0xFFFFF000  }
.LBB2_21:
0x111: {  	[tilespmem:s25], [sflag:$0x4] =	stream.indirect.gather [hbm4b:s20+s29], $0x20, s7, s29, $0xb8;
	[tilespmem:$0x1FA00] =	vst v63  }
0x112: {  	s7 =	smov.u32 s1  }
0x113: {  	p0 =	sne.s32 s1, $0x5C00;
	s1 =	sadd.s32 $0x400, s1;
	_ =	swait.ge [sflag:s31], $0x1000  }
0x114: {  	s7 =	sshra.s32 s7, $0x2;
	[sflag:s31] =	ssyncset.done $0x0  }
0x115: {  	s8 =	sadd.s32 $0x1900, s7;
	[sflag:s31] =	ssyncadd.s32 $0xFFFFF000  }
0x116: {  	[spmem:s2] =	stream.indirect.scatter.add.f32 [tilespmem:s4], [sflag:$0x5], $0x20, s8, s29, $0xb8;
	[tilespmem:$0x1FA00] =	vst v63  }
0x117: {  	_ =	swait.ge [sflag:s26], $0x1000  }
0x118: {  	[sflag:s26] =	ssyncset.done $0x0  }
0x119: {  	s8 =	sadd.s32 $0x100, s7;
	[sflag:s26] =	ssyncadd.s32 $0xFFFFF000  }
0x11a: {  	[tilespmem:s4], [sflag:$0x1] =	stream.indirect.gather [hbm4b:s20+s29], $0x20, s8, s29, $0xb8;
	[tilespmem:$0x1FA00] =	vst v63  }
0x11b: {  	_ =	swait.ge [sflag:s0], $0x1000  }
0x11c: {  	[sflag:s0] =	ssyncset.done $0x0  }
0x11d: {  	[sflag:s0] =	ssyncadd.s32 $0xFFFFF000  }
0x11e: {  	[spmem:s2] =	stream.indirect.scatter.add.f32 [tilespmem:s6], [sflag:$0x5], $0x20, s7, s29, $0xb8;
	[tilespmem:$0x1FA00] =	vst v63  }
0x11f: {  	_ =	swait.ge [sflag:s26], $0x1000  }
0x120: {  	[sflag:s26] =	ssyncset.done $0x0  }
0x121: {  	s8 =	sadd.s32 $0x1A00, s7;
	[sflag:s26] =	ssyncadd.s32 $0xFFFFF000  }
0x122: {  	[tilespmem:s6], [sflag:$0x2] =	stream.indirect.gather [hbm4b:s20+s29], $0x20, s8, s29, $0xb8;
	[tilespmem:$0x1FA00] =	vst v63  }
0x123: {  	_ =	swait.ge [sflag:s5], $0x1000  }
0x124: {  	[sflag:s5] =	ssyncset.done $0x0  }
0x125: {  	s8 =	sadd.s32 $0x1980, s7;
	[sflag:s5] =	ssyncadd.s32 $0xFFFFF000  }
0x126: {  	[spmem:s2] =	stream.indirect.scatter.add.f32 [tilespmem:s9], [sflag:$0x5], $0x20, s8, s29, $0xb8;
	[tilespmem:$0x1FA00] =	vst v63  }
0x127: {  	_ =	swait.ge [sflag:s26], $0x1000  }
0x128: {  	[sflag:s26] =	ssyncset.done $0x0  }
0x129: {  	s8 =	sadd.s32 $0x180, s7;
	[sflag:s26] =	ssyncadd.s32 $0xFFFFF000  }
0x12a: {  	[tilespmem:s9], [sflag:$0x3] =	stream.indirect.gather [hbm4b:s20+s29], $0x20, s8, s29, $0xb8;
	[tilespmem:$0x1FA00] =	vst v63  }
0x12b: {  	_ =	swait.ge [sflag:s23], $0x1000  }
0x12c: {  	[sflag:s23] =	ssyncset.done $0x0  }
.Ltmp9:
0x12d: {  	s8 =	sadd.s32 $0x80, s7;
	[sflag:s23] =	ssyncadd.s32 $0xFFFFF000;
	(pc) =	sbr.rel @p0 .LBB2_21-.Ltmp9, $4  }
0x12e: {  	[spmem:s2] =	stream.indirect.scatter.add.f32 [tilespmem:s25], [sflag:$0x5], $0x20, s8, s29, $0xb8;
	[tilespmem:$0x1FA00] =	vst v63  }
0x12f: {  	_ =	swait.ge [sflag:s26], $0x1000  }
0x130: {  	[sflag:s26] =	ssyncset.done $0x0  }
0x131: {  	s7 =	sadd.s32 $0x1A80, s7;
	[sflag:s26] =	ssyncadd.s32 $0xFFFFF000  }
0x132: {  	[tilespmem:s25], [sflag:$0x4] =	stream.indirect.gather [hbm4b:s20+s29], $0x20, s7, s29, $0xb8;
	[tilespmem:$0x1FA00] =	vst v63  }
0x133: {  	_ =	swait.ge [sflag:s31], $0x1000  }
0x134: {  	[sflag:s31] =	ssyncset.done $0x0  }
0x135: {  	s1 =	simm.s32 $0x3100;
	[sflag:s31] =	ssyncadd.s32 $0xFFFFF000  }
0x136: {  	[spmem:s2] =	stream.indirect.scatter.add.f32 [tilespmem:s4], [sflag:$0x5], $0x20, s1, s29, $0xb8;
	[tilespmem:$0x1FA00] =	vst v63  }
0x137: {  	_ =	swait.ge [sflag:s26], $0x1000  }
0x138: {  	[sflag:s26] =	ssyncset.done $0x0  }
0x139: {  	[sflag:s26] =	ssyncadd.s32 $0xFFFFF000  }
0x13a: {  	_ =	swait.ge [sflag:s0], $0x1000  }
0x13b: {  	[sflag:s0] =	ssyncset.done $0x0  }
0x13c: {  	s8 =	simm.s32 $0x1800;
	[sflag:s0] =	ssyncadd.s32 $0xFFFFF000  }
0x13d: {  	[spmem:s2] =	stream.indirect.scatter.add.f32 [tilespmem:s6], [sflag:$0x5], $0x20, s8, s29, $0xb8;
	[tilespmem:$0x1FA00] =	vst v63  }
0x13e: {  	_ =	swait.ge [sflag:s26], $0x1000  }
0x13f: {  	[sflag:s26] =	ssyncset.done $0x0  }
0x140: {  	[sflag:s26] =	ssyncadd.s32 $0xFFFFF000  }
0x141: {  	_ =	swait.ge [sflag:s5], $0x1000  }
0x142: {  	[sflag:s5] =	ssyncset.done $0x0  }
0x143: {  	s7 =	simm.s32 $0x3180;
	[sflag:s5] =	ssyncadd.s32 $0xFFFFF000  }
0x144: {  	[spmem:s2] =	stream.indirect.scatter.add.f32 [tilespmem:s9], [sflag:$0x5], $0x20, s7, s29, $0xb8;
	[tilespmem:$0x1FA00] =	vst v63  }
0x145: {  	_ =	swait.ge [sflag:s26], $0x1000  }
0x146: {  	[sflag:s26] =	ssyncset.done $0x0  }
0x147: {  	[sflag:s26] =	ssyncadd.s32 $0xFFFFF000  }
0x148: {  	s18 =	sadd.s32 $0x1, s18;
	_ =	swait.ge [sflag:s23], $0x1000  }
0x149: {  	p0 =	sne.s32 s18, $0x8;
	[sflag:s23] =	ssyncset.done $0x0  }
.Ltmp10:
0x14a: {  	s8 =	simm.s32 $0x1880;
	[sflag:s23] =	ssyncadd.s32 $0xFFFFF000;
	(pc) =	sbr.rel @p0 .LBB2_20-.Ltmp10, $4  }
0x14b: {  	[spmem:s2] =	stream.indirect.scatter.add.f32 [tilespmem:s25], [sflag:$0x5], $0x20, s8, s29, $0xb8;
	[tilespmem:$0x1FA00] =	vst v63  }
0x14c: {  	_ =	swait.ge [sflag:s26], $0x1000  }
0x14d: {  	[sflag:s26] =	ssyncset.done $0x0  }
0x14e: {  	[sflag:s26] =	ssyncadd.s32 $0xFFFFF000  }
0x14f: {  	[bflag:$0x0] =	sbarrier.arrive $0xFFFF  }
0x150: {  	s1 =	simm.s32 $0x0;
	s7 =	simm.s32 $0x80;
	s8 =	simm.s32 $0x0  }
.LBB2_24:
0x151: {  	p0 =	sne.s32 s7, $0x3F80;
	[tilespmem:s8+$0x6200] =	vst v0;
	s11 =	smov.u32 s7;
	s7 =	sadd.s32 $0x80, s7  }
.Ltmp11:
0x152: {  	[tilespmem:s8+$0x6210] =	vst v0;
	(pc) =	sbr.rel @p0 .LBB2_24-.Ltmp11, $2  }
0x153: {  	_ =	sdelay $0x2  }
0x154: {  	s8 =	sshra.s32 s11, $0x2  }
0x155: {  	[tilespmem:s8+$0x6200] =	vst v0  }
0x156: {  	[tilespmem:s8+$0x6210] =	vst v0  }
.LBB2_26:
0x157: {  	s7 =	smul.u32 $0x7D, s1;
	_ =	sdelay $0x1  }
0x158: {  	s7 =	sadd.s32 s12, s7  }
0x159: {  	s8 =	sshll.u32 s7, $0x5  }
0x15a: {  	s7 =	sadd.s32 s8, s2  }
0x15b: {  	[tilespmem:s4], [sflag:$0x5] =	stream.linear.gather [spmem:s7], $0xFA0, $0x38;
	[tilespmem:$0x1FA00] =	vst v63  }
0x15c: {  	s11 =	sadd.s32 s14, s8;
	_ =	swait.ge [sflag:s26], $0xFA0  }
0x15d: {  	s11 =	sshrl.u32 s11, $0x3;
	[sflag:s26] =	ssyncset.done $0x0  }
0x15e: {  	s18 =	simm.s32 $0x0;
	s17 =	sadd.s32 s15, s11;
	[sflag:s26] =	ssyncadd.s32 $0xFFFFF060  }
0x15f: {  	[hbm4b:s17+s18] =	stream.linear.scatter [tilespmem:s4], [sflag:$0x5], $0xFA0, $0x38;
	[tilespmem:$0x1FA00] =	vst v63  }
0x160: {  	_ =	swait.ge [sflag:s26], $0xFA0  }
0x161: {  	[sflag:s26] =	ssyncset.done $0x0  }
0x162: {  	s11 =	sadd.s32 s13, s11;
	[sflag:s26] =	ssyncadd.s32 $0xFFFFF060  }
0x163: {  	[tilespmem:s6], [sflag:$0x5] =	stream.linear.gather [hbm4b:s11+s18], $0xFA0, $0x38;
	[tilespmem:$0x1FA00] =	vst v63  }
0x164: {  	_ =	swait.ge [sflag:s26], $0xFA0  }
0x165: {  	[sflag:s26] =	ssyncset.done $0x0  }
0x166: {  	s11 =	simm.s32 $0x0;
	[sflag:s26] =	ssyncadd.s32 $0xFFFFF060  }
0x167: {  	v2 =	vld [tilespmem:s11+$0x4200]  }
0x168: {  	v3 =	vld [tilespmem:s11+$0x4210]  }
0x169: {  	s17 =	simm.s32 $0x80;
	v4 =	vld [tilespmem:s11+$0x3200]  }
.LBB2_27:
0x16a: {  	p0 =	sne.s32 s17, $0x3E00;
	v5 =	vld [tilespmem:s11+$0x3210];
	_ =	sdelay $0x2  }
.Ltmp12:
0x16b: {  	(pc) =	sbr.rel @p0 .LBB2_27-.Ltmp12, $4  }
0x16c: {  	s18 =	sshra.s32 s17, $0x2;
	v4 =	vmul.f32 v2, v4  }
0x16d: {  	v2 =	vld [tilespmem:s18+$0x4200];
	v5 =	vmul.f32 v3, v5  }
0x16e: {  	v3 =	vld [tilespmem:s18+$0x4210];
	[tilespmem:s11+$0x3200] =	vst v4  }
0x16f: {  	s17 =	sadd.s32 $0x80, s17;
	v4 =	vld [tilespmem:s18+$0x3200];
	[tilespmem:s11+$0x3210] =	vst v5;
	s11 =	smov.u32 s18  }
0x170: {  	v5 =	vld [tilespmem:s11+$0x3210];
	_ =	sdelay $0x3  }
0x171: {  	v2 =	vmul.f32 v2, v4  }
0x172: {  	s8 =	sadd.s32 s19, s8;
	v3 =	vmul.f32 v3, v5  }
0x173: {  	s18 =	rddreg [dreg:$0x7];
	s8 =	sshrl.u32 s8, $0x3;
	[tilespmem:s11+$0x3200] =	vst v2  }
0x174: {  	s8 =	sadd.s32 s18, s8;
	[tilespmem:s11+$0x3210] =	vst v3  }
0x175: {  	[hbm4b:s8+s3] =	stream.linear.scatter [tilespmem:s4], [sflag:$0x5], $0xFA0, $0x38;
	[tilespmem:$0x1FA00] =	vst v63  }
0x176: {  	s1 =	sadd.s32 $0x1, s1;
	_ =	swait.ge [sflag:s26], $0xFA0  }
0x177: {  	p0 =	sne.s32 s1, $0x19;
	[sflag:s26] =	ssyncset.done $0x0  }
.Ltmp13:
0x178: {  	[sflag:s26] =	ssyncadd.s32 $0xFFFFF060;
	(pc) =	sbr.rel @p0 .LBB2_26-.Ltmp13, $4  }
0x179: {  	[spmem:s7] =	stream.linear.scatter [tilespmem:s25], [sflag:$0x5], $0xFA0, $0x38;
	[tilespmem:$0x1FA00] =	vst v63  }
0x17a: {  	_ =	swait.ge [sflag:s26], $0xFA0  }
0x17b: {  	[sflag:s26] =	ssyncset.done $0x0  }
0x17c: {  	[sflag:s26] =	ssyncadd.s32 $0xFFFFF060  }
0x17d: {  	[bflag:$0x0] =	sbarrier.arrive $0xFFFF  }
0x17e: {  	s17 =	simm.s32 $0x0;
	s18 =	simm.s32 $0x0;
	s11 =	simm.s32 $0x1980  }
.LBB2_30:
0x17f: {  	s1 =	smul.u32 $0x32, s18;
	_ =	sdelay $0x1  }
0x180: {  	s1 =	sadd.s32 s10, s1  }
0x181: {  	s1 =	sshll.u32 s1, $0x4  }
0x182: {  	s7 =	sadd.s32 s30, s1  }
0x183: {  	[tilespmem:s17], [sflag:$0x5] =	stream.linear.gather [hbm4b:s7+s17], $0x1900, $0x38;
	[tilespmem:$0x1FA00] =	vst v63  }
0x184: {  	_ =	swait.ge [sflag:s26], $0x1900  }
0x185: {  	[sflag:s26] =	ssyncset.done $0x0  }
0x186: {  	s1 =	sadd.s32 s1, s16;
	[sflag:s26] =	ssyncadd.s32 $0xFFFFE700  }
0x187: {  	[tilespmem:s28], [sflag:$0x5] =	stream.linear.gather [hbm4b:s1+s17], $0x1900, $0x38;
	[tilespmem:$0x1FA00] =	vst v63  }
0x188: {  	_ =	swait.ge [sflag:s26], $0x1900  }
0x189: {  	[sflag:s26] =	ssyncset.done $0x0  }
0x18a: {  	[sflag:s26] =	ssyncadd.s32 $0xFFFFE700  }
0x18b: {  	[tilespmem:s4], [sflag:$0x1] =	stream.indirect.gather [hbm4b:s21+s29], $0x20, s17, s29, $0xb8;
	[tilespmem:$0x1FA00] =	vst v63  }
0x18c: {  	_ = 	snop  }
0x18d: {  	[tilespmem:s6], [sflag:$0x2] =	stream.indirect.gather [hbm4b:s21+s29], $0x20, s28, s29, $0xb8;
	[tilespmem:$0x1FA00] =	vst v63  }
0x18e: {  	_ = 	snop  }
0x18f: {  	[tilespmem:s9], [sflag:$0x3] =	stream.indirect.gather [hbm4b:s21+s29], $0x20, s29, s29, $0xb8;
	[tilespmem:$0x1FA00] =	vst v63  }
0x190: {  	_ = 	snop  }
0x191: {  	[tilespmem:s25], [sflag:$0x4] =	stream.indirect.gather [hbm4b:s21+s29], $0x20, s11, s29, $0xb8;
	[tilespmem:$0x1FA00] =	vst v63  }
0x192: {  	_ =	swait.ge [sflag:s31], $0x1000  }
0x193: {  	[sflag:s31] =	ssyncset.done $0x0  }
0x194: {  	s8 =	simm.s32 $0x1900;
	[sflag:s31] =	ssyncadd.s32 $0xFFFFF000  }
0x195: {  	[spmem:s2] =	stream.indirect.scatter.add.f32 [tilespmem:s4], [sflag:$0x5], $0x20, s8, s29, $0xb8;
	[tilespmem:$0x1FA00] =	vst v63  }
0x196: {  	_ =	swait.ge [sflag:s26], $0x1000  }
0x197: {  	[sflag:s26] =	ssyncset.done $0x0  }
0x198: {  	s7 =	simm.s32 $0x100;
	[sflag:s26] =	ssyncadd.s32 $0xFFFFF000  }
0x199: {  	[tilespmem:s4], [sflag:$0x1] =	stream.indirect.gather [hbm4b:s21+s29], $0x20, s7, s29, $0xb8;
	[tilespmem:$0x1FA00] =	vst v63  }
0x19a: {  	_ =	swait.ge [sflag:s0], $0x1000  }
0x19b: {  	[sflag:s0] =	ssyncset.done $0x0  }
0x19c: {  	s8 =	simm.s32 $0x0;
	[sflag:s0] =	ssyncadd.s32 $0xFFFFF000  }
0x19d: {  	[spmem:s2] =	stream.indirect.scatter.add.f32 [tilespmem:s6], [sflag:$0x5], $0x20, s8, s29, $0xb8;
	[tilespmem:$0x1FA00] =	vst v63  }
0x19e: {  	_ =	swait.ge [sflag:s26], $0x1000  }
0x19f: {  	[sflag:s26] =	ssyncset.done $0x0  }
0x1a0: {  	s7 =	simm.s32 $0x1A00;
	[sflag:s26] =	ssyncadd.s32 $0xFFFFF000  }
0x1a1: {  	[tilespmem:s6], [sflag:$0x2] =	stream.indirect.gather [hbm4b:s21+s29], $0x20, s7, s29, $0xb8;
	[tilespmem:$0x1FA00] =	vst v63  }
0x1a2: {  	_ =	swait.ge [sflag:s5], $0x1000  }
0x1a3: {  	[sflag:s5] =	ssyncset.done $0x0  }
0x1a4: {  	s8 =	simm.s32 $0x1980;
	[sflag:s5] =	ssyncadd.s32 $0xFFFFF000  }
0x1a5: {  	[spmem:s2] =	stream.indirect.scatter.add.f32 [tilespmem:s9], [sflag:$0x5], $0x20, s8, s29, $0xb8;
	[tilespmem:$0x1FA00] =	vst v63  }
0x1a6: {  	_ =	swait.ge [sflag:s26], $0x1000  }
0x1a7: {  	[sflag:s26] =	ssyncset.done $0x0  }
0x1a8: {  	s7 =	simm.s32 $0x180;
	[sflag:s26] =	ssyncadd.s32 $0xFFFFF000  }
0x1a9: {  	[tilespmem:s9], [sflag:$0x3] =	stream.indirect.gather [hbm4b:s21+s29], $0x20, s7, s29, $0xb8;
	[tilespmem:$0x1FA00] =	vst v63  }
0x1aa: {  	_ =	swait.ge [sflag:s23], $0x1000  }
0x1ab: {  	[sflag:s23] =	ssyncset.done $0x0  }
0x1ac: {  	s8 =	simm.s32 $0x80;
	[sflag:s23] =	ssyncadd.s32 $0xFFFFF000  }
0x1ad: {  	[spmem:s2] =	stream.indirect.scatter.add.f32 [tilespmem:s25], [sflag:$0x5], $0x20, s8, s29, $0xb8;
	[tilespmem:$0x1FA00] =	vst v63  }
0x1ae: {  	_ =	swait.ge [sflag:s26], $0x1000  }
0x1af: {  	[sflag:s26] =	ssyncset.done $0x0  }
0x1b0: {  	s1 =	simm.s32 $0x400;
	s7 =	simm.s32 $0x1A80;
	[sflag:s26] =	ssyncadd.s32 $0xFFFFF000  }
.LBB2_31:
0x1b1: {  	[tilespmem:s25], [sflag:$0x4] =	stream.indirect.gather [hbm4b:s21+s29], $0x20, s7, s29, $0xb8;
	[tilespmem:$0x1FA00] =	vst v63  }
0x1b2: {  	s7 =	smov.u32 s1  }
0x1b3: {  	p0 =	sne.s32 s1, $0x5C00;
	s1 =	sadd.s32 $0x400, s1;
	_ =	swait.ge [sflag:s31], $0x1000  }
0x1b4: {  	s7 =	sshra.s32 s7, $0x2;
	[sflag:s31] =	ssyncset.done $0x0  }
0x1b5: {  	s8 =	sadd.s32 $0x1900, s7;
	[sflag:s31] =	ssyncadd.s32 $0xFFFFF000  }
0x1b6: {  	[spmem:s2] =	stream.indirect.scatter.add.f32 [tilespmem:s4], [sflag:$0x5], $0x20, s8, s29, $0xb8;
	[tilespmem:$0x1FA00] =	vst v63  }
0x1b7: {  	_ =	swait.ge [sflag:s26], $0x1000  }
0x1b8: {  	[sflag:s26] =	ssyncset.done $0x0  }
0x1b9: {  	s8 =	sadd.s32 $0x100, s7;
	[sflag:s26] =	ssyncadd.s32 $0xFFFFF000  }
0x1ba: {  	[tilespmem:s4], [sflag:$0x1] =	stream.indirect.gather [hbm4b:s21+s29], $0x20, s8, s29, $0xb8;
	[tilespmem:$0x1FA00] =	vst v63  }
0x1bb: {  	_ =	swait.ge [sflag:s0], $0x1000  }
0x1bc: {  	[sflag:s0] =	ssyncset.done $0x0  }
0x1bd: {  	[sflag:s0] =	ssyncadd.s32 $0xFFFFF000  }
0x1be: {  	[spmem:s2] =	stream.indirect.scatter.add.f32 [tilespmem:s6], [sflag:$0x5], $0x20, s7, s29, $0xb8;
	[tilespmem:$0x1FA00] =	vst v63  }
0x1bf: {  	_ =	swait.ge [sflag:s26], $0x1000  }
0x1c0: {  	[sflag:s26] =	ssyncset.done $0x0  }
0x1c1: {  	s8 =	sadd.s32 $0x1A00, s7;
	[sflag:s26] =	ssyncadd.s32 $0xFFFFF000  }
0x1c2: {  	[tilespmem:s6], [sflag:$0x2] =	stream.indirect.gather [hbm4b:s21+s29], $0x20, s8, s29, $0xb8;
	[tilespmem:$0x1FA00] =	vst v63  }
0x1c3: {  	_ =	swait.ge [sflag:s5], $0x1000  }
0x1c4: {  	[sflag:s5] =	ssyncset.done $0x0  }
0x1c5: {  	s8 =	sadd.s32 $0x1980, s7;
	[sflag:s5] =	ssyncadd.s32 $0xFFFFF000  }
0x1c6: {  	[spmem:s2] =	stream.indirect.scatter.add.f32 [tilespmem:s9], [sflag:$0x5], $0x20, s8, s29, $0xb8;
	[tilespmem:$0x1FA00] =	vst v63  }
0x1c7: {  	_ =	swait.ge [sflag:s26], $0x1000  }
0x1c8: {  	[sflag:s26] =	ssyncset.done $0x0  }
0x1c9: {  	s8 =	sadd.s32 $0x180, s7;
	[sflag:s26] =	ssyncadd.s32 $0xFFFFF000  }
0x1ca: {  	[tilespmem:s9], [sflag:$0x3] =	stream.indirect.gather [hbm4b:s21+s29], $0x20, s8, s29, $0xb8;
	[tilespmem:$0x1FA00] =	vst v63  }
0x1cb: {  	_ =	swait.ge [sflag:s23], $0x1000  }
0x1cc: {  	[sflag:s23] =	ssyncset.done $0x0  }
.Ltmp14:
0x1cd: {  	s8 =	sadd.s32 $0x80, s7;
	[sflag:s23] =	ssyncadd.s32 $0xFFFFF000;
	(pc) =	sbr.rel @p0 .LBB2_31-.Ltmp14, $4  }
0x1ce: {  	[spmem:s2] =	stream.indirect.scatter.add.f32 [tilespmem:s25], [sflag:$0x5], $0x20, s8, s29, $0xb8;
	[tilespmem:$0x1FA00] =	vst v63  }
0x1cf: {  	_ =	swait.ge [sflag:s26], $0x1000  }
0x1d0: {  	[sflag:s26] =	ssyncset.done $0x0  }
0x1d1: {  	s7 =	sadd.s32 $0x1A80, s7;
	[sflag:s26] =	ssyncadd.s32 $0xFFFFF000  }
0x1d2: {  	[tilespmem:s25], [sflag:$0x4] =	stream.indirect.gather [hbm4b:s21+s29], $0x20, s7, s29, $0xb8;
	[tilespmem:$0x1FA00] =	vst v63  }
0x1d3: {  	_ =	swait.ge [sflag:s31], $0x1000  }
0x1d4: {  	[sflag:s31] =	ssyncset.done $0x0  }
0x1d5: {  	s1 =	simm.s32 $0x3100;
	[sflag:s31] =	ssyncadd.s32 $0xFFFFF000  }
0x1d6: {  	[spmem:s2] =	stream.indirect.scatter.add.f32 [tilespmem:s4], [sflag:$0x5], $0x20, s1, s29, $0xb8;
	[tilespmem:$0x1FA00] =	vst v63  }
0x1d7: {  	_ =	swait.ge [sflag:s26], $0x1000  }
0x1d8: {  	[sflag:s26] =	ssyncset.done $0x0  }
0x1d9: {  	[sflag:s26] =	ssyncadd.s32 $0xFFFFF000  }
0x1da: {  	_ =	swait.ge [sflag:s0], $0x1000  }
0x1db: {  	[sflag:s0] =	ssyncset.done $0x0  }
0x1dc: {  	s8 =	simm.s32 $0x1800;
	[sflag:s0] =	ssyncadd.s32 $0xFFFFF000  }
0x1dd: {  	[spmem:s2] =	stream.indirect.scatter.add.f32 [tilespmem:s6], [sflag:$0x5], $0x20, s8, s29, $0xb8;
	[tilespmem:$0x1FA00] =	vst v63  }
0x1de: {  	_ =	swait.ge [sflag:s26], $0x1000  }
0x1df: {  	[sflag:s26] =	ssyncset.done $0x0  }
0x1e0: {  	[sflag:s26] =	ssyncadd.s32 $0xFFFFF000  }
0x1e1: {  	_ =	swait.ge [sflag:s5], $0x1000  }
0x1e2: {  	[sflag:s5] =	ssyncset.done $0x0  }
0x1e3: {  	s7 =	simm.s32 $0x3180;
	[sflag:s5] =	ssyncadd.s32 $0xFFFFF000  }
0x1e4: {  	[spmem:s2] =	stream.indirect.scatter.add.f32 [tilespmem:s9], [sflag:$0x5], $0x20, s7, s29, $0xb8;
	[tilespmem:$0x1FA00] =	vst v63  }
0x1e5: {  	_ =	swait.ge [sflag:s26], $0x1000  }
0x1e6: {  	[sflag:s26] =	ssyncset.done $0x0  }
0x1e7: {  	[sflag:s26] =	ssyncadd.s32 $0xFFFFF000  }
0x1e8: {  	s18 =	sadd.s32 $0x1, s18;
	_ =	swait.ge [sflag:s23], $0x1000  }
0x1e9: {  	p0 =	sne.s32 s18, $0x8;
	[sflag:s23] =	ssyncset.done $0x0  }
.Ltmp15:
0x1ea: {  	s8 =	simm.s32 $0x1880;
	[sflag:s23] =	ssyncadd.s32 $0xFFFFF000;
	(pc) =	sbr.rel @p0 .LBB2_30-.Ltmp15, $4  }
0x1eb: {  	[spmem:s2] =	stream.indirect.scatter.add.f32 [tilespmem:s25], [sflag:$0x5], $0x20, s8, s29, $0xb8;
	[tilespmem:$0x1FA00] =	vst v63  }
0x1ec: {  	_ =	swait.ge [sflag:s26], $0x1000  }
0x1ed: {  	[sflag:s26] =	ssyncset.done $0x0  }
0x1ee: {  	[sflag:s26] =	ssyncadd.s32 $0xFFFFF000  }
0x1ef: {  	[bflag:$0x0] =	sbarrier.arrive $0xFFFF  }
0x1f0: {  	s7 =	simm.s32 $0x0;
	s1 =	simm.s32 $0x80;
	s8 =	simm.s32 $0x0  }
.LBB2_34:
0x1f1: {  	p0 =	sne.s32 s1, $0x3F80;
	[tilespmem:s8+$0x6200] =	vst v0;
	s11 =	smov.u32 s1;
	s1 =	sadd.s32 $0x80, s1  }
.Ltmp16:
0x1f2: {  	[tilespmem:s8+$0x6210] =	vst v0;
	(pc) =	sbr.rel @p0 .LBB2_34-.Ltmp16, $2  }
0x1f3: {  	_ =	sdelay $0x2  }
0x1f4: {  	s8 =	sshra.s32 s11, $0x2  }
0x1f5: {  	[tilespmem:s8+$0x6200] =	vst v0  }
0x1f6: {  	[tilespmem:s8+$0x6210] =	vst v0  }
.LBB2_36:
0x1f7: {  	s1 =	smul.u32 $0x7D, s7;
	_ =	sdelay $0x1  }
0x1f8: {  	s1 =	sadd.s32 s12, s1  }
0x1f9: {  	s8 =	sshll.u32 s1, $0x5  }
0x1fa: {  	s1 =	sadd.s32 s8, s2  }
0x1fb: {  	[tilespmem:s4], [sflag:$0x5] =	stream.linear.gather [spmem:s1], $0xFA0, $0x38;
	[tilespmem:$0x1FA00] =	vst v63  }
0x1fc: {  	s11 =	sadd.s32 s14, s8;
	_ =	swait.ge [sflag:s26], $0xFA0  }
0x1fd: {  	s17 =	sshrl.u32 s11, $0x3;
	[sflag:s26] =	ssyncset.done $0x0  }
0x1fe: {  	s18 =	simm.s32 $0x0;
	s11 =	sadd.s32 s15, s17;
	[sflag:s26] =	ssyncadd.s32 $0xFFFFF060  }
0x1ff: {  	[tilespmem:s6], [sflag:$0x5] =	stream.linear.gather [hbm4b:s11+s18], $0xFA0, $0x38;
	[tilespmem:$0x1FA00] =	vst v63  }
0x200: {  	_ =	swait.ge [sflag:s26], $0xFA0  }
0x201: {  	[sflag:s26] =	ssyncset.done $0x0  }
0x202: {  	s17 =	sadd.s32 s13, s17;
	[sflag:s26] =	ssyncadd.s32 $0xFFFFF060  }
0x203: {  	[tilespmem:s9], [sflag:$0x5] =	stream.linear.gather [hbm4b:s17+s18], $0xFA0, $0x38;
	[tilespmem:$0x1FA00] =	vst v63  }
0x204: {  	_ =	swait.ge [sflag:s26], $0xFA0  }
0x205: {  	[sflag:s26] =	ssyncset.done $0x0  }
0x206: {  	s17 =	simm.s32 $0x0;
	[sflag:s26] =	ssyncadd.s32 $0xFFFFF060  }
0x207: {  	v3 =	vld [tilespmem:s17+$0x5200]  }
0x208: {  	v2 =	vld [tilespmem:s17+$0x5210]  }
0x209: {  	v5 =	vld [tilespmem:s17+$0x3200]  }
0x20a: {  	v6 =	vld [tilespmem:s17+$0x4200]  }
0x20b: {  	s18 =	simm.s32 $0x80;
	v4 =	vld [tilespmem:s17+$0x3210]  }
.LBB2_37:
0x20c: {  	p0 =	sne.s32 s18, $0x3E00;
	v7 =	vld [tilespmem:s17+$0x4210];
	_ =	sdelay $0x1  }
0x20d: {  	s30 =	sshra.s32 s18, $0x2;
	v8 =	vmul.f32 v3, v5  }
.Ltmp17:
0x20e: {  	v3 =	vld [tilespmem:s30+$0x5200];
	v6 =	vadd.f32 v6, v5;
	(pc) =	sbr.rel @p0 .LBB2_37-.Ltmp17, $4  }
0x20f: {  	[tilespmem:s17+$0x3200] =	vst v8;
	v8 =	vmul.f32 v2, v4;
	v2 =	vld [tilespmem:s30+$0x5210]  }
0x210: {  	v5 =	vld [tilespmem:s30+$0x3200];
	[tilespmem:s17+$0x4200] =	vst v6;
	v7 =	vadd.f32 v7, v4  }
0x211: {  	v6 =	vld [tilespmem:s30+$0x4200];
	[tilespmem:s17+$0x3210] =	vst v8  }
0x212: {  	s18 =	sadd.s32 $0x80, s18;
	v4 =	vld [tilespmem:s30+$0x3210];
	[tilespmem:s17+$0x4210] =	vst v7;
	s17 =	smov.u32 s30  }
0x213: {  	v7 =	vld [tilespmem:s17+$0x4210];
	_ =	sdelay $0x1  }
0x214: {  	v3 =	vmul.f32 v3, v5  }
0x215: {  	v63 =	vadd.f32 v6, v5  }
0x216: {  	[tilespmem:s17+$0x3200] =	vst v3;
	v2 =	vmul.f32 v2, v4  }
0x217: {  	[tilespmem:s17+$0x4200] =	vst v63;
	v3 =	vadd.f32 v7, v4  }
0x218: {  	[tilespmem:s17+$0x3210] =	vst v2  }
0x219: {  	[tilespmem:s17+$0x4210] =	vst v3  }
0x21a: {  	[hbm4b:s11+s3] =	stream.linear.scatter [tilespmem:s6], [sflag:$0x5], $0xFA0, $0x38;
	[tilespmem:$0x1FA00] =	vst v63  }
0x21b: {  	s8 =	sadd.s32 s19, s8;
	_ =	swait.ge [sflag:s26], $0xFA0  }
0x21c: {  	s8 =	sshrl.u32 s8, $0x3;
	[sflag:s26] =	ssyncset.done $0x0;
	s30 =	rddreg [dreg:$0x8]  }
0x21d: {  	[sflag:s26] =	ssyncadd.s32 $0xFFFFF060;
	s8 =	sadd.s32 s30, s8  }
0x21e: {  	[hbm4b:s8+s3] =	stream.linear.scatter [tilespmem:s4], [sflag:$0x5], $0xFA0, $0x38;
	[tilespmem:$0x1FA00] =	vst v63  }
0x21f: {  	s7 =	sadd.s32 $0x1, s7;
	_ =	swait.ge [sflag:s26], $0xFA0  }
0x220: {  	p0 =	sne.s32 s7, $0x19;
	[sflag:s26] =	ssyncset.done $0x0  }
.Ltmp18:
0x221: {  	[sflag:s26] =	ssyncadd.s32 $0xFFFFF060;
	(pc) =	sbr.rel @p0 .LBB2_36-.Ltmp18, $4  }
0x222: {  	[spmem:s1] =	stream.linear.scatter [tilespmem:s25], [sflag:$0x5], $0xFA0, $0x38;
	[tilespmem:$0x1FA00] =	vst v63  }
0x223: {  	_ =	swait.ge [sflag:s26], $0xFA0  }
0x224: {  	[sflag:s26] =	ssyncset.done $0x0  }
0x225: {  	[sflag:s26] =	ssyncadd.s32 $0xFFFFF060  }
0x226: {  	[bflag:$0x0] =	sbarrier.arrive $0xFFFF;
	s17 =	simm.s32 $0x0  }
0x227: {  	s18 =	simm.s32 $0x0;
	s11 =	simm.s32 $0x1980;
	s30 =	rddreg [dreg:$0x0]  }
.LBB2_40:
0x228: {  	s1 =	smul.u32 $0x32, s18;
	_ =	sdelay $0x1  }
0x229: {  	s1 =	sadd.s32 s10, s1  }
0x22a: {  	s1 =	sshll.u32 s1, $0x4  }
0x22b: {  	s7 =	sadd.s32 s30, s1  }
0x22c: {  	[tilespmem:s17], [sflag:$0x5] =	stream.linear.gather [hbm4b:s7+s17], $0x1900, $0x38;
	[tilespmem:$0x1FA00] =	vst v63  }
0x22d: {  	_ =	swait.ge [sflag:s26], $0x1900  }
0x22e: {  	[sflag:s26] =	ssyncset.done $0x0  }
0x22f: {  	s1 =	sadd.s32 s1, s16;
	[sflag:s26] =	ssyncadd.s32 $0xFFFFE700  }
0x230: {  	[tilespmem:s28], [sflag:$0x5] =	stream.linear.gather [hbm4b:s1+s17], $0x1900, $0x38;
	[tilespmem:$0x1FA00] =	vst v63  }
0x231: {  	_ =	swait.ge [sflag:s26], $0x1900  }
0x232: {  	[sflag:s26] =	ssyncset.done $0x0  }
0x233: {  	[sflag:s26] =	ssyncadd.s32 $0xFFFFE700  }
0x234: {  	[tilespmem:s4], [sflag:$0x1] =	stream.indirect.gather [hbm4b:s22+s29], $0x20, s17, s29, $0xb8;
	[tilespmem:$0x1FA00] =	vst v63  }
0x235: {  	_ = 	snop  }
0x236: {  	[tilespmem:s6], [sflag:$0x2] =	stream.indirect.gather [hbm4b:s22+s29], $0x20, s28, s29, $0xb8;
	[tilespmem:$0x1FA00] =	vst v63  }
0x237: {  	_ = 	snop  }
0x238: {  	[tilespmem:s9], [sflag:$0x3] =	stream.indirect.gather [hbm4b:s22+s29], $0x20, s29, s29, $0xb8;
	[tilespmem:$0x1FA00] =	vst v63  }
0x239: {  	_ = 	snop  }
0x23a: {  	[tilespmem:s25], [sflag:$0x4] =	stream.indirect.gather [hbm4b:s22+s29], $0x20, s11, s29, $0xb8;
	[tilespmem:$0x1FA00] =	vst v63  }
0x23b: {  	_ =	swait.ge [sflag:s31], $0x1000  }
0x23c: {  	[sflag:s31] =	ssyncset.done $0x0  }
0x23d: {  	s13 =	simm.s32 $0x1900;
	[sflag:s31] =	ssyncadd.s32 $0xFFFFF000  }
0x23e: {  	[spmem:s2] =	stream.indirect.scatter.add.f32 [tilespmem:s4], [sflag:$0x5], $0x20, s13, s29, $0xb8;
	[tilespmem:$0x1FA00] =	vst v63  }
0x23f: {  	_ =	swait.ge [sflag:s26], $0x1000  }
0x240: {  	[sflag:s26] =	ssyncset.done $0x0  }
0x241: {  	s7 =	simm.s32 $0x100;
	[sflag:s26] =	ssyncadd.s32 $0xFFFFF000  }
0x242: {  	[tilespmem:s4], [sflag:$0x1] =	stream.indirect.gather [hbm4b:s22+s29], $0x20, s7, s29, $0xb8;
	[tilespmem:$0x1FA00] =	vst v63  }
0x243: {  	_ =	swait.ge [sflag:s0], $0x1000  }
0x244: {  	[sflag:s0] =	ssyncset.done $0x0  }
0x245: {  	s8 =	simm.s32 $0x0;
	[sflag:s0] =	ssyncadd.s32 $0xFFFFF000  }
0x246: {  	[spmem:s2] =	stream.indirect.scatter.add.f32 [tilespmem:s6], [sflag:$0x5], $0x20, s8, s29, $0xb8;
	[tilespmem:$0x1FA00] =	vst v63  }
0x247: {  	_ =	swait.ge [sflag:s26], $0x1000  }
0x248: {  	[sflag:s26] =	ssyncset.done $0x0  }
0x249: {  	s13 =	simm.s32 $0x1A00;
	[sflag:s26] =	ssyncadd.s32 $0xFFFFF000  }
0x24a: {  	[tilespmem:s6], [sflag:$0x2] =	stream.indirect.gather [hbm4b:s22+s29], $0x20, s13, s29, $0xb8;
	[tilespmem:$0x1FA00] =	vst v63  }
0x24b: {  	_ =	swait.ge [sflag:s5], $0x1000  }
0x24c: {  	[sflag:s5] =	ssyncset.done $0x0  }
0x24d: {  	s7 =	simm.s32 $0x1980;
	[sflag:s5] =	ssyncadd.s32 $0xFFFFF000  }
0x24e: {  	[spmem:s2] =	stream.indirect.scatter.add.f32 [tilespmem:s9], [sflag:$0x5], $0x20, s7, s29, $0xb8;
	[tilespmem:$0x1FA00] =	vst v63  }
0x24f: {  	_ =	swait.ge [sflag:s26], $0x1000  }
0x250: {  	[sflag:s26] =	ssyncset.done $0x0  }
0x251: {  	s8 =	simm.s32 $0x180;
	[sflag:s26] =	ssyncadd.s32 $0xFFFFF000  }
0x252: {  	[tilespmem:s9], [sflag:$0x3] =	stream.indirect.gather [hbm4b:s22+s29], $0x20, s8, s29, $0xb8;
	[tilespmem:$0x1FA00] =	vst v63  }
0x253: {  	_ =	swait.ge [sflag:s23], $0x1000  }
0x254: {  	[sflag:s23] =	ssyncset.done $0x0  }
0x255: {  	s13 =	simm.s32 $0x80;
	[sflag:s23] =	ssyncadd.s32 $0xFFFFF000  }
0x256: {  	[spmem:s2] =	stream.indirect.scatter.add.f32 [tilespmem:s25], [sflag:$0x5], $0x20, s13, s29, $0xb8;
	[tilespmem:$0x1FA00] =	vst v63  }
0x257: {  	_ =	swait.ge [sflag:s26], $0x1000  }
0x258: {  	[sflag:s26] =	ssyncset.done $0x0  }
0x259: {  	s1 =	simm.s32 $0x400;
	s7 =	simm.s32 $0x1A80;
	[sflag:s26] =	ssyncadd.s32 $0xFFFFF000  }
.LBB2_41:
0x25a: {  	[tilespmem:s25], [sflag:$0x4] =	stream.indirect.gather [hbm4b:s22+s29], $0x20, s7, s29, $0xb8;
	[tilespmem:$0x1FA00] =	vst v63  }
0x25b: {  	s7 =	smov.u32 s1  }
0x25c: {  	p0 =	sne.s32 s1, $0x5C00;
	s1 =	sadd.s32 $0x400, s1;
	_ =	swait.ge [sflag:s31], $0x1000  }
0x25d: {  	s7 =	sshra.s32 s7, $0x2;
	[sflag:s31] =	ssyncset.done $0x0  }
0x25e: {  	s8 =	sadd.s32 $0x1900, s7;
	[sflag:s31] =	ssyncadd.s32 $0xFFFFF000  }
0x25f: {  	[spmem:s2] =	stream.indirect.scatter.add.f32 [tilespmem:s4], [sflag:$0x5], $0x20, s8, s29, $0xb8;
	[tilespmem:$0x1FA00] =	vst v63  }
0x260: {  	_ =	swait.ge [sflag:s26], $0x1000  }
0x261: {  	[sflag:s26] =	ssyncset.done $0x0  }
0x262: {  	s8 =	sadd.s32 $0x100, s7;
	[sflag:s26] =	ssyncadd.s32 $0xFFFFF000  }
0x263: {  	[tilespmem:s4], [sflag:$0x1] =	stream.indirect.gather [hbm4b:s22+s29], $0x20, s8, s29, $0xb8;
	[tilespmem:$0x1FA00] =	vst v63  }
0x264: {  	_ =	swait.ge [sflag:s0], $0x1000  }
0x265: {  	[sflag:s0] =	ssyncset.done $0x0  }
0x266: {  	[sflag:s0] =	ssyncadd.s32 $0xFFFFF000  }
0x267: {  	[spmem:s2] =	stream.indirect.scatter.add.f32 [tilespmem:s6], [sflag:$0x5], $0x20, s7, s29, $0xb8;
	[tilespmem:$0x1FA00] =	vst v63  }
0x268: {  	_ =	swait.ge [sflag:s26], $0x1000  }
0x269: {  	[sflag:s26] =	ssyncset.done $0x0  }
0x26a: {  	s8 =	sadd.s32 $0x1A00, s7;
	[sflag:s26] =	ssyncadd.s32 $0xFFFFF000  }
0x26b: {  	[tilespmem:s6], [sflag:$0x2] =	stream.indirect.gather [hbm4b:s22+s29], $0x20, s8, s29, $0xb8;
	[tilespmem:$0x1FA00] =	vst v63  }
0x26c: {  	_ =	swait.ge [sflag:s5], $0x1000  }
0x26d: {  	[sflag:s5] =	ssyncset.done $0x0  }
0x26e: {  	s8 =	sadd.s32 $0x1980, s7;
	[sflag:s5] =	ssyncadd.s32 $0xFFFFF000  }
0x26f: {  	[spmem:s2] =	stream.indirect.scatter.add.f32 [tilespmem:s9], [sflag:$0x5], $0x20, s8, s29, $0xb8;
	[tilespmem:$0x1FA00] =	vst v63  }
0x270: {  	_ =	swait.ge [sflag:s26], $0x1000  }
0x271: {  	[sflag:s26] =	ssyncset.done $0x0  }
0x272: {  	s8 =	sadd.s32 $0x180, s7;
	[sflag:s26] =	ssyncadd.s32 $0xFFFFF000  }
0x273: {  	[tilespmem:s9], [sflag:$0x3] =	stream.indirect.gather [hbm4b:s22+s29], $0x20, s8, s29, $0xb8;
	[tilespmem:$0x1FA00] =	vst v63  }
0x274: {  	_ =	swait.ge [sflag:s23], $0x1000  }
0x275: {  	[sflag:s23] =	ssyncset.done $0x0  }
.Ltmp19:
0x276: {  	s8 =	sadd.s32 $0x80, s7;
	[sflag:s23] =	ssyncadd.s32 $0xFFFFF000;
	(pc) =	sbr.rel @p0 .LBB2_41-.Ltmp19, $4  }
0x277: {  	[spmem:s2] =	stream.indirect.scatter.add.f32 [tilespmem:s25], [sflag:$0x5], $0x20, s8, s29, $0xb8;
	[tilespmem:$0x1FA00] =	vst v63  }
0x278: {  	_ =	swait.ge [sflag:s26], $0x1000  }
0x279: {  	[sflag:s26] =	ssyncset.done $0x0  }
0x27a: {  	s7 =	sadd.s32 $0x1A80, s7;
	[sflag:s26] =	ssyncadd.s32 $0xFFFFF000  }
0x27b: {  	[tilespmem:s25], [sflag:$0x4] =	stream.indirect.gather [hbm4b:s22+s29], $0x20, s7, s29, $0xb8;
	[tilespmem:$0x1FA00] =	vst v63  }
0x27c: {  	_ =	swait.ge [sflag:s31], $0x1000  }
0x27d: {  	[sflag:s31] =	ssyncset.done $0x0  }
0x27e: {  	s1 =	simm.s32 $0x3100;
	[sflag:s31] =	ssyncadd.s32 $0xFFFFF000  }
0x27f: {  	[spmem:s2] =	stream.indirect.scatter.add.f32 [tilespmem:s4], [sflag:$0x5], $0x20, s1, s29, $0xb8;
	[tilespmem:$0x1FA00] =	vst v63  }
0x280: {  	_ =	swait.ge [sflag:s26], $0x1000  }
0x281: {  	[sflag:s26] =	ssyncset.done $0x0  }
0x282: {  	[sflag:s26] =	ssyncadd.s32 $0xFFFFF000  }
0x283: {  	_ =	swait.ge [sflag:s0], $0x1000  }
0x284: {  	[sflag:s0] =	ssyncset.done $0x0  }
0x285: {  	s7 =	simm.s32 $0x1800;
	[sflag:s0] =	ssyncadd.s32 $0xFFFFF000  }
0x286: {  	[spmem:s2] =	stream.indirect.scatter.add.f32 [tilespmem:s6], [sflag:$0x5], $0x20, s7, s29, $0xb8;
	[tilespmem:$0x1FA00] =	vst v63  }
0x287: {  	_ =	swait.ge [sflag:s26], $0x1000  }
0x288: {  	[sflag:s26] =	ssyncset.done $0x0  }
0x289: {  	[sflag:s26] =	ssyncadd.s32 $0xFFFFF000  }
0x28a: {  	_ =	swait.ge [sflag:s5], $0x1000  }
0x28b: {  	[sflag:s5] =	ssyncset.done $0x0  }
0x28c: {  	s8 =	simm.s32 $0x3180;
	[sflag:s5] =	ssyncadd.s32 $0xFFFFF000  }
0x28d: {  	[spmem:s2] =	stream.indirect.scatter.add.f32 [tilespmem:s9], [sflag:$0x5], $0x20, s8, s29, $0xb8;
	[tilespmem:$0x1FA00] =	vst v63  }
0x28e: {  	_ =	swait.ge [sflag:s26], $0x1000  }
0x28f: {  	[sflag:s26] =	ssyncset.done $0x0  }
0x290: {  	[sflag:s26] =	ssyncadd.s32 $0xFFFFF000  }
0x291: {  	s18 =	sadd.s32 $0x1, s18;
	_ =	swait.ge [sflag:s23], $0x1000  }
0x292: {  	p0 =	sne.s32 s18, $0x8;
	[sflag:s23] =	ssyncset.done $0x0  }
.Ltmp20:
0x293: {  	s13 =	simm.s32 $0x1880;
	[sflag:s23] =	ssyncadd.s32 $0xFFFFF000;
	(pc) =	sbr.rel @p0 .LBB2_40-.Ltmp20, $4  }
0x294: {  	[spmem:s2] =	stream.indirect.scatter.add.f32 [tilespmem:s25], [sflag:$0x5], $0x20, s13, s29, $0xb8;
	[tilespmem:$0x1FA00] =	vst v63  }
0x295: {  	_ =	swait.ge [sflag:s26], $0x1000  }
0x296: {  	[sflag:s26] =	ssyncset.done $0x0  }
0x297: {  	[sflag:s26] =	ssyncadd.s32 $0xFFFFF000  }
0x298: {  	[bflag:$0x0] =	sbarrier.arrive $0xFFFF;
	s1 =	simm.s32 $0x0  }
0x299: {  	s7 =	simm.s32 $0x0;
	s18 =	simm.s32 $0x20;
	s13 =	simm.s32 $0x40  }
.LBB2_44:
0x29a: {  	s8 =	smul.u32 $0x7D, s7;
	_ =	sdelay $0x1  }
0x29b: {  	s8 =	sadd.s32 s12, s8  }
0x29c: {  	s11 =	sshll.u32 s8, $0x5  }
0x29d: {  	s17 =	sadd.s32 s11, s2  }
0x29e: {  	[tilespmem:s4], [sflag:$0x5] =	stream.linear.gather [spmem:s17], $0xFA0, $0x38;
	[tilespmem:$0x1FA00] =	vst v63  }
0x29f: {  	s11 =	sadd.s32 s14, s11;
	_ =	swait.ge [sflag:s26], $0xFA0  }
0x2a0: {  	s11 =	sshrl.u32 s11, $0x3;
	[sflag:s26] =	ssyncset.done $0x0  }
0x2a1: {  	s17 =	sadd.s32 s15, s11;
	[sflag:s26] =	ssyncadd.s32 $0xFFFFF060  }
0x2a2: {  	[tilespmem:s6], [sflag:$0x5] =	stream.linear.gather [hbm4b:s17+s1], $0xFA0, $0x38;
	[tilespmem:$0x1FA00] =	vst v63  }
0x2a3: {  	_ =	swait.ge [sflag:s26], $0xFA0  }
0x2a4: {  	[sflag:s26] =	ssyncset.done $0x0;
	s17 =	rddreg [dreg:$0x9]  }
0x2a5: {  	[sflag:s26] =	ssyncadd.s32 $0xFFFFF060;
	s11 =	sadd.s32 s17, s11  }
0x2a6: {  	[tilespmem:s9], [sflag:$0x5] =	stream.linear.gather [hbm4b:s11+s1], $0xFA0, $0x38;
	[tilespmem:$0x1FA00] =	vst v63  }
0x2a7: {  	_ =	swait.ge [sflag:s26], $0xFA0  }
0x2a8: {  	s8 =	sshll.u32 s8, $0x3;
	s17 =	rddreg [dreg:$0xa]  }
0x2a9: {  	[sflag:s26] =	ssyncset.done $0x0;
	s8 =	sor.u32 s17, s8;
	s17 =	rddreg [dreg:$0x4]  }
0x2aa: {  	[sflag:s26] =	ssyncadd.s32 $0xFFFFF060;
	s11 =	sadd.s32 s17, s8  }
0x2ab: {  	[tilespmem:s25], [sflag:$0x5] =	stream.strided.gather [hbm4b:s11+s18], $0xFA0, s13, s18, $0x38;
	[tilespmem:$0x1FA00] =	vst v63  }
0x2ac: {  	_ =	swait.ge [sflag:s26], $0xFA0  }
0x2ad: {  	[sflag:s26] =	ssyncset.done $0x0  }
0x2ae: {  	s11 =	simm.s32 $0x0;
	[sflag:s26] =	ssyncadd.s32 $0xFFFFF060  }
0x2af: {  	v3 =	vld [tilespmem:s11+$0x3200]  }
0x2b0: {  	v2 =	vld [tilespmem:s11+$0x3210]  }
0x2b1: {  	s17 =	simm.s32 $0x80;
	v4 =	vld [tilespmem:s11+$0x4200]  }
.LBB2_45:
0x2b2: {  	p0 =	sne.s32 s17, $0x3E00;
	v5 =	vld [tilespmem:s11+$0x4210]  }
0x2b3: {  	v6 =	vld [tilespmem:s11+$0x5200]  }
0x2b4: {  	v7 =	vld [tilespmem:s11+$0x5210]  }
0x2b5: {  	v8 =	vld [tilespmem:s11+$0x6200]  }
0x2b6: {  	v3 =	vadd.f32 v3, v4;
	v4 =	vld [tilespmem:s11+$0x6210]  }
0x2b7: {  	v2 =	vadd.f32 v2, v5  }
0x2b8: {  	v3 =	vmul.f32 v6, v3  }
0x2b9: {  	v2 =	vmul.f32 v7, v2  }
0x2ba: {  	v3 =	vadd.f32 v3, v8  }
.Ltmp21:
0x2bb: {  	v2 =	vadd.f32 v2, v4;
	(pc) =	sbr.rel @p0 .LBB2_45-.Ltmp21, $4  }
0x2bc: {  	s18 =	sshra.s32 s17, $0x2;
	v4 =	vmul.f32 $2.500000000e-01, v3  }
0x2bd: {  	v3 =	vld [tilespmem:s18+$0x3200];
	v5 =	vmul.f32 $2.500000000e-01, v2  }
0x2be: {  	v2 =	vld [tilespmem:s18+$0x3210];
	[tilespmem:s11+$0x4200] =	vst v4  }
0x2bf: {  	s17 =	sadd.s32 $0x80, s17;
	v4 =	vld [tilespmem:s18+$0x4200];
	[tilespmem:s11+$0x4210] =	vst v5;
	s11 =	smov.u32 s18  }
0x2c0: {  	v5 =	vld [tilespmem:s11+$0x4210]  }
0x2c1: {  	v6 =	vld [tilespmem:s11+$0x5200]  }
0x2c2: {  	v7 =	vld [tilespmem:s11+$0x5210]  }
0x2c3: {  	v8 =	vld [tilespmem:s11+$0x6200]  }
0x2c4: {  	v63 =	vld [tilespmem:s11+$0x6210];
	v3 =	vadd.f32 v3, v4  }
0x2c5: {  	v2 =	vadd.f32 v2, v5  }
0x2c6: {  	v3 =	vmul.f32 v6, v3  }
0x2c7: {  	v2 =	vmul.f32 v7, v2  }
0x2c8: {  	v3 =	vadd.f32 v3, v8  }
0x2c9: {  	v2 =	vadd.f32 v2, v63  }
0x2ca: {  	v3 =	vmul.f32 $2.500000000e-01, v3  }
0x2cb: {  	s7 =	sadd.s32 $0x1, s7;
	v2 =	vmul.f32 $2.500000000e-01, v2  }
0x2cc: {  	s18 =	rddreg [dreg:$0x5];
	s13 =	simm.s32 $0x40;
	p0 =	sne.s32 s7, $0x19;
	[tilespmem:s11+$0x4200] =	vst v3  }
.Ltmp22:
0x2cd: {  	s8 =	sadd.s32 s18, s8;
	s18 =	simm.s32 $0x20;
	[tilespmem:s11+$0x4210] =	vst v2;
	(pc) =	sbr.rel @p0 .LBB2_44-.Ltmp22, $4  }
0x2ce: {  	[hbm4b:s8+s18] =	stream.strided.scatter [tilespmem:s6], [sflag:$0x5], $0xFA0, s13, s18, $0x38;
	[tilespmem:$0x1FA00] =	vst v63  }
0x2cf: {  	_ =	swait.ge [sflag:s26], $0xFA0  }
0x2d0: {  	[sflag:s26] =	ssyncset.done $0x0  }
0x2d1: {  	[sflag:s26] =	ssyncadd.s32 $0xFFFFF060  }
0x2d2: {  	s7 =	rddreg [dreg:$0xe]  }
0x2d3: {  	s1 =	rddreg [dreg:$0xc];
	s7 =	sadd.s32 $0x1, s7  }
0x2d4: {  	p0 =	sne.s32 s7, s1  }
.Ltmp23:
0x2d5: {  	_ = 	snop;
	(pc) =	sbr.rel @p0 .LBB2_1-.Ltmp23, $2  }
0x2d6: {  	_ =	sdelay $0x2  }
0x2d7: {  	s13 =	rddreg [dreg:$0xd]  }
0x2d8: {  	_ =	sfence.sel $0x180000  }
0x2d9: {  	[bflag:$0x0] =	sbarrier.arrive $0xFFFF  }
0x2da: {  	_ =	strace $0x90000047  }
0x2db: {  	s0 =	stileid.u32;
	[bflag:$0x2] =	sbarrier.arrive $0xFFFF  }
0x2dc: {  	p0 =	sne.s32 s0, $0x0;
	s0 =	rddreg [dreg:$0x3]  }
0x2dd: {  	s0 =	sadd.s32 @!p0 $0x100000, s0  }
0x2de: {  	[sflag:s0] =	ssyncadd.tile.s32 @!p0 $0x1;
	_ =	shalt  }
.Lfunc_end2:
_tile_overlayer_lowered:
.L_overlay_start_2:
0x2df: {  	(tag) =	ssettag $0x2  }
0x2e0: {  	s0 =	rddreg [dreg:$0x0];
	s2 =	stileid.u32  }
0x2e1: {  	s1 =	rddreg [dreg:$0x1];
	p0 =	sne.s32 s2, $0x0  }
0x2e2: {  	s3 =	rddreg [dreg:$0x2];
	[bflag:$0x3] =	sbarrier.arrive $0xFFFF;
	s2 =	simm.s32 @!p0 $0x1C05  }
0x2e3: {  	[timem:s3], [sflag:s2] =	dma.local @!p0 [hbm:s0], s1  }
0x2e4: {  	s0 =	simm.s32 @!p0 $0x5  }
0x2e5: {  	_ =	swait.ge @!p0 [sflag:s0], s1  }
0x2e6: {  	s1 =	ssub.s32 @!p0 $0x0, s1;
	[sflag:s0] =	ssyncset.done @!p0 $0x0  }
0x2e7: {  	[sflag:s0] =	ssyncadd.s32 @!p0 s1  }
0x2e8: {  	[bflag:$0x3] =	sbarrier.arrive $0xFFFF  }
0x2e9: {  	_ =	shalt  }

</sc_bundles>
